<compile_context>
chip_gen: v7x
topology: tpu7x:2x2x1
jax: 0.10.2.dev20260603
libtpu: 0.0.44.dev20260713+nightly
codegen_flags: <defaults>
</compile_context>

<pallas_src>
import functools

import jax
import jax.numpy as jnp
from jax import lax
from jax.experimental import pallas as pl
from jax.experimental.pallas import tpu as pltpu
from jax.experimental.pallas import tpu_sc as plsc

N = 10000
D = 128
H = 64
B = 1024

NC = 2
NS = 16
NW = NC * NS
LANE = 128

NACC1 = 10240
RPT1 = NACC1 // NS
NACC2 = 10240
OUT_RPT = NACC2 // NS

_mesh = plsc.VectorSubcoreMesh(core_axis_name="c", subcore_axis_name="s")
_SC_PARAMS = pltpu.CompilerParams(use_tc_tiling_on_sc=False)


def _worker_counts(num_rows):
  rpw = (num_rows + NW - 1) // NW
  return (rpw + 7) // 8 * 8


def _make_deg(rpad, rreal, rpw):
  @functools.partial(
      pl.kernel,
      mesh=_mesh,
      compiler_params=_SC_PARAMS,
      out_type=jax.ShapeDtypeStruct((NC, 2, NACC1), jnp.float32),
      scratch_types=[
          pltpu.VMEM_SHARED((NACC1,), jnp.float32),
          pltpu.VMEM_SHARED((NACC1,), jnp.float32),
          pltpu.VMEM((LANE,), jnp.float32),
          pltpu.VMEM((LANE,), jnp.float32),
          pltpu.VMEM((rpw, LANE), jnp.int32),
          pltpu.VMEM((rpw, LANE), jnp.int32),
          pltpu.SemaphoreType.DMA,
      ],
  )
  def deg_kernel(srcr, dstr, out, acc_o, acc_i, zbuf1, ones_v, src_v, dst_v,
                 sem):
    c = lax.axis_index("c")
    s = lax.axis_index("s")
    w = s * NC + c
    def zfill(i, carry):
      zbuf1[pl.ds(i * 16, 16)] = jnp.zeros((16,), jnp.float32)
      return carry

    lax.fori_loop(0, 8, zfill, 0)

    def zcopy(m, carry):
      pltpu.sync_copy(zbuf1, acc_o.at[pl.ds(s * RPT1 + m * 128, 128)])
      pltpu.sync_copy(zbuf1, acc_i.at[pl.ds(s * RPT1 + m * 128, 128)])
      return carry

    lax.fori_loop(0, RPT1 // 128, zcopy, 0)

    def fill(i, carry):
      ones_v[pl.ds(i * 16, 16)] = jnp.full((16,), 1.0, jnp.float32)
      return carry

    lax.fori_loop(0, LANE // 16, fill, 0)
    pltpu.sync_copy(srcr.at[pl.ds(w * rpw, rpw)], src_v)
    pltpu.sync_copy(dstr.at[pl.ds(w * rpw, rpw)], dst_v)
    plsc.subcore_barrier()

    cnt = jnp.minimum(rpw, jnp.maximum(0, rreal - w * rpw))

    K = 8

    def step(j, carry):
      pltpu.async_copy(ones_v, acc_o.at[src_v.at[j]], sem, add=True)
      pltpu.async_copy(ones_v, acc_i.at[dst_v.at[j]], sem, add=True)

      @pl.when(j >= K)
      def _():
        pltpu.make_async_copy(ones_v, acc_o.at[src_v.at[j - K]], sem).wait()
        pltpu.make_async_copy(ones_v, acc_i.at[dst_v.at[j - K]], sem).wait()

      return carry

    lax.fori_loop(0, cnt, step, 0)

    def tail(j, carry):
      pltpu.make_async_copy(ones_v, acc_o.at[src_v.at[j]], sem).wait()
      pltpu.make_async_copy(ones_v, acc_i.at[dst_v.at[j]], sem).wait()
      return carry

    lax.fori_loop(jnp.maximum(0, cnt - K), cnt, tail, 0)
    plsc.subcore_barrier()
    pltpu.sync_copy(acc_o.at[pl.ds(s * RPT1, RPT1)],
                    out.at[c, 0, pl.ds(s * RPT1, RPT1)])
    pltpu.sync_copy(acc_i.at[pl.ds(s * RPT1, RPT1)],
                    out.at[c, 1, pl.ds(s * RPT1, RPT1)])

  return deg_kernel


def _make_seg(rpad, rreal, rpw):
  @functools.partial(
      pl.kernel,
      mesh=_mesh,
      compiler_params=_SC_PARAMS,
      out_type=(jax.ShapeDtypeStruct((NACC2, H), jnp.float32),
                jax.ShapeDtypeStruct((NACC2, H), jnp.float32)),
      scratch_types=[
          pltpu.VMEM_SHARED((NACC2, H), jnp.float32),
          pltpu.VMEM((64, H), jnp.float32),
          pltpu.VMEM((LANE, H), jnp.float32),
          pltpu.VMEM((LANE, H), jnp.float32),
          pltpu.VMEM((LANE, H), jnp.float32),
          pltpu.VMEM((LANE, H), jnp.float32),
          pltpu.VMEM((rpw, LANE), jnp.int32),
          pltpu.VMEM((rpw, LANE), jnp.int32),
          pltpu.SemaphoreType.DMA,
          pltpu.SemaphoreType.DMA,
          pltpu.SemaphoreType.DMA,
          pltpu.SemaphoreType.DMA,
          pltpu.SemaphoreType.DMA,
          pltpu.SemaphoreType.DMA,
          pltpu.SemaphoreType.DMA,
          pltpu.SemaphoreType.DMA,
      ],
  )
  def seg_kernel(t, srcr, dstr, out0, out1, acc, zbuf, rows_0, rows_1,
                 rows_2, rows_3, src_v, dst_v, g0, g1, g2, g3, s0, s1, s2,
                 s3):
    c = lax.axis_index("c")
    s = lax.axis_index("s")
    w = s * NC + c
    def zfill(i, carry):
      for kk in range(4):
        zbuf[i, pl.ds(kk * 16, 16)] = jnp.zeros((16,), jnp.float32)
      return carry

    lax.fori_loop(0, 64, zfill, 0)

    def zcopy(m, carry):
      pltpu.sync_copy(zbuf, acc.at[pl.ds(s * OUT_RPT + m * 64, 64)])
      return carry

    lax.fori_loop(0, OUT_RPT // 64, zcopy, 0)
    pltpu.sync_copy(srcr.at[pl.ds(w * rpw, rpw)], src_v)
    pltpu.sync_copy(dstr.at[pl.ds(w * rpw, rpw)], dst_v)
    plsc.subcore_barrier()

    cnt = jnp.minimum(rpw, jnp.maximum(0, rreal - w * rpw))
    bufs = ((rows_0, g0, s0), (rows_1, g1, s1),
            (rows_2, g2, s2), (rows_3, g3, s3))

    for k, (buf, gsem, _) in enumerate(bufs):
      @pl.when(k < cnt)
      def _(k=k, buf=buf, gsem=gsem):
        pltpu.async_copy(t.at[src_v.at[k]], buf, gsem)

    def quad(i, carry):
      j = 4 * i
      for k, (buf, gsem, ssem) in enumerate(bufs):
        pltpu.make_async_copy(t.at[src_v.at[j + k]], buf, gsem).wait()
        pltpu.async_copy(buf, acc.at[dst_v.at[j + k]], ssem, add=True)
      for k, (buf, gsem, ssem) in enumerate(bufs):
        pltpu.make_async_copy(buf, acc.at[dst_v.at[j + k]], ssem).wait()

        @pl.when(j + 4 + k < cnt)
        def _(k=k, buf=buf, gsem=gsem, j=j):
          pltpu.async_copy(t.at[src_v.at[j + 4 + k]], buf, gsem)

      return carry

    lax.fori_loop(0, cnt // 4, quad, 0)
    plsc.subcore_barrier()

    @pl.when(c == 0)
    def _():
      pltpu.sync_copy(acc.at[pl.ds(s * OUT_RPT, OUT_RPT)],
                      out0.at[pl.ds(s * OUT_RPT, OUT_RPT)])

    @pl.when(c == 1)
    def _():
      pltpu.sync_copy(acc.at[pl.ds(s * OUT_RPT, OUT_RPT)],
                      out1.at[pl.ds(s * OUT_RPT, OUT_RPT)])

  return seg_kernel



def _make_seg_gather(rpad, rreal, rpw):
  @functools.partial(
      pl.kernel,
      mesh=_mesh,
      compiler_params=_SC_PARAMS,
      out_type=(jax.ShapeDtypeStruct((2 * B, H), jnp.float32),
                jax.ShapeDtypeStruct((2 * B, H), jnp.float32),
                jax.ShapeDtypeStruct((2 * B, 16), jnp.float32)),
      scratch_types=[
          pltpu.VMEM_SHARED((NACC2, H), jnp.float32),
          pltpu.VMEM((64, H), jnp.float32),
          pltpu.VMEM((LANE, H), jnp.float32),
          pltpu.VMEM((LANE, H), jnp.float32),
          pltpu.VMEM((LANE, H), jnp.float32),
          pltpu.VMEM((LANE, H), jnp.float32),
          pltpu.VMEM((LANE, 16), jnp.float32),
          pltpu.VMEM((1, LANE), jnp.int32),
          pltpu.VMEM((rpw, LANE), jnp.int32),
          pltpu.VMEM((rpw, LANE), jnp.int32),
          pltpu.SemaphoreType.DMA,
          pltpu.SemaphoreType.DMA,
          pltpu.SemaphoreType.DMA,
          pltpu.SemaphoreType.DMA,
          pltpu.SemaphoreType.DMA,
          pltpu.SemaphoreType.DMA,
          pltpu.SemaphoreType.DMA,
          pltpu.SemaphoreType.DMA,
      ],
  )
  def seg_gather_kernel(t, srcr, dstr, nib, tir, c0_out, c1_out,
                        nit_out, acc, zbuf, rows_0, rows_1, rows_2, rows_3,
                        niv, idx_v, src_v, dst_v, g0, g1, g2, g3, s0, s1, s2,
                        s3):
    c = lax.axis_index("c")
    s = lax.axis_index("s")
    w = s * NC + c
    def zfill(i, carry):
      for kk in range(4):
        zbuf[i, pl.ds(kk * 16, 16)] = jnp.zeros((16,), jnp.float32)
      return carry

    lax.fori_loop(0, 64, zfill, 0)

    def zcopy(m, carry):
      pltpu.sync_copy(zbuf, acc.at[pl.ds(s * OUT_RPT + m * 64, 64)])
      return carry

    lax.fori_loop(0, OUT_RPT // 64, zcopy, 0)
    pltpu.sync_copy(srcr.at[pl.ds(w * rpw, rpw)], src_v)
    pltpu.sync_copy(dstr.at[pl.ds(w * rpw, rpw)], dst_v)
    plsc.subcore_barrier()

    cnt = jnp.minimum(rpw, jnp.maximum(0, rreal - w * rpw))
    bufs = ((rows_0, g0, s0), (rows_1, g1, s1),
            (rows_2, g2, s2), (rows_3, g3, s3))

    for k, (buf, gsem, _) in enumerate(bufs):
      @pl.when(k < cnt)
      def _(k=k, buf=buf, gsem=gsem):
        pltpu.async_copy(t.at[src_v.at[k]], buf, gsem)

    def quad(i, carry):
      j = 4 * i
      for k, (buf, gsem, ssem) in enumerate(bufs):
        pltpu.make_async_copy(t.at[src_v.at[j + k]], buf, gsem).wait()
        pltpu.async_copy(buf, acc.at[dst_v.at[j + k]], ssem, add=True)
      for k, (buf, gsem, ssem) in enumerate(bufs):
        pltpu.make_async_copy(buf, acc.at[dst_v.at[j + k]], ssem).wait()

        @pl.when(j + 4 + k < cnt)
        def _(k=k, buf=buf, gsem=gsem, j=j):
          pltpu.async_copy(t.at[src_v.at[j + 4 + k]], buf, gsem)

      return carry

    lax.fori_loop(0, cnt // 4, quad, 0)
    plsc.subcore_barrier()

    pltpu.sync_copy(tir.at[s], idx_v)
    pltpu.async_copy(acc.at[idx_v.at[0]], rows_0, g0).wait()

    @pl.when(c == 0)
    def _():
      pltpu.sync_copy(rows_0, c0_out.at[pl.ds(s * LANE, LANE)])
      pltpu.async_copy(nib.at[idx_v.at[0]], niv, g1).wait()
      pltpu.sync_copy(niv, nit_out.at[pl.ds(s * LANE, LANE)])

    @pl.when(c == 1)
    def _():
      pltpu.sync_copy(rows_0, c1_out.at[pl.ds(s * LANE, LANE)])

  return seg_gather_kernel


_BN = 2000


def _prep_body(h_ref, dego_ref, degi_ref, w1_ref, t1_ref, no_ref, ni_ref,
               nib_ref):
  do = dego_ref[:, 0:1] + dego_ref[:, 1:2]
  di = degi_ref[:, 0:1] + degi_ref[:, 1:2]
  no = lax.rsqrt(jnp.maximum(do, 1.0))
  ni = lax.rsqrt(jnp.maximum(di, 1.0))
  no_ref[...] = no
  ni_ref[...] = ni
  nib_ref[...] = jnp.broadcast_to(ni, (ni.shape[0], 16))
  t1_ref[...] = jnp.dot(h_ref[...] * no, w1_ref[...],
                        preferred_element_type=jnp.float32)


def _prep(h, dego, degi, w1):
  grid = (N // _BN,)
  return pl.pallas_call(
      _prep_body,
      grid=grid,
      in_specs=[
          pl.BlockSpec((_BN, D), lambda i: (i, 0)),
          pl.BlockSpec((_BN, 2), lambda i: (i, 0)),
          pl.BlockSpec((_BN, 2), lambda i: (i, 0)),
          pl.BlockSpec((D, H), lambda i: (0, 0)),
      ],
      out_specs=[
          pl.BlockSpec((_BN, H), lambda i: (i, 0)),
          pl.BlockSpec((_BN, 1), lambda i: (i, 0)),
          pl.BlockSpec((_BN, 1), lambda i: (i, 0)),
          pl.BlockSpec((_BN, 16), lambda i: (i, 0)),
      ],
      out_shape=[
          jax.ShapeDtypeStruct((N, H), jnp.float32),
          jax.ShapeDtypeStruct((N, 1), jnp.float32),
          jax.ShapeDtypeStruct((N, 1), jnp.float32),
          jax.ShapeDtypeStruct((N, 16), jnp.float32),
      ],
  )(h, dego, degi, w1)


def _mid_body(p0_ref, p1_ref, ni_ref, no_ref, w2_ref, b1_ref, t2_ref):
  x = jnp.maximum((p0_ref[...] + p1_ref[...]) * ni_ref[...] + b1_ref[...],
                  0.0)
  t2_ref[...] = jnp.dot(x * no_ref[...], w2_ref[...],
                        preferred_element_type=jnp.float32)


def _mid(p0, p1, ni, no, w2, b1):
  grid = (N // _BN,)
  return pl.pallas_call(
      _mid_body,
      grid=grid,
      in_specs=[
          pl.BlockSpec((_BN, H), lambda i: (i, 0)),
          pl.BlockSpec((_BN, H), lambda i: (i, 0)),
          pl.BlockSpec((_BN, 1), lambda i: (i, 0)),
          pl.BlockSpec((_BN, 1), lambda i: (i, 0)),
          pl.BlockSpec((H, H), lambda i: (0, 0)),
          pl.BlockSpec((1, H), lambda i: (0, 0)),
      ],
      out_specs=pl.BlockSpec((_BN, H), lambda i: (i, 0)),
      out_shape=jax.ShapeDtypeStruct((N, H), jnp.float32),
  )(p0, p1, ni, no, w2, b1)


def _head_body(c0_ref, c1_ref, nit_ref, b2_ref, wp1_ref, bp1_ref, wp2_ref,
               bp2_ref, out_ref):
  x2 = (c0_ref[...] + c1_ref[...]) * nit_ref[:, 0:1] + b2_ref[...]
  home = x2[0:B]
  away = x2[B:2 * B]
  z = (jnp.dot(home, wp1_ref[0:H], preferred_element_type=jnp.float32)
       + jnp.dot(away, wp1_ref[H:2 * H], preferred_element_type=jnp.float32)
       + bp1_ref[...])
  z = jnp.maximum(z, 0.0)
  out_ref[...] = jnp.dot(z, wp2_ref[...],
                         preferred_element_type=jnp.float32) + bp2_ref[...]


def _head(c0, c1, nit, b2, wp1, bp1, wp2, bp2):
  return pl.pallas_call(
      _head_body,
      out_shape=jax.ShapeDtypeStruct((B, 2), jnp.float32),
  )(c0, c1, nit, b2, wp1, bp1, wp2, bp2)


def kernel(h, edge_index, team_indices, W1, b1, W2, b2, Wp1, bp1, Wp2, bp2):
  e = edge_index.shape[1]
  rreal = e // LANE
  rpw = _worker_counts(rreal)
  rpad = rpw * NW

  src = edge_index[0].astype(jnp.int32)
  dst = edge_index[1].astype(jnp.int32)
  pad = rpad * LANE - e
  srcr = jnp.concatenate([src, jnp.zeros((pad,), jnp.int32)]).reshape(rpad, LANE)
  dstr = jnp.concatenate([dst, jnp.zeros((pad,), jnp.int32)]).reshape(rpad, LANE)

  degp = _make_deg(rpad, rreal, rpw)(srcr, dstr)
  dego = degp[:, 0, :N].T
  degi = degp[:, 1, :N].T

  t1, no, ni, nib = _prep(h, dego, degi, W1)
  seg = _make_seg(rpad, rreal, rpw)
  p0, p1 = seg(t1, srcr, dstr)
  t2 = _mid(p0, p1, ni, no, W2, b1.reshape(1, H))
  tir = team_indices.T.astype(jnp.int32).reshape(2 * B // LANE, 1, LANE)
  c0, c1, nit = _make_seg_gather(rpad, rreal, rpw)(t2, srcr, dstr,
                                                   nib, tir)

  return _head(c0, c1, nit, b2.reshape(1, H), Wp1,
               bp1.reshape(1, H), Wp2, bp2.reshape(1, 2))

# --- scband reference (transcript-rebuilt; emitter-appended) ---
"""Pipeline reference for scband-team-gnn-48473000902712 (READ-ONLY COPY).

The authoritative reference and input builder live on the scoring server;
editing this copy changes nothing except your own understanding.
"""

import jax, jax.numpy as jnp
import numpy as np

N = 10000
E = 320000
D = 128
H = 64
B = 1024


def setup_inputs(seed: int = 0) -> dict:
    key = jax.random.key(seed)
    ks = jax.random.split(key, 12)
    h = jax.random.normal(ks[0], (N, D), dtype=jnp.float32)
    edge_index = jax.random.randint(ks[1], (2, E), 0, N)
    team_indices = jax.random.randint(ks[2], (B, 2), 0, N)
    # GraphConv layer 1: in_feats=128 -> hidden_feats=64
    W1 = jax.random.normal(ks[3], (D, H), dtype=jnp.float32) * (1.0 / np.sqrt(D))
    b1 = jnp.zeros((H,), dtype=jnp.float32)
    # GraphConv layer 2: 64 -> 64
    W2 = jax.random.normal(ks[4], (H, H), dtype=jnp.float32) * (1.0 / np.sqrt(H))
    b2 = jnp.zeros((H,), dtype=jnp.float32)
    # pred_layer: Linear(2H -> H), ReLU, Dropout(eval: identity), Linear(H -> 2)
    Wp1 = jax.random.normal(ks[5], (2 * H, H), dtype=jnp.float32) * (1.0 / np.sqrt(2 * H))
    bp1 = jnp.zeros((H,), dtype=jnp.float32)
    Wp2 = jax.random.normal(ks[6], (H, 2), dtype=jnp.float32) * (1.0 / np.sqrt(H))
    bp2 = jnp.zeros((2,), dtype=jnp.float32)
    return {
        "h": h,
        "edge_index": edge_index,
        "team_indices": team_indices,
        "W1": W1, "b1": b1,
        "W2": W2, "b2": b2,
        "Wp1": Wp1, "bp1": bp1,
        "Wp2": Wp2, "bp2": bp2,
    }


def _graph_conv(h, src, dst, W, b):
    # DGL GraphConv with norm='both', allow_zero_in_degree=True:
    # out = D_dst^{-1/2} * A^T * (D_src^{-1/2} * h) @ W + b, degrees clamped to min 1
    n = h.shape[0]
    deg_out = jnp.bincount(src, length=n).astype(h.dtype)
    deg_in = jnp.bincount(dst, length=n).astype(h.dtype)
    norm_out = jnp.power(jnp.clip(deg_out, 1.0, None), -0.5)
    norm_in = jnp.power(jnp.clip(deg_in, 1.0, None), -0.5)
    hs = h * norm_out[:, None]
    msgs = jnp.take(hs, src, axis=0)
    agg = jnp.zeros_like(h).at[dst].add(msgs)
    agg = agg * norm_in[:, None]
    return agg @ W + b


def reference(h, edge_index, team_indices, W1, b1, W2, b2, Wp1, bp1, Wp2, bp2):
    src = edge_index[0]
    dst = edge_index[1]
    # layer 1 + relu (dropout is identity in eval mode)
    x = _graph_conv(h, src, dst, W1, b1)
    x = jax.nn.relu(x)
    # layer 2 (last layer: no activation)
    x = _graph_conv(x, src, dst, W2, b2)
    home = jnp.take(x, team_indices[:, 0], axis=0)
    away = jnp.take(x, team_indices[:, 1], axis=0)
    combined = jnp.concatenate([home, away], axis=1)
    z = jax.nn.relu(combined @ Wp1 + bp1)
    goals_pred = z @ Wp2 + bp2
    return goals_pred

if __name__ == "__main__":
    import jax
    _d = setup_inputs()
    print(jax.jit(kernel)(*tuple(_d.values())))

</pallas_src>

<mosaic_0001>
#map = affine_map<(d0, d1) -> (0, 0)>
#map1 = affine_map<(d0, d1) -> (0, 0, 0)>
module attributes {stable_mosaic.version = 14 : i64} {
  func.func @deg_kernel(%arg0: i32, %arg1: i32, %arg2: memref<2560x128xi32, #tpu.memory_space<hbm>>, %arg3: memref<2560x128xi32, #tpu.memory_space<hbm>>, %arg4: memref<2x2x10240xf32, #tpu.memory_space<hbm>>, %arg5: memref<10240xf32, #tpu.memory_space<vmem_shared>>, %arg6: memref<10240xf32, #tpu.memory_space<vmem_shared>>, %arg7: memref<128xf32, #tpu.memory_space<vmem>>, %arg8: memref<128xf32, #tpu.memory_space<vmem>>, %arg9: memref<80x128xi32, #tpu.memory_space<vmem>>, %arg10: memref<80x128xi32, #tpu.memory_space<vmem>>, %arg11: memref<!tpu.dma_semaphore, #tpu.memory_space<semaphore_mem>>) attributes {dimension_semantics = [#tpu.dimension_semantics<core_parallel>, #tpu.dimension_semantics<subcore_parallel>], iteration_bounds = array<i64: 2, 16>, scalar_prefetch = 0 : i64, scratch_operands = 7 : i64, tpu.core_type = #tpu.core_type<sc_vector_subcore>, window_params = [{transform_indices = #map}, {transform_indices = #map}, {transform_indices = #map1}]} {
    %mul3A = arith.constant 2 : i32
    %mul3A_0 = arith.muli %arg1, %mul3A : i32
    %add3A = arith.addi %mul3A_0, %arg0 : i32
    %scan3A = arith.constant 0 : i32
    %scan3A_1 = arith.constant 0 : i32
    %scan3A_2 = arith.constant 8 : i32
    %scan3A_3 = arith.addi %scan3A_1, %scan3A_2 : i32
    %scan3A_4 = arith.constant 1 : i32
    scf.for %scan3A_59 = %scan3A_1 to %scan3A_3 step %scan3A_4  : i32 {
      %broadcast_in_dim3A = arith.constant 0.000000e+00 : f32
      %broadcast_in_dim3A_60 = vector.broadcast %broadcast_in_dim3A : f32 to vector<16xf32>
      %mul3A_61 = arith.constant 16 : i32
      %mul3A_62 = arith.muli %scan3A_59, %mul3A_61 : i32
      %swap3A = arith.index_cast %mul3A_62 : i32 to index
      %swap3A_63 = tpu.vector_load %arg7[%swap3A] {strides = array<i32>} : memref<128xf32, #tpu.memory_space<vmem>>, vector<16xf32>,
      %swap3A_64 = vector.shape_cast %swap3A_63 : vector<16xf32> to vector<16xf32>
      %swap3A_65 = vector.shape_cast %broadcast_in_dim3A_60 : vector<16xf32> to vector<16xf32>
      tpu.vector_store %arg7[%swap3A], %swap3A_65 {strides = array<i32>} : memref<128xf32, #tpu.memory_space<vmem>>, vector<16xf32>,
    }
    %scan3A_5 = arith.constant 8 : i32
    %scan3A_6 = arith.constant 0 : i32
    %scan3A_7 = arith.constant 0 : i32
    %scan3A_8 = arith.constant 5 : i32
    %scan3A_9 = arith.addi %scan3A_7, %scan3A_8 : i32
    %scan3A_10 = arith.constant 1 : i32
    scf.for %scan3A_59 = %scan3A_7 to %scan3A_9 step %scan3A_10  : i32 {
      %mul3A_60 = arith.constant 640 : i32
      %mul3A_61 = arith.muli %arg1, %mul3A_60 : i32
      %mul3A_62 = arith.constant 128 : i32
      %mul3A_63 = arith.muli %scan3A_59, %mul3A_62 : i32
      %add3A_64 = arith.addi %mul3A_61, %mul3A_63 : i32
      "tpu.region"() ({
        %run_scoped3A_70 = tpu.sem_alloc : memref<!tpu.dma_semaphore, #tpu.memory_space<semaphore_mem>>
        %dma_start3A = tpu.memref_slice %arg5[%add3A_64] : memref<10240xf32, #tpu.memory_space<vmem_shared>> -> memref<128xf32, #tpu.memory_space<vmem_shared>>
        %dma_start3A_71 = tpu.memref_slice %arg5[%add3A_64] : memref<10240xf32, #tpu.memory_space<vmem_shared>> -> memref<128xf32, #tpu.memory_space<vmem_shared>>
        tpu.enqueue_dma source(%arg7 : memref<128xf32, #tpu.memory_space<vmem>>) target(%dma_start3A_71 : memref<128xf32, #tpu.memory_space<vmem_shared>>) target_semaphore(%run_scoped3A_70 : memref<!tpu.dma_semaphore, #tpu.memory_space<semaphore_mem>>)
        %dma_wait3A = tpu.memref_slice %arg5[%add3A_64] : memref<10240xf32, #tpu.memory_space<vmem_shared>> -> memref<128xf32, #tpu.memory_space<vmem_shared>>
        %dma_wait3A_72 = tpu.memref_slice %arg5[%add3A_64] : memref<10240xf32, #tpu.memory_space<vmem_shared>> -> memref<128xf32, #tpu.memory_space<vmem_shared>>
        tpu.wait_dma2 semaphore(%run_scoped3A_70 : memref<!tpu.dma_semaphore, #tpu.memory_space<semaphore_mem>>) src(%arg7 : memref<128xf32, #tpu.memory_space<vmem>>) dst(%dma_wait3A_72 : memref<128xf32, #tpu.memory_space<vmem_shared>>)
        tpu.yield
      }) : () -> ()
      %mul3A_65 = arith.constant 640 : i32
      %mul3A_66 = arith.muli %arg1, %mul3A_65 : i32
      %mul3A_67 = arith.constant 128 : i32
      %mul3A_68 = arith.muli %scan3A_59, %mul3A_67 : i32
      %add3A_69 = arith.addi %mul3A_66, %mul3A_68 : i32
      "tpu.region"() ({
        %run_scoped3A_70 = tpu.sem_alloc : memref<!tpu.dma_semaphore, #tpu.memory_space<semaphore_mem>>
        %dma_start3A = tpu.memref_slice %arg6[%add3A_69] : memref<10240xf32, #tpu.memory_space<vmem_shared>> -> memref<128xf32, #tpu.memory_space<vmem_shared>>
        %dma_start3A_71 = tpu.memref_slice %arg6[%add3A_69] : memref<10240xf32, #tpu.memory_space<vmem_shared>> -> memref<128xf32, #tpu.memory_space<vmem_shared>>
        tpu.enqueue_dma source(%arg7 : memref<128xf32, #tpu.memory_space<vmem>>) target(%dma_start3A_71 : memref<128xf32, #tpu.memory_space<vmem_shared>>) target_semaphore(%run_scoped3A_70 : memref<!tpu.dma_semaphore, #tpu.memory_space<semaphore_mem>>)
        %dma_wait3A = tpu.memref_slice %arg6[%add3A_69] : memref<10240xf32, #tpu.memory_space<vmem_shared>> -> memref<128xf32, #tpu.memory_space<vmem_shared>>
        %dma_wait3A_72 = tpu.memref_slice %arg6[%add3A_69] : memref<10240xf32, #tpu.memory_space<vmem_shared>> -> memref<128xf32, #tpu.memory_space<vmem_shared>>
        tpu.wait_dma2 semaphore(%run_scoped3A_70 : memref<!tpu.dma_semaphore, #tpu.memory_space<semaphore_mem>>) src(%arg7 : memref<128xf32, #tpu.memory_space<vmem>>) dst(%dma_wait3A_72 : memref<128xf32, #tpu.memory_space<vmem_shared>>)
        tpu.yield
      }) : () -> ()
    }
    %scan3A_11 = arith.constant 5 : i32
    %scan3A_12 = arith.constant 0 : i32
    %scan3A_13 = arith.constant 0 : i32
    %scan3A_14 = arith.constant 8 : i32
    %scan3A_15 = arith.addi %scan3A_13, %scan3A_14 : i32
    %scan3A_16 = arith.constant 1 : i32
    scf.for %scan3A_59 = %scan3A_13 to %scan3A_15 step %scan3A_16  : i32 {
      %broadcast_in_dim3A = arith.constant 1.000000e+00 : f32
      %broadcast_in_dim3A_60 = vector.broadcast %broadcast_in_dim3A : f32 to vector<16xf32>
      %mul3A_61 = arith.constant 16 : i32
      %mul3A_62 = arith.muli %scan3A_59, %mul3A_61 : i32
      %swap3A = arith.index_cast %mul3A_62 : i32 to index
      %swap3A_63 = tpu.vector_load %arg8[%swap3A] {strides = array<i32>} : memref<128xf32, #tpu.memory_space<vmem>>, vector<16xf32>,
      %swap3A_64 = vector.shape_cast %swap3A_63 : vector<16xf32> to vector<16xf32>
      %swap3A_65 = vector.shape_cast %broadcast_in_dim3A_60 : vector<16xf32> to vector<16xf32>
      tpu.vector_store %arg8[%swap3A], %swap3A_65 {strides = array<i32>} : memref<128xf32, #tpu.memory_space<vmem>>, vector<16xf32>,
    }
    %scan3A_17 = arith.constant 8 : i32
    %mul3A_18 = arith.constant 80 : i32
    %mul3A_19 = arith.muli %add3A, %mul3A_18 : i32
    "tpu.region"() ({
      %run_scoped3A_59 = tpu.sem_alloc : memref<!tpu.dma_semaphore, #tpu.memory_space<semaphore_mem>>
      %dma_start3A = arith.constant 0 : i32
      %dma_start3A_60 = tpu.memref_slice %arg2[%mul3A_19, %dma_start3A] : memref<2560x128xi32, #tpu.memory_space<hbm>> -> memref<80x128xi32, #tpu.memory_space<hbm>>
      %dma_start3A_61 = arith.constant 0 : i32
      %dma_start3A_62 = tpu.memref_slice %arg2[%mul3A_19, %dma_start3A_61] : memref<2560x128xi32, #tpu.memory_space<hbm>> -> memref<80x128xi32, #tpu.memory_space<hbm>>
      tpu.enqueue_dma source(%dma_start3A_62 : memref<80x128xi32, #tpu.memory_space<hbm>>) target(%arg9 : memref<80x128xi32, #tpu.memory_space<vmem>>) target_semaphore(%run_scoped3A_59 : memref<!tpu.dma_semaphore, #tpu.memory_space<semaphore_mem>>)
      %dma_wait3A = arith.constant 0 : i32
      %dma_wait3A_63 = tpu.memref_slice %arg2[%mul3A_19, %dma_wait3A] : memref<2560x128xi32, #tpu.memory_space<hbm>> -> memref<80x128xi32, #tpu.memory_space<hbm>>
      %dma_wait3A_64 = arith.constant 0 : i32
      %dma_wait3A_65 = tpu.memref_slice %arg2[%mul3A_19, %dma_wait3A_64] : memref<2560x128xi32, #tpu.memory_space<hbm>> -> memref<80x128xi32, #tpu.memory_space<hbm>>
      tpu.wait_dma2 semaphore(%run_scoped3A_59 : memref<!tpu.dma_semaphore, #tpu.memory_space<semaphore_mem>>) src(%dma_wait3A_65 : memref<80x128xi32, #tpu.memory_space<hbm>>) dst(%arg9 : memref<80x128xi32, #tpu.memory_space<vmem>>)
      tpu.yield
    }) : () -> ()
    %mul3A_20 = arith.constant 80 : i32
    %mul3A_21 = arith.muli %add3A, %mul3A_20 : i32
    "tpu.region"() ({
      %run_scoped3A_59 = tpu.sem_alloc : memref<!tpu.dma_semaphore, #tpu.memory_space<semaphore_mem>>
      %dma_start3A = arith.constant 0 : i32
      %dma_start3A_60 = tpu.memref_slice %arg3[%mul3A_21, %dma_start3A] : memref<2560x128xi32, #tpu.memory_space<hbm>> -> memref<80x128xi32, #tpu.memory_space<hbm>>
      %dma_start3A_61 = arith.constant 0 : i32
      %dma_start3A_62 = tpu.memref_slice %arg3[%mul3A_21, %dma_start3A_61] : memref<2560x128xi32, #tpu.memory_space<hbm>> -> memref<80x128xi32, #tpu.memory_space<hbm>>
      tpu.enqueue_dma source(%dma_start3A_62 : memref<80x128xi32, #tpu.memory_space<hbm>>) target(%arg10 : memref<80x128xi32, #tpu.memory_space<vmem>>) target_semaphore(%run_scoped3A_59 : memref<!tpu.dma_semaphore, #tpu.memory_space<semaphore_mem>>)
      %dma_wait3A = arith.constant 0 : i32
      %dma_wait3A_63 = tpu.memref_slice %arg3[%mul3A_21, %dma_wait3A] : memref<2560x128xi32, #tpu.memory_space<hbm>> -> memref<80x128xi32, #tpu.memory_space<hbm>>
      %dma_wait3A_64 = arith.constant 0 : i32
      %dma_wait3A_65 = tpu.memref_slice %arg3[%mul3A_21, %dma_wait3A_64] : memref<2560x128xi32, #tpu.memory_space<hbm>> -> memref<80x128xi32, #tpu.memory_space<hbm>>
      tpu.wait_dma2 semaphore(%run_scoped3A_59 : memref<!tpu.dma_semaphore, #tpu.memory_space<semaphore_mem>>) src(%dma_wait3A_65 : memref<80x128xi32, #tpu.memory_space<hbm>>) dst(%arg10 : memref<80x128xi32, #tpu.memory_space<vmem>>)
      tpu.yield
    }) : () -> ()
    %barrier3A = arith.constant 0 : index
    tpu.barrier barrier_id(%barrier3A)
    %mul3A_22 = arith.constant 80 : i32
    %mul3A_23 = arith.muli %add3A, %mul3A_22 : i32
    %sub3A = arith.constant 2500 : i32
    %sub3A_24 = arith.subi %sub3A, %mul3A_23 : i32
    %max3A = arith.constant 0 : i32
    %max3A_25 = arith.maxsi %max3A, %sub3A_24 : i32
    %min3A = arith.constant 80 : i32
    %min3A_26 = arith.minsi %min3A, %max3A_25 : i32
    %while3A = arith.constant 0 : i32
    %while3A_27 = arith.constant 0 : i32
    %while3A_28 = arith.subi %min3A_26, %while3A_27 : i32
    %while3A_29 = arith.addi %while3A_27, %while3A_28 : i32
    %while3A_30 = arith.constant 1 : i32
    %while3A_31 = arith.divsi %while3A_28, %while3A_30 : i32
    %while3A_32 = arith.muli %while3A_31, %while3A_30 : i32
    %while3A_33 = arith.addi %while3A_27, %while3A_32 : i32
    %while3A_34 = arith.constant 1 : i32
    scf.for %while3A_59 = %while3A_27 to %while3A_33 step %while3A_34  : i32 {
      %dma_start3A = arith.constant 0 : i32
      %dma_start3A_60 = tpu.memref_slice %arg9[%while3A_59, %dma_start3A] : memref<80x128xi32, #tpu.memory_space<vmem>> -> memref<1x128xi32, #tpu.memory_space<vmem>>
      %dma_start3A_61 = tpu.memref_squeeze %dma_start3A_60 : memref<1x128xi32, #tpu.memory_space<vmem>> -> memref<128xi32, #tpu.memory_space<vmem>>
      %dma_start3A_62 = arith.constant 0 : i32
      %dma_start3A_63 = tpu.memref_slice %arg5[%dma_start3A_62] : memref<10240xf32, #tpu.memory_space<vmem_shared>> -> memref<10240xf32, #tpu.memory_space<vmem_shared>>
      tpu.enqueue_indirect_dma source(%arg8 : memref<128xf32, #tpu.memory_space<vmem>>) target(%dma_start3A_63 : memref<10240xf32, #tpu.memory_space<vmem_shared>>) offsets(%dma_start3A_61 : memref<128xi32, #tpu.memory_space<vmem>>) semaphore(%arg11 : memref<!tpu.dma_semaphore, #tpu.memory_space<semaphore_mem>>) {add = true}
      %dma_start3A_64 = arith.constant 0 : i32
      %dma_start3A_65 = tpu.memref_slice %arg10[%while3A_59, %dma_start3A_64] : memref<80x128xi32, #tpu.memory_space<vmem>> -> memref<1x128xi32, #tpu.memory_space<vmem>>
      %dma_start3A_66 = tpu.memref_squeeze %dma_start3A_65 : memref<1x128xi32, #tpu.memory_space<vmem>> -> memref<128xi32, #tpu.memory_space<vmem>>
      %dma_start3A_67 = arith.constant 0 : i32
      %dma_start3A_68 = tpu.memref_slice %arg6[%dma_start3A_67] : memref<10240xf32, #tpu.memory_space<vmem_shared>> -> memref<10240xf32, #tpu.memory_space<vmem_shared>>
      tpu.enqueue_indirect_dma source(%arg8 : memref<128xf32, #tpu.memory_space<vmem>>) target(%dma_start3A_68 : memref<10240xf32, #tpu.memory_space<vmem_shared>>) offsets(%dma_start3A_66 : memref<128xi32, #tpu.memory_space<vmem>>) semaphore(%arg11 : memref<!tpu.dma_semaphore, #tpu.memory_space<semaphore_mem>>) {add = true}
      %ge3A = arith.constant 8 : i32
      %ge3A_69 = arith.cmpi sge, %while3A_59, %ge3A : i32
      %convert_element_type3A = arith.extui %ge3A_69 : i1 to i32
      %cond3A = arith.constant 0 : i32
      %cond3A_70 = arith.cmpi ne, %convert_element_type3A, %cond3A : i32
      scf.if %cond3A_70 {
        %sub3A_71 = arith.constant 8 : i32
        %sub3A_72 = arith.subi %while3A_59, %sub3A_71 : i32
        %dma_wait3A = arith.constant 0 : i32
        %dma_wait3A_73 = tpu.memref_slice %arg9[%sub3A_72, %dma_wait3A] : memref<80x128xi32, #tpu.memory_space<vmem>> -> memref<1x128xi32, #tpu.memory_space<vmem>>
        %dma_wait3A_74 = tpu.memref_squeeze %dma_wait3A_73 : memref<1x128xi32, #tpu.memory_space<vmem>> -> memref<128xi32, #tpu.memory_space<vmem>>
        %dma_wait3A_75 = arith.constant 0 : i32
        %dma_wait3A_76 = tpu.memref_slice %arg5[%dma_wait3A_75] : memref<10240xf32, #tpu.memory_space<vmem_shared>> -> memref<10240xf32, #tpu.memory_space<vmem_shared>>
        tpu.wait_indirect_dma semaphore(%arg11 : memref<!tpu.dma_semaphore, #tpu.memory_space<semaphore_mem>>) src(%arg8 : memref<128xf32, #tpu.memory_space<vmem>>) dst(%dma_wait3A_76 : memref<10240xf32, #tpu.memory_space<vmem_shared>>)
        %sub3A_77 = arith.constant 8 : i32
        %sub3A_78 = arith.subi %while3A_59, %sub3A_77 : i32
        %dma_wait3A_79 = arith.constant 0 : i32
        %dma_wait3A_80 = tpu.memref_slice %arg10[%sub3A_78, %dma_wait3A_79] : memref<80x128xi32, #tpu.memory_space<vmem>> -> memref<1x128xi32, #tpu.memory_space<vmem>>
        %dma_wait3A_81 = tpu.memref_squeeze %dma_wait3A_80 : memref<1x128xi32, #tpu.memory_space<vmem>> -> memref<128xi32, #tpu.memory_space<vmem>>
        %dma_wait3A_82 = arith.constant 0 : i32
        %dma_wait3A_83 = tpu.memref_slice %arg6[%dma_wait3A_82] : memref<10240xf32, #tpu.memory_space<vmem_shared>> -> memref<10240xf32, #tpu.memory_space<vmem_shared>>
        tpu.wait_indirect_dma semaphore(%arg11 : memref<!tpu.dma_semaphore, #tpu.memory_space<semaphore_mem>>) src(%arg8 : memref<128xf32, #tpu.memory_space<vmem>>) dst(%dma_wait3A_83 : memref<10240xf32, #tpu.memory_space<vmem_shared>>)
      } else {
      }
    }
    %while3A_35 = arith.constant 1 : i32
    scf.for %while3A_59 = %while3A_33 to %while3A_29 step %while3A_35  : i32 {
      %dma_start3A = arith.constant 0 : i32
      %dma_start3A_60 = tpu.memref_slice %arg9[%while3A_59, %dma_start3A] : memref<80x128xi32, #tpu.memory_space<vmem>> -> memref<1x128xi32, #tpu.memory_space<vmem>>
      %dma_start3A_61 = tpu.memref_squeeze %dma_start3A_60 : memref<1x128xi32, #tpu.memory_space<vmem>> -> memref<128xi32, #tpu.memory_space<vmem>>
      %dma_start3A_62 = arith.constant 0 : i32
      %dma_start3A_63 = tpu.memref_slice %arg5[%dma_start3A_62] : memref<10240xf32, #tpu.memory_space<vmem_shared>> -> memref<10240xf32, #tpu.memory_space<vmem_shared>>
      tpu.enqueue_indirect_dma source(%arg8 : memref<128xf32, #tpu.memory_space<vmem>>) target(%dma_start3A_63 : memref<10240xf32, #tpu.memory_space<vmem_shared>>) offsets(%dma_start3A_61 : memref<128xi32, #tpu.memory_space<vmem>>) semaphore(%arg11 : memref<!tpu.dma_semaphore, #tpu.memory_space<semaphore_mem>>) {add = true}
      %dma_start3A_64 = arith.constant 0 : i32
      %dma_start3A_65 = tpu.memref_slice %arg10[%while3A_59, %dma_start3A_64] : memref<80x128xi32, #tpu.memory_space<vmem>> -> memref<1x128xi32, #tpu.memory_space<vmem>>
      %dma_start3A_66 = tpu.memref_squeeze %dma_start3A_65 : memref<1x128xi32, #tpu.memory_space<vmem>> -> memref<128xi32, #tpu.memory_space<vmem>>
      %dma_start3A_67 = arith.constant 0 : i32
      %dma_start3A_68 = tpu.memref_slice %arg6[%dma_start3A_67] : memref<10240xf32, #tpu.memory_space<vmem_shared>> -> memref<10240xf32, #tpu.memory_space<vmem_shared>>
      tpu.enqueue_indirect_dma source(%arg8 : memref<128xf32, #tpu.memory_space<vmem>>) target(%dma_start3A_68 : memref<10240xf32, #tpu.memory_space<vmem_shared>>) offsets(%dma_start3A_66 : memref<128xi32, #tpu.memory_space<vmem>>) semaphore(%arg11 : memref<!tpu.dma_semaphore, #tpu.memory_space<semaphore_mem>>) {add = true}
      %ge3A = arith.constant 8 : i32
      %ge3A_69 = arith.cmpi sge, %while3A_59, %ge3A : i32
      %convert_element_type3A = arith.extui %ge3A_69 : i1 to i32
      %cond3A = arith.constant 0 : i32
      %cond3A_70 = arith.cmpi ne, %convert_element_type3A, %cond3A : i32
      scf.if %cond3A_70 {
        %sub3A_71 = arith.constant 8 : i32
        %sub3A_72 = arith.subi %while3A_59, %sub3A_71 : i32
        %dma_wait3A = arith.constant 0 : i32
        %dma_wait3A_73 = tpu.memref_slice %arg9[%sub3A_72, %dma_wait3A] : memref<80x128xi32, #tpu.memory_space<vmem>> -> memref<1x128xi32, #tpu.memory_space<vmem>>
        %dma_wait3A_74 = tpu.memref_squeeze %dma_wait3A_73 : memref<1x128xi32, #tpu.memory_space<vmem>> -> memref<128xi32, #tpu.memory_space<vmem>>
        %dma_wait3A_75 = arith.constant 0 : i32
        %dma_wait3A_76 = tpu.memref_slice %arg5[%dma_wait3A_75] : memref<10240xf32, #tpu.memory_space<vmem_shared>> -> memref<10240xf32, #tpu.memory_space<vmem_shared>>
        tpu.wait_indirect_dma semaphore(%arg11 : memref<!tpu.dma_semaphore, #tpu.memory_space<semaphore_mem>>) src(%arg8 : memref<128xf32, #tpu.memory_space<vmem>>) dst(%dma_wait3A_76 : memref<10240xf32, #tpu.memory_space<vmem_shared>>)
        %sub3A_77 = arith.constant 8 : i32
        %sub3A_78 = arith.subi %while3A_59, %sub3A_77 : i32
        %dma_wait3A_79 = arith.constant 0 : i32
        %dma_wait3A_80 = tpu.memref_slice %arg10[%sub3A_78, %dma_wait3A_79] : memref<80x128xi32, #tpu.memory_space<vmem>> -> memref<1x128xi32, #tpu.memory_space<vmem>>
        %dma_wait3A_81 = tpu.memref_squeeze %dma_wait3A_80 : memref<1x128xi32, #tpu.memory_space<vmem>> -> memref<128xi32, #tpu.memory_space<vmem>>
        %dma_wait3A_82 = arith.constant 0 : i32
        %dma_wait3A_83 = tpu.memref_slice %arg6[%dma_wait3A_82] : memref<10240xf32, #tpu.memory_space<vmem_shared>> -> memref<10240xf32, #tpu.memory_space<vmem_shared>>
        tpu.wait_indirect_dma semaphore(%arg11 : memref<!tpu.dma_semaphore, #tpu.memory_space<semaphore_mem>>) src(%arg8 : memref<128xf32, #tpu.memory_space<vmem>>) dst(%dma_wait3A_83 : memref<10240xf32, #tpu.memory_space<vmem_shared>>)
      } else {
      }
    }
    %sub3A_36 = arith.constant 8 : i32
    %sub3A_37 = arith.subi %min3A_26, %sub3A_36 : i32
    %max3A_38 = arith.constant 0 : i32
    %max3A_39 = arith.maxsi %max3A_38, %sub3A_37 : i32
    %while3A_40 = arith.constant 0 : i32
    %while3A_41 = arith.subi %min3A_26, %max3A_39 : i32
    %while3A_42 = arith.addi %max3A_39, %while3A_41 : i32
    %while3A_43 = arith.constant 1 : i32
    %while3A_44 = arith.divsi %while3A_41, %while3A_43 : i32
    %while3A_45 = arith.muli %while3A_44, %while3A_43 : i32
    %while3A_46 = arith.addi %max3A_39, %while3A_45 : i32
    %while3A_47 = arith.constant 1 : i32
    scf.for %while3A_59 = %max3A_39 to %while3A_46 step %while3A_47  : i32 {
      %dma_wait3A = arith.constant 0 : i32
      %dma_wait3A_60 = tpu.memref_slice %arg9[%while3A_59, %dma_wait3A] : memref<80x128xi32, #tpu.memory_space<vmem>> -> memref<1x128xi32, #tpu.memory_space<vmem>>
      %dma_wait3A_61 = tpu.memref_squeeze %dma_wait3A_60 : memref<1x128xi32, #tpu.memory_space<vmem>> -> memref<128xi32, #tpu.memory_space<vmem>>
      %dma_wait3A_62 = arith.constant 0 : i32
      %dma_wait3A_63 = tpu.memref_slice %arg5[%dma_wait3A_62] : memref<10240xf32, #tpu.memory_space<vmem_shared>> -> memref<10240xf32, #tpu.memory_space<vmem_shared>>
      tpu.wait_indirect_dma semaphore(%arg11 : memref<!tpu.dma_semaphore, #tpu.memory_space<semaphore_mem>>) src(%arg8 : memref<128xf32, #tpu.memory_space<vmem>>) dst(%dma_wait3A_63 : memref<10240xf32, #tpu.memory_space<vmem_shared>>)
      %dma_wait3A_64 = arith.constant 0 : i32
      %dma_wait3A_65 = tpu.memref_slice %arg10[%while3A_59, %dma_wait3A_64] : memref<80x128xi32, #tpu.memory_space<vmem>> -> memref<1x128xi32, #tpu.memory_space<vmem>>
      %dma_wait3A_66 = tpu.memref_squeeze %dma_wait3A_65 : memref<1x128xi32, #tpu.memory_space<vmem>> -> memref<128xi32, #tpu.memory_space<vmem>>
      %dma_wait3A_67 = arith.constant 0 : i32
      %dma_wait3A_68 = tpu.memref_slice %arg6[%dma_wait3A_67] : memref<10240xf32, #tpu.memory_space<vmem_shared>> -> memref<10240xf32, #tpu.memory_space<vmem_shared>>
      tpu.wait_indirect_dma semaphore(%arg11 : memref<!tpu.dma_semaphore, #tpu.memory_space<semaphore_mem>>) src(%arg8 : memref<128xf32, #tpu.memory_space<vmem>>) dst(%dma_wait3A_68 : memref<10240xf32, #tpu.memory_space<vmem_shared>>)
    }
    %while3A_48 = arith.constant 1 : i32
    scf.for %while3A_59 = %while3A_46 to %while3A_42 step %while3A_48  : i32 {
      %dma_wait3A = arith.constant 0 : i32
      %dma_wait3A_60 = tpu.memref_slice %arg9[%while3A_59, %dma_wait3A] : memref<80x128xi32, #tpu.memory_space<vmem>> -> memref<1x128xi32, #tpu.memory_space<vmem>>
      %dma_wait3A_61 = tpu.memref_squeeze %dma_wait3A_60 : memref<1x128xi32, #tpu.memory_space<vmem>> -> memref<128xi32, #tpu.memory_space<vmem>>
      %dma_wait3A_62 = arith.constant 0 : i32
      %dma_wait3A_63 = tpu.memref_slice %arg5[%dma_wait3A_62] : memref<10240xf32, #tpu.memory_space<vmem_shared>> -> memref<10240xf32, #tpu.memory_space<vmem_shared>>
      tpu.wait_indirect_dma semaphore(%arg11 : memref<!tpu.dma_semaphore, #tpu.memory_space<semaphore_mem>>) src(%arg8 : memref<128xf32, #tpu.memory_space<vmem>>) dst(%dma_wait3A_63 : memref<10240xf32, #tpu.memory_space<vmem_shared>>)
      %dma_wait3A_64 = arith.constant 0 : i32
      %dma_wait3A_65 = tpu.memref_slice %arg10[%while3A_59, %dma_wait3A_64] : memref<80x128xi32, #tpu.memory_space<vmem>> -> memref<1x128xi32, #tpu.memory_space<vmem>>
      %dma_wait3A_66 = tpu.memref_squeeze %dma_wait3A_65 : memref<1x128xi32, #tpu.memory_space<vmem>> -> memref<128xi32, #tpu.memory_space<vmem>>
      %dma_wait3A_67 = arith.constant 0 : i32
      %dma_wait3A_68 = tpu.memref_slice %arg6[%dma_wait3A_67] : memref<10240xf32, #tpu.memory_space<vmem_shared>> -> memref<10240xf32, #tpu.memory_space<vmem_shared>>
      tpu.wait_indirect_dma semaphore(%arg11 : memref<!tpu.dma_semaphore, #tpu.memory_space<semaphore_mem>>) src(%arg8 : memref<128xf32, #tpu.memory_space<vmem>>) dst(%dma_wait3A_68 : memref<10240xf32, #tpu.memory_space<vmem_shared>>)
    }
    %barrier3A_49 = arith.constant 0 : index
    tpu.barrier barrier_id(%barrier3A_49)
    %mul3A_50 = arith.constant 640 : i32
    %mul3A_51 = arith.muli %arg1, %mul3A_50 : i32
    %mul3A_52 = arith.constant 640 : i32
    %mul3A_53 = arith.muli %arg1, %mul3A_52 : i32
    %run_scoped3A = arith.constant 0 : i32
    "tpu.region"() ({
      %run_scoped3A_59 = tpu.sem_alloc : memref<!tpu.dma_semaphore, #tpu.memory_space<semaphore_mem>>
      %dma_start3A = tpu.memref_slice %arg4[%arg0, %run_scoped3A, %mul3A_53] : memref<2x2x10240xf32, #tpu.memory_space<hbm>> -> memref<1x1x640xf32, #tpu.memory_space<hbm>>
      %dma_start3A_60 = tpu.memref_squeeze %dma_start3A : memref<1x1x640xf32, #tpu.memory_space<hbm>> -> memref<640xf32, #tpu.memory_space<hbm>>
      %dma_start3A_61 = tpu.memref_slice %arg5[%mul3A_51] : memref<10240xf32, #tpu.memory_space<vmem_shared>> -> memref<640xf32, #tpu.memory_space<vmem_shared>>
      tpu.enqueue_dma source(%dma_start3A_61 : memref<640xf32, #tpu.memory_space<vmem_shared>>) target(%dma_start3A_60 : memref<640xf32, #tpu.memory_space<hbm>>) target_semaphore(%run_scoped3A_59 : memref<!tpu.dma_semaphore, #tpu.memory_space<semaphore_mem>>)
      %dma_wait3A = tpu.memref_slice %arg4[%arg0, %run_scoped3A, %mul3A_53] : memref<2x2x10240xf32, #tpu.memory_space<hbm>> -> memref<1x1x640xf32, #tpu.memory_space<hbm>>
      %dma_wait3A_62 = tpu.memref_squeeze %dma_wait3A : memref<1x1x640xf32, #tpu.memory_space<hbm>> -> memref<640xf32, #tpu.memory_space<hbm>>
      %dma_wait3A_63 = tpu.memref_slice %arg5[%mul3A_51] : memref<10240xf32, #tpu.memory_space<vmem_shared>> -> memref<640xf32, #tpu.memory_space<vmem_shared>>
      tpu.wait_dma2 semaphore(%run_scoped3A_59 : memref<!tpu.dma_semaphore, #tpu.memory_space<semaphore_mem>>) src(%dma_wait3A_63 : memref<640xf32, #tpu.memory_space<vmem_shared>>) dst(%dma_wait3A_62 : memref<640xf32, #tpu.memory_space<hbm>>)
      tpu.yield
    }) : () -> ()
    %mul3A_54 = arith.constant 640 : i32
    %mul3A_55 = arith.muli %arg1, %mul3A_54 : i32
    %mul3A_56 = arith.constant 640 : i32
    %mul3A_57 = arith.muli %arg1, %mul3A_56 : i32
    %run_scoped3A_58 = arith.constant 1 : i32
    "tpu.region"() ({
      %run_scoped3A_59 = tpu.sem_alloc : memref<!tpu.dma_semaphore, #tpu.memory_space<semaphore_mem>>
      %dma_start3A = tpu.memref_slice %arg4[%arg0, %run_scoped3A_58, %mul3A_57] : memref<2x2x10240xf32, #tpu.memory_space<hbm>> -> memref<1x1x640xf32, #tpu.memory_space<hbm>>
      %dma_start3A_60 = tpu.memref_squeeze %dma_start3A : memref<1x1x640xf32, #tpu.memory_space<hbm>> -> memref<640xf32, #tpu.memory_space<hbm>>
      %dma_start3A_61 = tpu.memref_slice %arg6[%mul3A_55] : memref<10240xf32, #tpu.memory_space<vmem_shared>> -> memref<640xf32, #tpu.memory_space<vmem_shared>>
      tpu.enqueue_dma source(%dma_start3A_61 : memref<640xf32, #tpu.memory_space<vmem_shared>>) target(%dma_start3A_60 : memref<640xf32, #tpu.memory_space<hbm>>) target_semaphore(%run_scoped3A_59 : memref<!tpu.dma_semaphore, #tpu.memory_space<semaphore_mem>>)
      %dma_wait3A = tpu.memref_slice %arg4[%arg0, %run_scoped3A_58, %mul3A_57] : memref<2x2x10240xf32, #tpu.memory_space<hbm>> -> memref<1x1x640xf32, #tpu.memory_space<hbm>>
      %dma_wait3A_62 = tpu.memref_squeeze %dma_wait3A : memref<1x1x640xf32, #tpu.memory_space<hbm>> -> memref<640xf32, #tpu.memory_space<hbm>>
      %dma_wait3A_63 = tpu.memref_slice %arg6[%mul3A_55] : memref<10240xf32, #tpu.memory_space<vmem_shared>> -> memref<640xf32, #tpu.memory_space<vmem_shared>>
      tpu.wait_dma2 semaphore(%run_scoped3A_59 : memref<!tpu.dma_semaphore, #tpu.memory_space<semaphore_mem>>) src(%dma_wait3A_63 : memref<640xf32, #tpu.memory_space<vmem_shared>>) dst(%dma_wait3A_62 : memref<640xf32, #tpu.memory_space<hbm>>)
      tpu.yield
    }) : () -> ()
    return
  }
}

#map = affine_map<(d0, d1) -> (0, 0)>
#map1 = affine_map<(d0, d1) -> (0, 0, 0)>
module attributes {stable_mosaic.version = 14 : i64} {
  func.func @seg_gather_kernel(%arg0: i32, %arg1: i32, %arg2: memref<10000x64xf32, #tpu.memory_space<hbm>>, %arg3: memref<2560x128xi32, #tpu.memory_space<hbm>>, %arg4: memref<2560x128xi32, #tpu.memory_space<hbm>>, %arg5: memref<10000x16xf32, #tpu.memory_space<hbm>>, %arg6: memref<16x1x128xi32, #tpu.memory_space<hbm>>, %arg7: memref<2048x64xf32, #tpu.memory_space<hbm>>, %arg8: memref<2048x64xf32, #tpu.memory_space<hbm>>, %arg9: memref<2048x16xf32, #tpu.memory_space<hbm>>, %arg10: memref<10240x64xf32, #tpu.memory_space<vmem_shared>>, %arg11: memref<64x64xf32, #tpu.memory_space<vmem>>, %arg12: memref<128x64xf32, #tpu.memory_space<vmem>>, %arg13: memref<128x64xf32, #tpu.memory_space<vmem>>, %arg14: memref<128x64xf32, #tpu.memory_space<vmem>>, %arg15: memref<128x64xf32, #tpu.memory_space<vmem>>, %arg16: memref<128x16xf32, #tpu.memory_space<vmem>>, %arg17: memref<1x128xi32, #tpu.memory_space<vmem>>, %arg18: memref<80x128xi32, #tpu.memory_space<vmem>>, %arg19: memref<80x128xi32, #tpu.memory_space<vmem>>, %arg20: memref<!tpu.dma_semaphore, #tpu.memory_space<semaphore_mem>>, %arg21: memref<!tpu.dma_semaphore, #tpu.memory_space<semaphore_mem>>, %arg22: memref<!tpu.dma_semaphore, #tpu.memory_space<semaphore_mem>>, %arg23: memref<!tpu.dma_semaphore, #tpu.memory_space<semaphore_mem>>, %arg24: memref<!tpu.dma_semaphore, #tpu.memory_space<semaphore_mem>>, %arg25: memref<!tpu.dma_semaphore, #tpu.memory_space<semaphore_mem>>, %arg26: memref<!tpu.dma_semaphore, #tpu.memory_space<semaphore_mem>>, %arg27: memref<!tpu.dma_semaphore, #tpu.memory_space<semaphore_mem>>) attributes {dimension_semantics = [#tpu.dimension_semantics<core_parallel>, #tpu.dimension_semantics<subcore_parallel>], iteration_bounds = array<i64: 2, 16>, scalar_prefetch = 0 : i64, scratch_operands = 18 : i64, tpu.core_type = #tpu.core_type<sc_vector_subcore>, window_params = [{transform_indices = #map}, {transform_indices = #map}, {transform_indices = #map}, {transform_indices = #map}, {transform_indices = #map1}, {transform_indices = #map}, {transform_indices = #map}, {transform_indices = #map}]} {
    %mul3A = arith.constant 2 : i32
    %mul3A_0 = arith.muli %arg1, %mul3A : i32
    %add3A = arith.addi %mul3A_0, %arg0 : i32
    %scan3A = arith.constant 0 : i32
    %scan3A_1 = arith.constant 0 : i32
    %scan3A_2 = arith.constant 64 : i32
    %scan3A_3 = arith.addi %scan3A_1, %scan3A_2 : i32
    %scan3A_4 = arith.constant 1 : i32
    scf.for %scan3A_86 = %scan3A_1 to %scan3A_3 step %scan3A_4  : i32 {
      %broadcast_in_dim3A = arith.constant 0.000000e+00 : f32
      %broadcast_in_dim3A_87 = vector.broadcast %broadcast_in_dim3A : f32 to vector<16xf32>
      %swap3A = arith.index_cast %scan3A_86 : i32 to index
      %swap3A_88 = arith.constant 0 : index
      %swap3A_89 = tpu.vector_load %arg11[%swap3A, %swap3A_88] {strides = array<i32>} : memref<64x64xf32, #tpu.memory_space<vmem>>, vector<1x16xf32>,
      %swap3A_90 = vector.shape_cast %swap3A_89 : vector<1x16xf32> to vector<16xf32>
      %swap3A_91 = vector.shape_cast %broadcast_in_dim3A_87 : vector<16xf32> to vector<1x16xf32>
      tpu.vector_store %arg11[%swap3A, %swap3A_88], %swap3A_91 {strides = array<i32>} : memref<64x64xf32, #tpu.memory_space<vmem>>, vector<1x16xf32>,
      %broadcast_in_dim3A_92 = arith.constant 0.000000e+00 : f32
      %broadcast_in_dim3A_93 = vector.broadcast %broadcast_in_dim3A_92 : f32 to vector<16xf32>
      %swap3A_94 = arith.index_cast %scan3A_86 : i32 to index
      %swap3A_95 = arith.constant 16 : index
      %swap3A_96 = tpu.vector_load %arg11[%swap3A_94, %swap3A_95] {strides = array<i32>} : memref<64x64xf32, #tpu.memory_space<vmem>>, vector<1x16xf32>,
      %swap3A_97 = vector.shape_cast %swap3A_96 : vector<1x16xf32> to vector<16xf32>
      %swap3A_98 = vector.shape_cast %broadcast_in_dim3A_93 : vector<16xf32> to vector<1x16xf32>
      tpu.vector_store %arg11[%swap3A_94, %swap3A_95], %swap3A_98 {strides = array<i32>} : memref<64x64xf32, #tpu.memory_space<vmem>>, vector<1x16xf32>,
      %broadcast_in_dim3A_99 = arith.constant 0.000000e+00 : f32
      %broadcast_in_dim3A_100 = vector.broadcast %broadcast_in_dim3A_99 : f32 to vector<16xf32>
      %swap3A_101 = arith.index_cast %scan3A_86 : i32 to index
      %swap3A_102 = arith.constant 32 : index
      %swap3A_103 = tpu.vector_load %arg11[%swap3A_101, %swap3A_102] {strides = array<i32>} : memref<64x64xf32, #tpu.memory_space<vmem>>, vector<1x16xf32>,
      %swap3A_104 = vector.shape_cast %swap3A_103 : vector<1x16xf32> to vector<16xf32>
      %swap3A_105 = vector.shape_cast %broadcast_in_dim3A_100 : vector<16xf32> to vector<1x16xf32>
      tpu.vector_store %arg11[%swap3A_101, %swap3A_102], %swap3A_105 {strides = array<i32>} : memref<64x64xf32, #tpu.memory_space<vmem>>, vector<1x16xf32>,
      %broadcast_in_dim3A_106 = arith.constant 0.000000e+00 : f32
      %broadcast_in_dim3A_107 = vector.broadcast %broadcast_in_dim3A_106 : f32 to vector<16xf32>
      %swap3A_108 = arith.index_cast %scan3A_86 : i32 to index
      %swap3A_109 = arith.constant 48 : index
      %swap3A_110 = tpu.vector_load %arg11[%swap3A_108, %swap3A_109] {strides = array<i32>} : memref<64x64xf32, #tpu.memory_space<vmem>>, vector<1x16xf32>,
      %swap3A_111 = vector.shape_cast %swap3A_110 : vector<1x16xf32> to vector<16xf32>
      %swap3A_112 = vector.shape_cast %broadcast_in_dim3A_107 : vector<16xf32> to vector<1x16xf32>
      tpu.vector_store %arg11[%swap3A_108, %swap3A_109], %swap3A_112 {strides = array<i32>} : memref<64x64xf32, #tpu.memory_space<vmem>>, vector<1x16xf32>,
    }
    %scan3A_5 = arith.constant 64 : i32
    %scan3A_6 = arith.constant 0 : i32
    %scan3A_7 = arith.constant 0 : i32
    %scan3A_8 = arith.constant 10 : i32
    %scan3A_9 = arith.addi %scan3A_7, %scan3A_8 : i32
    %scan3A_10 = arith.constant 1 : i32
    scf.for %scan3A_86 = %scan3A_7 to %scan3A_9 step %scan3A_10  : i32 {
      %mul3A_87 = arith.constant 640 : i32
      %mul3A_88 = arith.muli %arg1, %mul3A_87 : i32
      %mul3A_89 = arith.constant 64 : i32
      %mul3A_90 = arith.muli %scan3A_86, %mul3A_89 : i32
      %add3A_91 = arith.addi %mul3A_88, %mul3A_90 : i32
      "tpu.region"() ({
        %run_scoped3A = tpu.sem_alloc : memref<!tpu.dma_semaphore, #tpu.memory_space<semaphore_mem>>
        %dma_start3A_92 = arith.constant 0 : i32
        %dma_start3A_93 = tpu.memref_slice %arg10[%add3A_91, %dma_start3A_92] : memref<10240x64xf32, #tpu.memory_space<vmem_shared>> -> memref<64x64xf32, #tpu.memory_space<vmem_shared>>
        %dma_start3A_94 = arith.constant 0 : i32
        %dma_start3A_95 = tpu.memref_slice %arg10[%add3A_91, %dma_start3A_94] : memref<10240x64xf32, #tpu.memory_space<vmem_shared>> -> memref<64x64xf32, #tpu.memory_space<vmem_shared>>
        tpu.enqueue_dma source(%arg11 : memref<64x64xf32, #tpu.memory_space<vmem>>) target(%dma_start3A_95 : memref<64x64xf32, #tpu.memory_space<vmem_shared>>) target_semaphore(%run_scoped3A : memref<!tpu.dma_semaphore, #tpu.memory_space<semaphore_mem>>)
        %dma_wait3A_96 = arith.constant 0 : i32
        %dma_wait3A_97 = tpu.memref_slice %arg10[%add3A_91, %dma_wait3A_96] : memref<10240x64xf32, #tpu.memory_space<vmem_shared>> -> memref<64x64xf32, #tpu.memory_space<vmem_shared>>
        %dma_wait3A_98 = arith.constant 0 : i32
        %dma_wait3A_99 = tpu.memref_slice %arg10[%add3A_91, %dma_wait3A_98] : memref<10240x64xf32, #tpu.memory_space<vmem_shared>> -> memref<64x64xf32, #tpu.memory_space<vmem_shared>>
        tpu.wait_dma2 semaphore(%run_scoped3A : memref<!tpu.dma_semaphore, #tpu.memory_space<semaphore_mem>>) src(%arg11 : memref<64x64xf32, #tpu.memory_space<vmem>>) dst(%dma_wait3A_99 : memref<64x64xf32, #tpu.memory_space<vmem_shared>>)
        tpu.yield
      }) : () -> ()
    }
    %scan3A_11 = arith.constant 10 : i32
    %mul3A_12 = arith.constant 80 : i32
    %mul3A_13 = arith.muli %add3A, %mul3A_12 : i32
    "tpu.region"() ({
      %run_scoped3A = tpu.sem_alloc : memref<!tpu.dma_semaphore, #tpu.memory_space<semaphore_mem>>
      %dma_start3A_86 = arith.constant 0 : i32
      %dma_start3A_87 = tpu.memref_slice %arg3[%mul3A_13, %dma_start3A_86] : memref<2560x128xi32, #tpu.memory_space<hbm>> -> memref<80x128xi32, #tpu.memory_space<hbm>>
      %dma_start3A_88 = arith.constant 0 : i32
      %dma_start3A_89 = tpu.memref_slice %arg3[%mul3A_13, %dma_start3A_88] : memref<2560x128xi32, #tpu.memory_space<hbm>> -> memref<80x128xi32, #tpu.memory_space<hbm>>
      tpu.enqueue_dma source(%dma_start3A_89 : memref<80x128xi32, #tpu.memory_space<hbm>>) target(%arg18 : memref<80x128xi32, #tpu.memory_space<vmem>>) target_semaphore(%run_scoped3A : memref<!tpu.dma_semaphore, #tpu.memory_space<semaphore_mem>>)
      %dma_wait3A_90 = arith.constant 0 : i32
      %dma_wait3A_91 = tpu.memref_slice %arg3[%mul3A_13, %dma_wait3A_90] : memref<2560x128xi32, #tpu.memory_space<hbm>> -> memref<80x128xi32, #tpu.memory_space<hbm>>
      %dma_wait3A_92 = arith.constant 0 : i32
      %dma_wait3A_93 = tpu.memref_slice %arg3[%mul3A_13, %dma_wait3A_92] : memref<2560x128xi32, #tpu.memory_space<hbm>> -> memref<80x128xi32, #tpu.memory_space<hbm>>
      tpu.wait_dma2 semaphore(%run_scoped3A : memref<!tpu.dma_semaphore, #tpu.memory_space<semaphore_mem>>) src(%dma_wait3A_93 : memref<80x128xi32, #tpu.memory_space<hbm>>) dst(%arg18 : memref<80x128xi32, #tpu.memory_space<vmem>>)
      tpu.yield
    }) : () -> ()
    %mul3A_14 = arith.constant 80 : i32
    %mul3A_15 = arith.muli %add3A, %mul3A_14 : i32
    "tpu.region"() ({
      %run_scoped3A = tpu.sem_alloc : memref<!tpu.dma_semaphore, #tpu.memory_space<semaphore_mem>>
      %dma_start3A_86 = arith.constant 0 : i32
      %dma_start3A_87 = tpu.memref_slice %arg4[%mul3A_15, %dma_start3A_86] : memref<2560x128xi32, #tpu.memory_space<hbm>> -> memref<80x128xi32, #tpu.memory_space<hbm>>
      %dma_start3A_88 = arith.constant 0 : i32
      %dma_start3A_89 = tpu.memref_slice %arg4[%mul3A_15, %dma_start3A_88] : memref<2560x128xi32, #tpu.memory_space<hbm>> -> memref<80x128xi32, #tpu.memory_space<hbm>>
      tpu.enqueue_dma source(%dma_start3A_89 : memref<80x128xi32, #tpu.memory_space<hbm>>) target(%arg19 : memref<80x128xi32, #tpu.memory_space<vmem>>) target_semaphore(%run_scoped3A : memref<!tpu.dma_semaphore, #tpu.memory_space<semaphore_mem>>)
      %dma_wait3A_90 = arith.constant 0 : i32
      %dma_wait3A_91 = tpu.memref_slice %arg4[%mul3A_15, %dma_wait3A_90] : memref<2560x128xi32, #tpu.memory_space<hbm>> -> memref<80x128xi32, #tpu.memory_space<hbm>>
      %dma_wait3A_92 = arith.constant 0 : i32
      %dma_wait3A_93 = tpu.memref_slice %arg4[%mul3A_15, %dma_wait3A_92] : memref<2560x128xi32, #tpu.memory_space<hbm>> -> memref<80x128xi32, #tpu.memory_space<hbm>>
      tpu.wait_dma2 semaphore(%run_scoped3A : memref<!tpu.dma_semaphore, #tpu.memory_space<semaphore_mem>>) src(%dma_wait3A_93 : memref<80x128xi32, #tpu.memory_space<hbm>>) dst(%arg19 : memref<80x128xi32, #tpu.memory_space<vmem>>)
      tpu.yield
    }) : () -> ()
    %barrier3A = arith.constant 0 : index
    tpu.barrier barrier_id(%barrier3A)
    %mul3A_16 = arith.constant 80 : i32
    %mul3A_17 = arith.muli %add3A, %mul3A_16 : i32
    %sub3A = arith.constant 2500 : i32
    %sub3A_18 = arith.subi %sub3A, %mul3A_17 : i32
    %max3A = arith.constant 0 : i32
    %max3A_19 = arith.maxsi %max3A, %sub3A_18 : i32
    %min3A = arith.constant 80 : i32
    %min3A_20 = arith.minsi %min3A, %max3A_19 : i32
    %gt3A = arith.constant 0 : i32
    %gt3A_21 = arith.cmpi sgt, %min3A_20, %gt3A : i32
    %convert_element_type3A = arith.extui %gt3A_21 : i1 to i32
    %cond3A = arith.constant 0 : i32
    %cond3A_22 = arith.cmpi ne, %convert_element_type3A, %cond3A : i32
    scf.if %cond3A_22 {
      %dma_start3A_86 = arith.constant 0 : i32
      %dma_start3A_87 = arith.constant 0 : i32
      %dma_start3A_88 = tpu.memref_slice %arg18[%dma_start3A_86, %dma_start3A_87] : memref<80x128xi32, #tpu.memory_space<vmem>> -> memref<1x128xi32, #tpu.memory_space<vmem>>
      %dma_start3A_89 = tpu.memref_squeeze %dma_start3A_88 : memref<1x128xi32, #tpu.memory_space<vmem>> -> memref<128xi32, #tpu.memory_space<vmem>>
      %dma_start3A_90 = arith.constant 0 : i32
      %dma_start3A_91 = arith.constant 0 : i32
      %dma_start3A_92 = tpu.memref_slice %arg2[%dma_start3A_90, %dma_start3A_91] : memref<10000x64xf32, #tpu.memory_space<hbm>> -> memref<10000x64xf32, #tpu.memory_space<hbm>>
      tpu.enqueue_indirect_dma source(%dma_start3A_92 : memref<10000x64xf32, #tpu.memory_space<hbm>>) target(%arg12 : memref<128x64xf32, #tpu.memory_space<vmem>>) offsets(%dma_start3A_89 : memref<128xi32, #tpu.memory_space<vmem>>) semaphore(%arg20 : memref<!tpu.dma_semaphore, #tpu.memory_space<semaphore_mem>>)
    } else {
    }
    %gt3A_23 = arith.constant 1 : i32
    %gt3A_24 = arith.cmpi sgt, %min3A_20, %gt3A_23 : i32
    %convert_element_type3A_25 = arith.extui %gt3A_24 : i1 to i32
    %cond3A_26 = arith.constant 0 : i32
    %cond3A_27 = arith.cmpi ne, %convert_element_type3A_25, %cond3A_26 : i32
    scf.if %cond3A_27 {
      %dma_start3A_86 = arith.constant 1 : i32
      %dma_start3A_87 = arith.constant 0 : i32
      %dma_start3A_88 = tpu.memref_slice %arg18[%dma_start3A_86, %dma_start3A_87] : memref<80x128xi32, #tpu.memory_space<vmem>> -> memref<1x128xi32, #tpu.memory_space<vmem>>
      %dma_start3A_89 = tpu.memref_squeeze %dma_start3A_88 : memref<1x128xi32, #tpu.memory_space<vmem>> -> memref<128xi32, #tpu.memory_space<vmem>>
      %dma_start3A_90 = arith.constant 0 : i32
      %dma_start3A_91 = arith.constant 0 : i32
      %dma_start3A_92 = tpu.memref_slice %arg2[%dma_start3A_90, %dma_start3A_91] : memref<10000x64xf32, #tpu.memory_space<hbm>> -> memref<10000x64xf32, #tpu.memory_space<hbm>>
      tpu.enqueue_indirect_dma source(%dma_start3A_92 : memref<10000x64xf32, #tpu.memory_space<hbm>>) target(%arg13 : memref<128x64xf32, #tpu.memory_space<vmem>>) offsets(%dma_start3A_89 : memref<128xi32, #tpu.memory_space<vmem>>) semaphore(%arg21 : memref<!tpu.dma_semaphore, #tpu.memory_space<semaphore_mem>>)
    } else {
    }
    %gt3A_28 = arith.constant 2 : i32
    %gt3A_29 = arith.cmpi sgt, %min3A_20, %gt3A_28 : i32
    %convert_element_type3A_30 = arith.extui %gt3A_29 : i1 to i32
    %cond3A_31 = arith.constant 0 : i32
    %cond3A_32 = arith.cmpi ne, %convert_element_type3A_30, %cond3A_31 : i32
    scf.if %cond3A_32 {
      %dma_start3A_86 = arith.constant 2 : i32
      %dma_start3A_87 = arith.constant 0 : i32
      %dma_start3A_88 = tpu.memref_slice %arg18[%dma_start3A_86, %dma_start3A_87] : memref<80x128xi32, #tpu.memory_space<vmem>> -> memref<1x128xi32, #tpu.memory_space<vmem>>
      %dma_start3A_89 = tpu.memref_squeeze %dma_start3A_88 : memref<1x128xi32, #tpu.memory_space<vmem>> -> memref<128xi32, #tpu.memory_space<vmem>>
      %dma_start3A_90 = arith.constant 0 : i32
      %dma_start3A_91 = arith.constant 0 : i32
      %dma_start3A_92 = tpu.memref_slice %arg2[%dma_start3A_90, %dma_start3A_91] : memref<10000x64xf32, #tpu.memory_space<hbm>> -> memref<10000x64xf32, #tpu.memory_space<hbm>>
      tpu.enqueue_indirect_dma source(%dma_start3A_92 : memref<10000x64xf32, #tpu.memory_space<hbm>>) target(%arg14 : memref<128x64xf32, #tpu.memory_space<vmem>>) offsets(%dma_start3A_89 : memref<128xi32, #tpu.memory_space<vmem>>) semaphore(%arg22 : memref<!tpu.dma_semaphore, #tpu.memory_space<semaphore_mem>>)
    } else {
    }
    %gt3A_33 = arith.constant 3 : i32
    %gt3A_34 = arith.cmpi sgt, %min3A_20, %gt3A_33 : i32
    %convert_element_type3A_35 = arith.extui %gt3A_34 : i1 to i32
    %cond3A_36 = arith.constant 0 : i32
    %cond3A_37 = arith.cmpi ne, %convert_element_type3A_35, %cond3A_36 : i32
    scf.if %cond3A_37 {
      %dma_start3A_86 = arith.constant 3 : i32
      %dma_start3A_87 = arith.constant 0 : i32
      %dma_start3A_88 = tpu.memref_slice %arg18[%dma_start3A_86, %dma_start3A_87] : memref<80x128xi32, #tpu.memory_space<vmem>> -> memref<1x128xi32, #tpu.memory_space<vmem>>
      %dma_start3A_89 = tpu.memref_squeeze %dma_start3A_88 : memref<1x128xi32, #tpu.memory_space<vmem>> -> memref<128xi32, #tpu.memory_space<vmem>>
      %dma_start3A_90 = arith.constant 0 : i32
      %dma_start3A_91 = arith.constant 0 : i32
      %dma_start3A_92 = tpu.memref_slice %arg2[%dma_start3A_90, %dma_start3A_91] : memref<10000x64xf32, #tpu.memory_space<hbm>> -> memref<10000x64xf32, #tpu.memory_space<hbm>>
      tpu.enqueue_indirect_dma source(%dma_start3A_92 : memref<10000x64xf32, #tpu.memory_space<hbm>>) target(%arg15 : memref<128x64xf32, #tpu.memory_space<vmem>>) offsets(%dma_start3A_89 : memref<128xi32, #tpu.memory_space<vmem>>) semaphore(%arg23 : memref<!tpu.dma_semaphore, #tpu.memory_space<semaphore_mem>>)
    } else {
    }
    %jit3A = arith.constant 4 : i32
    %div3A = arith.divsi %min3A_20, %jit3A : i32
    %sign3A = arith.constant 0 : i32
    %sign3A_38 = arith.cmpi sgt, %min3A_20, %sign3A : i32
    %sign3A_39 = arith.extui %sign3A_38 : i1 to i32
    %sign3A_40 = arith.constant 0 : i32
    %sign3A_41 = arith.cmpi slt, %min3A_20, %sign3A_40 : i32
    %sign3A_42 = arith.extui %sign3A_41 : i1 to i32
    %sign3A_43 = arith.subi %sign3A_39, %sign3A_42 : i32
    %sign3A_44 = arith.constant 0 : i32
    %sign3A_45 = arith.cmpi sgt, %jit3A, %sign3A_44 : i32
    %sign3A_46 = arith.extui %sign3A_45 : i1 to i32
    %sign3A_47 = arith.constant 0 : i32
    %sign3A_48 = arith.cmpi slt, %jit3A, %sign3A_47 : i32
    %sign3A_49 = arith.extui %sign3A_48 : i1 to i32
    %sign3A_50 = arith.subi %sign3A_46, %sign3A_49 : i32
    %ne3A = arith.cmpi ne, %sign3A_43, %sign3A_50 : i32
    %rem3A = arith.remsi %min3A_20, %jit3A : i32
    %ne3A_51 = arith.constant 0 : i32
    %ne3A_52 = arith.cmpi ne, %rem3A, %ne3A_51 : i32
    %and3A = arith.andi %ne3A, %ne3A_52 : i1
    %sub3A_53 = arith.constant 1 : i32
    %sub3A_54 = arith.subi %div3A, %sub3A_53 : i32
    %select_n3A = arith.select %and3A, %sub3A_54, %div3A : i32
    %while3A = arith.constant 0 : i32
    %while3A_55 = arith.constant 0 : i32
    %while3A_56 = arith.subi %select_n3A, %while3A_55 : i32
    %while3A_57 = arith.addi %while3A_55, %while3A_56 : i32
    %while3A_58 = arith.constant 1 : i32
    %while3A_59 = arith.divsi %while3A_56, %while3A_58 : i32
    %while3A_60 = arith.muli %while3A_59, %while3A_58 : i32
    %while3A_61 = arith.addi %while3A_55, %while3A_60 : i32
    %while3A_62 = arith.constant 1 : i32
    scf.for %while3A_86 = %while3A_55 to %while3A_61 step %while3A_62  : i32 {
      %mul3A_87 = arith.constant 4 : i32
      %mul3A_88 = arith.muli %mul3A_87, %while3A_86 : i32
      %add3A_89 = arith.constant 0 : i32
      %add3A_90 = arith.addi %mul3A_88, %add3A_89 : i32
      %dma_wait3A_91 = arith.constant 0 : i32
      %dma_wait3A_92 = tpu.memref_slice %arg18[%add3A_90, %dma_wait3A_91] : memref<80x128xi32, #tpu.memory_space<vmem>> -> memref<1x128xi32, #tpu.memory_space<vmem>>
      %dma_wait3A_93 = tpu.memref_squeeze %dma_wait3A_92 : memref<1x128xi32, #tpu.memory_space<vmem>> -> memref<128xi32, #tpu.memory_space<vmem>>
      %dma_wait3A_94 = arith.constant 0 : i32
      %dma_wait3A_95 = arith.constant 0 : i32
      %dma_wait3A_96 = tpu.memref_slice %arg2[%dma_wait3A_94, %dma_wait3A_95] : memref<10000x64xf32, #tpu.memory_space<hbm>> -> memref<10000x64xf32, #tpu.memory_space<hbm>>
      tpu.wait_indirect_dma semaphore(%arg20 : memref<!tpu.dma_semaphore, #tpu.memory_space<semaphore_mem>>) src(%dma_wait3A_96 : memref<10000x64xf32, #tpu.memory_space<hbm>>) dst(%arg12 : memref<128x64xf32, #tpu.memory_space<vmem>>)
      %add3A_97 = arith.constant 0 : i32
      %add3A_98 = arith.addi %mul3A_88, %add3A_97 : i32
      %dma_start3A_99 = arith.constant 0 : i32
      %dma_start3A_100 = tpu.memref_slice %arg19[%add3A_98, %dma_start3A_99] : memref<80x128xi32, #tpu.memory_space<vmem>> -> memref<1x128xi32, #tpu.memory_space<vmem>>
      %dma_start3A_101 = tpu.memref_squeeze %dma_start3A_100 : memref<1x128xi32, #tpu.memory_space<vmem>> -> memref<128xi32, #tpu.memory_space<vmem>>
      %dma_start3A_102 = arith.constant 0 : i32
      %dma_start3A_103 = arith.constant 0 : i32
      %dma_start3A_104 = tpu.memref_slice %arg10[%dma_start3A_102, %dma_start3A_103] : memref<10240x64xf32, #tpu.memory_space<vmem_shared>> -> memref<10240x64xf32, #tpu.memory_space<vmem_shared>>
      tpu.enqueue_indirect_dma source(%arg12 : memref<128x64xf32, #tpu.memory_space<vmem>>) target(%dma_start3A_104 : memref<10240x64xf32, #tpu.memory_space<vmem_shared>>) offsets(%dma_start3A_101 : memref<128xi32, #tpu.memory_space<vmem>>) semaphore(%arg24 : memref<!tpu.dma_semaphore, #tpu.memory_space<semaphore_mem>>) {add = true}
      %add3A_105 = arith.constant 1 : i32
      %add3A_106 = arith.addi %mul3A_88, %add3A_105 : i32
      %dma_wait3A_107 = arith.constant 0 : i32
      %dma_wait3A_108 = tpu.memref_slice %arg18[%add3A_106, %dma_wait3A_107] : memref<80x128xi32, #tpu.memory_space<vmem>> -> memref<1x128xi32, #tpu.memory_space<vmem>>
      %dma_wait3A_109 = tpu.memref_squeeze %dma_wait3A_108 : memref<1x128xi32, #tpu.memory_space<vmem>> -> memref<128xi32, #tpu.memory_space<vmem>>
      %dma_wait3A_110 = arith.constant 0 : i32
      %dma_wait3A_111 = arith.constant 0 : i32
      %dma_wait3A_112 = tpu.memref_slice %arg2[%dma_wait3A_110, %dma_wait3A_111] : memref<10000x64xf32, #tpu.memory_space<hbm>> -> memref<10000x64xf32, #tpu.memory_space<hbm>>
      tpu.wait_indirect_dma semaphore(%arg21 : memref<!tpu.dma_semaphore, #tpu.memory_space<semaphore_mem>>) src(%dma_wait3A_112 : memref<10000x64xf32, #tpu.memory_space<hbm>>) dst(%arg13 : memref<128x64xf32, #tpu.memory_space<vmem>>)
      %add3A_113 = arith.constant 1 : i32
      %add3A_114 = arith.addi %mul3A_88, %add3A_113 : i32
      %dma_start3A_115 = arith.constant 0 : i32
      %dma_start3A_116 = tpu.memref_slice %arg19[%add3A_114, %dma_start3A_115] : memref<80x128xi32, #tpu.memory_space<vmem>> -> memref<1x128xi32, #tpu.memory_space<vmem>>
      %dma_start3A_117 = tpu.memref_squeeze %dma_start3A_116 : memref<1x128xi32, #tpu.memory_space<vmem>> -> memref<128xi32, #tpu.memory_space<vmem>>
      %dma_start3A_118 = arith.constant 0 : i32
      %dma_start3A_119 = arith.constant 0 : i32
      %dma_start3A_120 = tpu.memref_slice %arg10[%dma_start3A_118, %dma_start3A_119] : memref<10240x64xf32, #tpu.memory_space<vmem_shared>> -> memref<10240x64xf32, #tpu.memory_space<vmem_shared>>
      tpu.enqueue_indirect_dma source(%arg13 : memref<128x64xf32, #tpu.memory_space<vmem>>) target(%dma_start3A_120 : memref<10240x64xf32, #tpu.memory_space<vmem_shared>>) offsets(%dma_start3A_117 : memref<128xi32, #tpu.memory_space<vmem>>) semaphore(%arg25 : memref<!tpu.dma_semaphore, #tpu.memory_space<semaphore_mem>>) {add = true}
      %add3A_121 = arith.constant 2 : i32
      %add3A_122 = arith.addi %mul3A_88, %add3A_121 : i32
      %dma_wait3A_123 = arith.constant 0 : i32
      %dma_wait3A_124 = tpu.memref_slice %arg18[%add3A_122, %dma_wait3A_123] : memref<80x128xi32, #tpu.memory_space<vmem>> -> memref<1x128xi32, #tpu.memory_space<vmem>>
      %dma_wait3A_125 = tpu.memref_squeeze %dma_wait3A_124 : memref<1x128xi32, #tpu.memory_space<vmem>> -> memref<128xi32, #tpu.memory_space<vmem>>
      %dma_wait3A_126 = arith.constant 0 : i32
      %dma_wait3A_127 = arith.constant 0 : i32
      %dma_wait3A_128 = tpu.memref_slice %arg2[%dma_wait3A_126, %dma_wait3A_127] : memref<10000x64xf32, #tpu.memory_space<hbm>> -> memref<10000x64xf32, #tpu.memory_space<hbm>>
      tpu.wait_indirect_dma semaphore(%arg22 : memref<!tpu.dma_semaphore, #tpu.memory_space<semaphore_mem>>) src(%dma_wait3A_128 : memref<10000x64xf32, #tpu.memory_space<hbm>>) dst(%arg14 : memref<128x64xf32, #tpu.memory_space<vmem>>)
      %add3A_129 = arith.constant 2 : i32
      %add3A_130 = arith.addi %mul3A_88, %add3A_129 : i32
      %dma_start3A_131 = arith.constant 0 : i32
      %dma_start3A_132 = tpu.memref_slice %arg19[%add3A_130, %dma_start3A_131] : memref<80x128xi32, #tpu.memory_space<vmem>> -> memref<1x128xi32, #tpu.memory_space<vmem>>
      %dma_start3A_133 = tpu.memref_squeeze %dma_start3A_132 : memref<1x128xi32, #tpu.memory_space<vmem>> -> memref<128xi32, #tpu.memory_space<vmem>>
      %dma_start3A_134 = arith.constant 0 : i32
      %dma_start3A_135 = arith.constant 0 : i32
      %dma_start3A_136 = tpu.memref_slice %arg10[%dma_start3A_134, %dma_start3A_135] : memref<10240x64xf32, #tpu.memory_space<vmem_shared>> -> memref<10240x64xf32, #tpu.memory_space<vmem_shared>>
      tpu.enqueue_indirect_dma source(%arg14 : memref<128x64xf32, #tpu.memory_space<vmem>>) target(%dma_start3A_136 : memref<10240x64xf32, #tpu.memory_space<vmem_shared>>) offsets(%dma_start3A_133 : memref<128xi32, #tpu.memory_space<vmem>>) semaphore(%arg26 : memref<!tpu.dma_semaphore, #tpu.memory_space<semaphore_mem>>) {add = true}
      %add3A_137 = arith.constant 3 : i32
      %add3A_138 = arith.addi %mul3A_88, %add3A_137 : i32
      %dma_wait3A_139 = arith.constant 0 : i32
      %dma_wait3A_140 = tpu.memref_slice %arg18[%add3A_138, %dma_wait3A_139] : memref<80x128xi32, #tpu.memory_space<vmem>> -> memref<1x128xi32, #tpu.memory_space<vmem>>
      %dma_wait3A_141 = tpu.memref_squeeze %dma_wait3A_140 : memref<1x128xi32, #tpu.memory_space<vmem>> -> memref<128xi32, #tpu.memory_space<vmem>>
      %dma_wait3A_142 = arith.constant 0 : i32
      %dma_wait3A_143 = arith.constant 0 : i32
      %dma_wait3A_144 = tpu.memref_slice %arg2[%dma_wait3A_142, %dma_wait3A_143] : memref<10000x64xf32, #tpu.memory_space<hbm>> -> memref<10000x64xf32, #tpu.memory_space<hbm>>
      tpu.wait_indirect_dma semaphore(%arg23 : memref<!tpu.dma_semaphore, #tpu.memory_space<semaphore_mem>>) src(%dma_wait3A_144 : memref<10000x64xf32, #tpu.memory_space<hbm>>) dst(%arg15 : memref<128x64xf32, #tpu.memory_space<vmem>>)
      %add3A_145 = arith.constant 3 : i32
      %add3A_146 = arith.addi %mul3A_88, %add3A_145 : i32
      %dma_start3A_147 = arith.constant 0 : i32
      %dma_start3A_148 = tpu.memref_slice %arg19[%add3A_146, %dma_start3A_147] : memref<80x128xi32, #tpu.memory_space<vmem>> -> memref<1x128xi32, #tpu.memory_space<vmem>>
      %dma_start3A_149 = tpu.memref_squeeze %dma_start3A_148 : memref<1x128xi32, #tpu.memory_space<vmem>> -> memref<128xi32, #tpu.memory_space<vmem>>
      %dma_start3A_150 = arith.constant 0 : i32
      %dma_start3A_151 = arith.constant 0 : i32
      %dma_start3A_152 = tpu.memref_slice %arg10[%dma_start3A_150, %dma_start3A_151] : memref<10240x64xf32, #tpu.memory_space<vmem_shared>> -> memref<10240x64xf32, #tpu.memory_space<vmem_shared>>
      tpu.enqueue_indirect_dma source(%arg15 : memref<128x64xf32, #tpu.memory_space<vmem>>) target(%dma_start3A_152 : memref<10240x64xf32, #tpu.memory_space<vmem_shared>>) offsets(%dma_start3A_149 : memref<128xi32, #tpu.memory_space<vmem>>) semaphore(%arg27 : memref<!tpu.dma_semaphore, #tpu.memory_space<semaphore_mem>>) {add = true}
      %add3A_153 = arith.constant 0 : i32
      %add3A_154 = arith.addi %mul3A_88, %add3A_153 : i32
      %dma_wait3A_155 = arith.constant 0 : i32
      %dma_wait3A_156 = tpu.memref_slice %arg19[%add3A_154, %dma_wait3A_155] : memref<80x128xi32, #tpu.memory_space<vmem>> -> memref<1x128xi32, #tpu.memory_space<vmem>>
      %dma_wait3A_157 = tpu.memref_squeeze %dma_wait3A_156 : memref<1x128xi32, #tpu.memory_space<vmem>> -> memref<128xi32, #tpu.memory_space<vmem>>
      %dma_wait3A_158 = arith.constant 0 : i32
      %dma_wait3A_159 = arith.constant 0 : i32
      %dma_wait3A_160 = tpu.memref_slice %arg10[%dma_wait3A_158, %dma_wait3A_159] : memref<10240x64xf32, #tpu.memory_space<vmem_shared>> -> memref<10240x64xf32, #tpu.memory_space<vmem_shared>>
      tpu.wait_indirect_dma semaphore(%arg24 : memref<!tpu.dma_semaphore, #tpu.memory_space<semaphore_mem>>) src(%arg12 : memref<128x64xf32, #tpu.memory_space<vmem>>) dst(%dma_wait3A_160 : memref<10240x64xf32, #tpu.memory_space<vmem_shared>>)
      %add3A_161 = arith.constant 4 : i32
      %add3A_162 = arith.addi %mul3A_88, %add3A_161 : i32
      %add3A_163 = arith.constant 0 : i32
      %add3A_164 = arith.addi %add3A_162, %add3A_163 : i32
      %lt3A = arith.cmpi slt, %add3A_164, %min3A_20 : i32
      %convert_element_type3A_165 = arith.extui %lt3A : i1 to i32
      %cond3A_166 = arith.constant 0 : i32
      %cond3A_167 = arith.cmpi ne, %convert_element_type3A_165, %cond3A_166 : i32
      scf.if %cond3A_167 {
        %add3A_216 = arith.constant 4 : i32
        %add3A_217 = arith.addi %mul3A_88, %add3A_216 : i32
        %add3A_218 = arith.constant 0 : i32
        %add3A_219 = arith.addi %add3A_217, %add3A_218 : i32
        %dma_start3A_220 = arith.constant 0 : i32
        %dma_start3A_221 = tpu.memref_slice %arg18[%add3A_219, %dma_start3A_220] : memref<80x128xi32, #tpu.memory_space<vmem>> -> memref<1x128xi32, #tpu.memory_space<vmem>>
        %dma_start3A_222 = tpu.memref_squeeze %dma_start3A_221 : memref<1x128xi32, #tpu.memory_space<vmem>> -> memref<128xi32, #tpu.memory_space<vmem>>
        %dma_start3A_223 = arith.constant 0 : i32
        %dma_start3A_224 = arith.constant 0 : i32
        %dma_start3A_225 = tpu.memref_slice %arg2[%dma_start3A_223, %dma_start3A_224] : memref<10000x64xf32, #tpu.memory_space<hbm>> -> memref<10000x64xf32, #tpu.memory_space<hbm>>
        tpu.enqueue_indirect_dma source(%dma_start3A_225 : memref<10000x64xf32, #tpu.memory_space<hbm>>) target(%arg12 : memref<128x64xf32, #tpu.memory_space<vmem>>) offsets(%dma_start3A_222 : memref<128xi32, #tpu.memory_space<vmem>>) semaphore(%arg20 : memref<!tpu.dma_semaphore, #tpu.memory_space<semaphore_mem>>)
      } else {
      }
      %add3A_168 = arith.constant 1 : i32
      %add3A_169 = arith.addi %mul3A_88, %add3A_168 : i32
      %dma_wait3A_170 = arith.constant 0 : i32
      %dma_wait3A_171 = tpu.memref_slice %arg19[%add3A_169, %dma_wait3A_170] : memref<80x128xi32, #tpu.memory_space<vmem>> -> memref<1x128xi32, #tpu.memory_space<vmem>>
      %dma_wait3A_172 = tpu.memref_squeeze %dma_wait3A_171 : memref<1x128xi32, #tpu.memory_space<vmem>> -> memref<128xi32, #tpu.memory_space<vmem>>
      %dma_wait3A_173 = arith.constant 0 : i32
      %dma_wait3A_174 = arith.constant 0 : i32
      %dma_wait3A_175 = tpu.memref_slice %arg10[%dma_wait3A_173, %dma_wait3A_174] : memref<10240x64xf32, #tpu.memory_space<vmem_shared>> -> memref<10240x64xf32, #tpu.memory_space<vmem_shared>>
      tpu.wait_indirect_dma semaphore(%arg25 : memref<!tpu.dma_semaphore, #tpu.memory_space<semaphore_mem>>) src(%arg13 : memref<128x64xf32, #tpu.memory_space<vmem>>) dst(%dma_wait3A_175 : memref<10240x64xf32, #tpu.memory_space<vmem_shared>>)
      %add3A_176 = arith.constant 4 : i32
      %add3A_177 = arith.addi %mul3A_88, %add3A_176 : i32
      %add3A_178 = arith.constant 1 : i32
      %add3A_179 = arith.addi %add3A_177, %add3A_178 : i32
      %lt3A_180 = arith.cmpi slt, %add3A_179, %min3A_20 : i32
      %convert_element_type3A_181 = arith.extui %lt3A_180 : i1 to i32
      %cond3A_182 = arith.constant 0 : i32
      %cond3A_183 = arith.cmpi ne, %convert_element_type3A_181, %cond3A_182 : i32
      scf.if %cond3A_183 {
        %add3A_216 = arith.constant 4 : i32
        %add3A_217 = arith.addi %mul3A_88, %add3A_216 : i32
        %add3A_218 = arith.constant 1 : i32
        %add3A_219 = arith.addi %add3A_217, %add3A_218 : i32
        %dma_start3A_220 = arith.constant 0 : i32
        %dma_start3A_221 = tpu.memref_slice %arg18[%add3A_219, %dma_start3A_220] : memref<80x128xi32, #tpu.memory_space<vmem>> -> memref<1x128xi32, #tpu.memory_space<vmem>>
        %dma_start3A_222 = tpu.memref_squeeze %dma_start3A_221 : memref<1x128xi32, #tpu.memory_space<vmem>> -> memref<128xi32, #tpu.memory_space<vmem>>
        %dma_start3A_223 = arith.constant 0 : i32
        %dma_start3A_224 = arith.constant 0 : i32
        %dma_start3A_225 = tpu.memref_slice %arg2[%dma_start3A_223, %dma_start3A_224] : memref<10000x64xf32, #tpu.memory_space<hbm>> -> memref<10000x64xf32, #tpu.memory_space<hbm>>
        tpu.enqueue_indirect_dma source(%dma_start3A_225 : memref<10000x64xf32, #tpu.memory_space<hbm>>) target(%arg13 : memref<128x64xf32, #tpu.memory_space<vmem>>) offsets(%dma_start3A_222 : memref<128xi32, #tpu.memory_space<vmem>>) semaphore(%arg21 : memref<!tpu.dma_semaphore, #tpu.memory_space<semaphore_mem>>)
      } else {
      }
      %add3A_184 = arith.constant 2 : i32
      %add3A_185 = arith.addi %mul3A_88, %add3A_184 : i32
      %dma_wait3A_186 = arith.constant 0 : i32
      %dma_wait3A_187 = tpu.memref_slice %arg19[%add3A_185, %dma_wait3A_186] : memref<80x128xi32, #tpu.memory_space<vmem>> -> memref<1x128xi32, #tpu.memory_space<vmem>>
      %dma_wait3A_188 = tpu.memref_squeeze %dma_wait3A_187 : memref<1x128xi32, #tpu.memory_space<vmem>> -> memref<128xi32, #tpu.memory_space<vmem>>
      %dma_wait3A_189 = arith.constant 0 : i32
      %dma_wait3A_190 = arith.constant 0 : i32
      %dma_wait3A_191 = tpu.memref_slice %arg10[%dma_wait3A_189, %dma_wait3A_190] : memref<10240x64xf32, #tpu.memory_space<vmem_shared>> -> memref<10240x64xf32, #tpu.memory_space<vmem_shared>>
      tpu.wait_indirect_dma semaphore(%arg26 : memref<!tpu.dma_semaphore, #tpu.memory_space<semaphore_mem>>) src(%arg14 : memref<128x64xf32, #tpu.memory_space<vmem>>) dst(%dma_wait3A_191 : memref<10240x64xf32, #tpu.memory_space<vmem_shared>>)
      %add3A_192 = arith.constant 4 : i32
      %add3A_193 = arith.addi %mul3A_88, %add3A_192 : i32
      %add3A_194 = arith.constant 2 : i32
      %add3A_195 = arith.addi %add3A_193, %add3A_194 : i32
      %lt3A_196 = arith.cmpi slt, %add3A_195, %min3A_20 : i32
      %convert_element_type3A_197 = arith.extui %lt3A_196 : i1 to i32
      %cond3A_198 = arith.constant 0 : i32
      %cond3A_199 = arith.cmpi ne, %convert_element_type3A_197, %cond3A_198 : i32
      scf.if %cond3A_199 {
        %add3A_216 = arith.constant 4 : i32
        %add3A_217 = arith.addi %mul3A_88, %add3A_216 : i32
        %add3A_218 = arith.constant 2 : i32
        %add3A_219 = arith.addi %add3A_217, %add3A_218 : i32
        %dma_start3A_220 = arith.constant 0 : i32
        %dma_start3A_221 = tpu.memref_slice %arg18[%add3A_219, %dma_start3A_220] : memref<80x128xi32, #tpu.memory_space<vmem>> -> memref<1x128xi32, #tpu.memory_space<vmem>>
        %dma_start3A_222 = tpu.memref_squeeze %dma_start3A_221 : memref<1x128xi32, #tpu.memory_space<vmem>> -> memref<128xi32, #tpu.memory_space<vmem>>
        %dma_start3A_223 = arith.constant 0 : i32
        %dma_start3A_224 = arith.constant 0 : i32
        %dma_start3A_225 = tpu.memref_slice %arg2[%dma_start3A_223, %dma_start3A_224] : memref<10000x64xf32, #tpu.memory_space<hbm>> -> memref<10000x64xf32, #tpu.memory_space<hbm>>
        tpu.enqueue_indirect_dma source(%dma_start3A_225 : memref<10000x64xf32, #tpu.memory_space<hbm>>) target(%arg14 : memref<128x64xf32, #tpu.memory_space<vmem>>) offsets(%dma_start3A_222 : memref<128xi32, #tpu.memory_space<vmem>>) semaphore(%arg22 : memref<!tpu.dma_semaphore, #tpu.memory_space<semaphore_mem>>)
      } else {
      }
      %add3A_200 = arith.constant 3 : i32
      %add3A_201 = arith.addi %mul3A_88, %add3A_200 : i32
      %dma_wait3A_202 = arith.constant 0 : i32
      %dma_wait3A_203 = tpu.memref_slice %arg19[%add3A_201, %dma_wait3A_202] : memref<80x128xi32, #tpu.memory_space<vmem>> -> memref<1x128xi32, #tpu.memory_space<vmem>>
      %dma_wait3A_204 = tpu.memref_squeeze %dma_wait3A_203 : memref<1x128xi32, #tpu.memory_space<vmem>> -> memref<128xi32, #tpu.memory_space<vmem>>
      %dma_wait3A_205 = arith.constant 0 : i32
      %dma_wait3A_206 = arith.constant 0 : i32
      %dma_wait3A_207 = tpu.memref_slice %arg10[%dma_wait3A_205, %dma_wait3A_206] : memref<10240x64xf32, #tpu.memory_space<vmem_shared>> -> memref<10240x64xf32, #tpu.memory_space<vmem_shared>>
      tpu.wait_indirect_dma semaphore(%arg27 : memref<!tpu.dma_semaphore, #tpu.memory_space<semaphore_mem>>) src(%arg15 : memref<128x64xf32, #tpu.memory_space<vmem>>) dst(%dma_wait3A_207 : memref<10240x64xf32, #tpu.memory_space<vmem_shared>>)
      %add3A_208 = arith.constant 4 : i32
      %add3A_209 = arith.addi %mul3A_88, %add3A_208 : i32
      %add3A_210 = arith.constant 3 : i32
      %add3A_211 = arith.addi %add3A_209, %add3A_210 : i32
      %lt3A_212 = arith.cmpi slt, %add3A_211, %min3A_20 : i32
      %convert_element_type3A_213 = arith.extui %lt3A_212 : i1 to i32
      %cond3A_214 = arith.constant 0 : i32
      %cond3A_215 = arith.cmpi ne, %convert_element_type3A_213, %cond3A_214 : i32
      scf.if %cond3A_215 {
        %add3A_216 = arith.constant 4 : i32
        %add3A_217 = arith.addi %mul3A_88, %add3A_216 : i32
        %add3A_218 = arith.constant 3 : i32
        %add3A_219 = arith.addi %add3A_217, %add3A_218 : i32
        %dma_start3A_220 = arith.constant 0 : i32
        %dma_start3A_221 = tpu.memref_slice %arg18[%add3A_219, %dma_start3A_220] : memref<80x128xi32, #tpu.memory_space<vmem>> -> memref<1x128xi32, #tpu.memory_space<vmem>>
        %dma_start3A_222 = tpu.memref_squeeze %dma_start3A_221 : memref<1x128xi32, #tpu.memory_space<vmem>> -> memref<128xi32, #tpu.memory_space<vmem>>
        %dma_start3A_223 = arith.constant 0 : i32
        %dma_start3A_224 = arith.constant 0 : i32
        %dma_start3A_225 = tpu.memref_slice %arg2[%dma_start3A_223, %dma_start3A_224] : memref<10000x64xf32, #tpu.memory_space<hbm>> -> memref<10000x64xf32, #tpu.memory_space<hbm>>
        tpu.enqueue_indirect_dma source(%dma_start3A_225 : memref<10000x64xf32, #tpu.memory_space<hbm>>) target(%arg15 : memref<128x64xf32, #tpu.memory_space<vmem>>) offsets(%dma_start3A_222 : memref<128xi32, #tpu.memory_space<vmem>>) semaphore(%arg23 : memref<!tpu.dma_semaphore, #tpu.memory_space<semaphore_mem>>)
      } else {
      }
    }
    %while3A_63 = arith.constant 1 : i32
    scf.for %while3A_86 = %while3A_61 to %while3A_57 step %while3A_63  : i32 {
      %mul3A_87 = arith.constant 4 : i32
      %mul3A_88 = arith.muli %mul3A_87, %while3A_86 : i32
      %add3A_89 = arith.constant 0 : i32
      %add3A_90 = arith.addi %mul3A_88, %add3A_89 : i32
      %dma_wait3A_91 = arith.constant 0 : i32
      %dma_wait3A_92 = tpu.memref_slice %arg18[%add3A_90, %dma_wait3A_91] : memref<80x128xi32, #tpu.memory_space<vmem>> -> memref<1x128xi32, #tpu.memory_space<vmem>>
      %dma_wait3A_93 = tpu.memref_squeeze %dma_wait3A_92 : memref<1x128xi32, #tpu.memory_space<vmem>> -> memref<128xi32, #tpu.memory_space<vmem>>
      %dma_wait3A_94 = arith.constant 0 : i32
      %dma_wait3A_95 = arith.constant 0 : i32
      %dma_wait3A_96 = tpu.memref_slice %arg2[%dma_wait3A_94, %dma_wait3A_95] : memref<10000x64xf32, #tpu.memory_space<hbm>> -> memref<10000x64xf32, #tpu.memory_space<hbm>>
      tpu.wait_indirect_dma semaphore(%arg20 : memref<!tpu.dma_semaphore, #tpu.memory_space<semaphore_mem>>) src(%dma_wait3A_96 : memref<10000x64xf32, #tpu.memory_space<hbm>>) dst(%arg12 : memref<128x64xf32, #tpu.memory_space<vmem>>)
      %add3A_97 = arith.constant 0 : i32
      %add3A_98 = arith.addi %mul3A_88, %add3A_97 : i32
      %dma_start3A_99 = arith.constant 0 : i32
      %dma_start3A_100 = tpu.memref_slice %arg19[%add3A_98, %dma_start3A_99] : memref<80x128xi32, #tpu.memory_space<vmem>> -> memref<1x128xi32, #tpu.memory_space<vmem>>
      %dma_start3A_101 = tpu.memref_squeeze %dma_start3A_100 : memref<1x128xi32, #tpu.memory_space<vmem>> -> memref<128xi32, #tpu.memory_space<vmem>>
      %dma_start3A_102 = arith.constant 0 : i32
      %dma_start3A_103 = arith.constant 0 : i32
      %dma_start3A_104 = tpu.memref_slice %arg10[%dma_start3A_102, %dma_start3A_103] : memref<10240x64xf32, #tpu.memory_space<vmem_shared>> -> memref<10240x64xf32, #tpu.memory_space<vmem_shared>>
      tpu.enqueue_indirect_dma source(%arg12 : memref<128x64xf32, #tpu.memory_space<vmem>>) target(%dma_start3A_104 : memref<10240x64xf32, #tpu.memory_space<vmem_shared>>) offsets(%dma_start3A_101 : memref<128xi32, #tpu.memory_space<vmem>>) semaphore(%arg24 : memref<!tpu.dma_semaphore, #tpu.memory_space<semaphore_mem>>) {add = true}
      %add3A_105 = arith.constant 1 : i32
      %add3A_106 = arith.addi %mul3A_88, %add3A_105 : i32
      %dma_wait3A_107 = arith.constant 0 : i32
      %dma_wait3A_108 = tpu.memref_slice %arg18[%add3A_106, %dma_wait3A_107] : memref<80x128xi32, #tpu.memory_space<vmem>> -> memref<1x128xi32, #tpu.memory_space<vmem>>
      %dma_wait3A_109 = tpu.memref_squeeze %dma_wait3A_108 : memref<1x128xi32, #tpu.memory_space<vmem>> -> memref<128xi32, #tpu.memory_space<vmem>>
      %dma_wait3A_110 = arith.constant 0 : i32
      %dma_wait3A_111 = arith.constant 0 : i32
      %dma_wait3A_112 = tpu.memref_slice %arg2[%dma_wait3A_110, %dma_wait3A_111] : memref<10000x64xf32, #tpu.memory_space<hbm>> -> memref<10000x64xf32, #tpu.memory_space<hbm>>
      tpu.wait_indirect_dma semaphore(%arg21 : memref<!tpu.dma_semaphore, #tpu.memory_space<semaphore_mem>>) src(%dma_wait3A_112 : memref<10000x64xf32, #tpu.memory_space<hbm>>) dst(%arg13 : memref<128x64xf32, #tpu.memory_space<vmem>>)
      %add3A_113 = arith.constant 1 : i32
      %add3A_114 = arith.addi %mul3A_88, %add3A_113 : i32
      %dma_start3A_115 = arith.constant 0 : i32
      %dma_start3A_116 = tpu.memref_slice %arg19[%add3A_114, %dma_start3A_115] : memref<80x128xi32, #tpu.memory_space<vmem>> -> memref<1x128xi32, #tpu.memory_space<vmem>>
      %dma_start3A_117 = tpu.memref_squeeze %dma_start3A_116 : memref<1x128xi32, #tpu.memory_space<vmem>> -> memref<128xi32, #tpu.memory_space<vmem>>
      %dma_start3A_118 = arith.constant 0 : i32
      %dma_start3A_119 = arith.constant 0 : i32
      %dma_start3A_120 = tpu.memref_slice %arg10[%dma_start3A_118, %dma_start3A_119] : memref<10240x64xf32, #tpu.memory_space<vmem_shared>> -> memref<10240x64xf32, #tpu.memory_space<vmem_shared>>
      tpu.enqueue_indirect_dma source(%arg13 : memref<128x64xf32, #tpu.memory_space<vmem>>) target(%dma_start3A_120 : memref<10240x64xf32, #tpu.memory_space<vmem_shared>>) offsets(%dma_start3A_117 : memref<128xi32, #tpu.memory_space<vmem>>) semaphore(%arg25 : memref<!tpu.dma_semaphore, #tpu.memory_space<semaphore_mem>>) {add = true}
      %add3A_121 = arith.constant 2 : i32
      %add3A_122 = arith.addi %mul3A_88, %add3A_121 : i32
      %dma_wait3A_123 = arith.constant 0 : i32
      %dma_wait3A_124 = tpu.memref_slice %arg18[%add3A_122, %dma_wait3A_123] : memref<80x128xi32, #tpu.memory_space<vmem>> -> memref<1x128xi32, #tpu.memory_space<vmem>>
      %dma_wait3A_125 = tpu.memref_squeeze %dma_wait3A_124 : memref<1x128xi32, #tpu.memory_space<vmem>> -> memref<128xi32, #tpu.memory_space<vmem>>
      %dma_wait3A_126 = arith.constant 0 : i32
      %dma_wait3A_127 = arith.constant 0 : i32
      %dma_wait3A_128 = tpu.memref_slice %arg2[%dma_wait3A_126, %dma_wait3A_127] : memref<10000x64xf32, #tpu.memory_space<hbm>> -> memref<10000x64xf32, #tpu.memory_space<hbm>>
      tpu.wait_indirect_dma semaphore(%arg22 : memref<!tpu.dma_semaphore, #tpu.memory_space<semaphore_mem>>) src(%dma_wait3A_128 : memref<10000x64xf32, #tpu.memory_space<hbm>>) dst(%arg14 : memref<128x64xf32, #tpu.memory_space<vmem>>)
      %add3A_129 = arith.constant 2 : i32
      %add3A_130 = arith.addi %mul3A_88, %add3A_129 : i32
      %dma_start3A_131 = arith.constant 0 : i32
      %dma_start3A_132 = tpu.memref_slice %arg19[%add3A_130, %dma_start3A_131] : memref<80x128xi32, #tpu.memory_space<vmem>> -> memref<1x128xi32, #tpu.memory_space<vmem>>
      %dma_start3A_133 = tpu.memref_squeeze %dma_start3A_132 : memref<1x128xi32, #tpu.memory_space<vmem>> -> memref<128xi32, #tpu.memory_space<vmem>>
      %dma_start3A_134 = arith.constant 0 : i32
      %dma_start3A_135 = arith.constant 0 : i32
      %dma_start3A_136 = tpu.memref_slice %arg10[%dma_start3A_134, %dma_start3A_135] : memref<10240x64xf32, #tpu.memory_space<vmem_shared>> -> memref<10240x64xf32, #tpu.memory_space<vmem_shared>>
      tpu.enqueue_indirect_dma source(%arg14 : memref<128x64xf32, #tpu.memory_space<vmem>>) target(%dma_start3A_136 : memref<10240x64xf32, #tpu.memory_space<vmem_shared>>) offsets(%dma_start3A_133 : memref<128xi32, #tpu.memory_space<vmem>>) semaphore(%arg26 : memref<!tpu.dma_semaphore, #tpu.memory_space<semaphore_mem>>) {add = true}
      %add3A_137 = arith.constant 3 : i32
      %add3A_138 = arith.addi %mul3A_88, %add3A_137 : i32
      %dma_wait3A_139 = arith.constant 0 : i32
      %dma_wait3A_140 = tpu.memref_slice %arg18[%add3A_138, %dma_wait3A_139] : memref<80x128xi32, #tpu.memory_space<vmem>> -> memref<1x128xi32, #tpu.memory_space<vmem>>
      %dma_wait3A_141 = tpu.memref_squeeze %dma_wait3A_140 : memref<1x128xi32, #tpu.memory_space<vmem>> -> memref<128xi32, #tpu.memory_space<vmem>>
      %dma_wait3A_142 = arith.constant 0 : i32
      %dma_wait3A_143 = arith.constant 0 : i32
      %dma_wait3A_144 = tpu.memref_slice %arg2[%dma_wait3A_142, %dma_wait3A_143] : memref<10000x64xf32, #tpu.memory_space<hbm>> -> memref<10000x64xf32, #tpu.memory_space<hbm>>
      tpu.wait_indirect_dma semaphore(%arg23 : memref<!tpu.dma_semaphore, #tpu.memory_space<semaphore_mem>>) src(%dma_wait3A_144 : memref<10000x64xf32, #tpu.memory_space<hbm>>) dst(%arg15 : memref<128x64xf32, #tpu.memory_space<vmem>>)
      %add3A_145 = arith.constant 3 : i32
      %add3A_146 = arith.addi %mul3A_88, %add3A_145 : i32
      %dma_start3A_147 = arith.constant 0 : i32
      %dma_start3A_148 = tpu.memref_slice %arg19[%add3A_146, %dma_start3A_147] : memref<80x128xi32, #tpu.memory_space<vmem>> -> memref<1x128xi32, #tpu.memory_space<vmem>>
      %dma_start3A_149 = tpu.memref_squeeze %dma_start3A_148 : memref<1x128xi32, #tpu.memory_space<vmem>> -> memref<128xi32, #tpu.memory_space<vmem>>
      %dma_start3A_150 = arith.constant 0 : i32
      %dma_start3A_151 = arith.constant 0 : i32
      %dma_start3A_152 = tpu.memref_slice %arg10[%dma_start3A_150, %dma_start3A_151] : memref<10240x64xf32, #tpu.memory_space<vmem_shared>> -> memref<10240x64xf32, #tpu.memory_space<vmem_shared>>
      tpu.enqueue_indirect_dma source(%arg15 : memref<128x64xf32, #tpu.memory_space<vmem>>) target(%dma_start3A_152 : memref<10240x64xf32, #tpu.memory_space<vmem_shared>>) offsets(%dma_start3A_149 : memref<128xi32, #tpu.memory_space<vmem>>) semaphore(%arg27 : memref<!tpu.dma_semaphore, #tpu.memory_space<semaphore_mem>>) {add = true}
      %add3A_153 = arith.constant 0 : i32
      %add3A_154 = arith.addi %mul3A_88, %add3A_153 : i32
      %dma_wait3A_155 = arith.constant 0 : i32
      %dma_wait3A_156 = tpu.memref_slice %arg19[%add3A_154, %dma_wait3A_155] : memref<80x128xi32, #tpu.memory_space<vmem>> -> memref<1x128xi32, #tpu.memory_space<vmem>>
      %dma_wait3A_157 = tpu.memref_squeeze %dma_wait3A_156 : memref<1x128xi32, #tpu.memory_space<vmem>> -> memref<128xi32, #tpu.memory_space<vmem>>
      %dma_wait3A_158 = arith.constant 0 : i32
      %dma_wait3A_159 = arith.constant 0 : i32
      %dma_wait3A_160 = tpu.memref_slice %arg10[%dma_wait3A_158, %dma_wait3A_159] : memref<10240x64xf32, #tpu.memory_space<vmem_shared>> -> memref<10240x64xf32, #tpu.memory_space<vmem_shared>>
      tpu.wait_indirect_dma semaphore(%arg24 : memref<!tpu.dma_semaphore, #tpu.memory_space<semaphore_mem>>) src(%arg12 : memref<128x64xf32, #tpu.memory_space<vmem>>) dst(%dma_wait3A_160 : memref<10240x64xf32, #tpu.memory_space<vmem_shared>>)
      %add3A_161 = arith.constant 4 : i32
      %add3A_162 = arith.addi %mul3A_88, %add3A_161 : i32
      %add3A_163 = arith.constant 0 : i32
      %add3A_164 = arith.addi %add3A_162, %add3A_163 : i32
      %lt3A = arith.cmpi slt, %add3A_164, %min3A_20 : i32
      %convert_element_type3A_165 = arith.extui %lt3A : i1 to i32
      %cond3A_166 = arith.constant 0 : i32
      %cond3A_167 = arith.cmpi ne, %convert_element_type3A_165, %cond3A_166 : i32
      scf.if %cond3A_167 {
        %add3A_216 = arith.constant 4 : i32
        %add3A_217 = arith.addi %mul3A_88, %add3A_216 : i32
        %add3A_218 = arith.constant 0 : i32
        %add3A_219 = arith.addi %add3A_217, %add3A_218 : i32
        %dma_start3A_220 = arith.constant 0 : i32
        %dma_start3A_221 = tpu.memref_slice %arg18[%add3A_219, %dma_start3A_220] : memref<80x128xi32, #tpu.memory_space<vmem>> -> memref<1x128xi32, #tpu.memory_space<vmem>>
        %dma_start3A_222 = tpu.memref_squeeze %dma_start3A_221 : memref<1x128xi32, #tpu.memory_space<vmem>> -> memref<128xi32, #tpu.memory_space<vmem>>
        %dma_start3A_223 = arith.constant 0 : i32
        %dma_start3A_224 = arith.constant 0 : i32
        %dma_start3A_225 = tpu.memref_slice %arg2[%dma_start3A_223, %dma_start3A_224] : memref<10000x64xf32, #tpu.memory_space<hbm>> -> memref<10000x64xf32, #tpu.memory_space<hbm>>
        tpu.enqueue_indirect_dma source(%dma_start3A_225 : memref<10000x64xf32, #tpu.memory_space<hbm>>) target(%arg12 : memref<128x64xf32, #tpu.memory_space<vmem>>) offsets(%dma_start3A_222 : memref<128xi32, #tpu.memory_space<vmem>>) semaphore(%arg20 : memref<!tpu.dma_semaphore, #tpu.memory_space<semaphore_mem>>)
      } else {
      }
      %add3A_168 = arith.constant 1 : i32
      %add3A_169 = arith.addi %mul3A_88, %add3A_168 : i32
      %dma_wait3A_170 = arith.constant 0 : i32
      %dma_wait3A_171 = tpu.memref_slice %arg19[%add3A_169, %dma_wait3A_170] : memref<80x128xi32, #tpu.memory_space<vmem>> -> memref<1x128xi32, #tpu.memory_space<vmem>>
      %dma_wait3A_172 = tpu.memref_squeeze %dma_wait3A_171 : memref<1x128xi32, #tpu.memory_space<vmem>> -> memref<128xi32, #tpu.memory_space<vmem>>
      %dma_wait3A_173 = arith.constant 0 : i32
      %dma_wait3A_174 = arith.constant 0 : i32
      %dma_wait3A_175 = tpu.memref_slice %arg10[%dma_wait3A_173, %dma_wait3A_174] : memref<10240x64xf32, #tpu.memory_space<vmem_shared>> -> memref<10240x64xf32, #tpu.memory_space<vmem_shared>>
      tpu.wait_indirect_dma semaphore(%arg25 : memref<!tpu.dma_semaphore, #tpu.memory_space<semaphore_mem>>) src(%arg13 : memref<128x64xf32, #tpu.memory_space<vmem>>) dst(%dma_wait3A_175 : memref<10240x64xf32, #tpu.memory_space<vmem_shared>>)
      %add3A_176 = arith.constant 4 : i32
      %add3A_177 = arith.addi %mul3A_88, %add3A_176 : i32
      %add3A_178 = arith.constant 1 : i32
      %add3A_179 = arith.addi %add3A_177, %add3A_178 : i32
      %lt3A_180 = arith.cmpi slt, %add3A_179, %min3A_20 : i32
      %convert_element_type3A_181 = arith.extui %lt3A_180 : i1 to i32
      %cond3A_182 = arith.constant 0 : i32
      %cond3A_183 = arith.cmpi ne, %convert_element_type3A_181, %cond3A_182 : i32
      scf.if %cond3A_183 {
        %add3A_216 = arith.constant 4 : i32
        %add3A_217 = arith.addi %mul3A_88, %add3A_216 : i32
        %add3A_218 = arith.constant 1 : i32
        %add3A_219 = arith.addi %add3A_217, %add3A_218 : i32
        %dma_start3A_220 = arith.constant 0 : i32
        %dma_start3A_221 = tpu.memref_slice %arg18[%add3A_219, %dma_start3A_220] : memref<80x128xi32, #tpu.memory_space<vmem>> -> memref<1x128xi32, #tpu.memory_space<vmem>>
        %dma_start3A_222 = tpu.memref_squeeze %dma_start3A_221 : memref<1x128xi32, #tpu.memory_space<vmem>> -> memref<128xi32, #tpu.memory_space<vmem>>
        %dma_start3A_223 = arith.constant 0 : i32
        %dma_start3A_224 = arith.constant 0 : i32
        %dma_start3A_225 = tpu.memref_slice %arg2[%dma_start3A_223, %dma_start3A_224] : memref<10000x64xf32, #tpu.memory_space<hbm>> -> memref<10000x64xf32, #tpu.memory_space<hbm>>
        tpu.enqueue_indirect_dma source(%dma_start3A_225 : memref<10000x64xf32, #tpu.memory_space<hbm>>) target(%arg13 : memref<128x64xf32, #tpu.memory_space<vmem>>) offsets(%dma_start3A_222 : memref<128xi32, #tpu.memory_space<vmem>>) semaphore(%arg21 : memref<!tpu.dma_semaphore, #tpu.memory_space<semaphore_mem>>)
      } else {
      }
      %add3A_184 = arith.constant 2 : i32
      %add3A_185 = arith.addi %mul3A_88, %add3A_184 : i32
      %dma_wait3A_186 = arith.constant 0 : i32
      %dma_wait3A_187 = tpu.memref_slice %arg19[%add3A_185, %dma_wait3A_186] : memref<80x128xi32, #tpu.memory_space<vmem>> -> memref<1x128xi32, #tpu.memory_space<vmem>>
      %dma_wait3A_188 = tpu.memref_squeeze %dma_wait3A_187 : memref<1x128xi32, #tpu.memory_space<vmem>> -> memref<128xi32, #tpu.memory_space<vmem>>
      %dma_wait3A_189 = arith.constant 0 : i32
      %dma_wait3A_190 = arith.constant 0 : i32
      %dma_wait3A_191 = tpu.memref_slice %arg10[%dma_wait3A_189, %dma_wait3A_190] : memref<10240x64xf32, #tpu.memory_space<vmem_shared>> -> memref<10240x64xf32, #tpu.memory_space<vmem_shared>>
      tpu.wait_indirect_dma semaphore(%arg26 : memref<!tpu.dma_semaphore, #tpu.memory_space<semaphore_mem>>) src(%arg14 : memref<128x64xf32, #tpu.memory_space<vmem>>) dst(%dma_wait3A_191 : memref<10240x64xf32, #tpu.memory_space<vmem_shared>>)
      %add3A_192 = arith.constant 4 : i32
      %add3A_193 = arith.addi %mul3A_88, %add3A_192 : i32
      %add3A_194 = arith.constant 2 : i32
      %add3A_195 = arith.addi %add3A_193, %add3A_194 : i32
      %lt3A_196 = arith.cmpi slt, %add3A_195, %min3A_20 : i32
      %convert_element_type3A_197 = arith.extui %lt3A_196 : i1 to i32
      %cond3A_198 = arith.constant 0 : i32
      %cond3A_199 = arith.cmpi ne, %convert_element_type3A_197, %cond3A_198 : i32
      scf.if %cond3A_199 {
        %add3A_216 = arith.constant 4 : i32
        %add3A_217 = arith.addi %mul3A_88, %add3A_216 : i32
        %add3A_218 = arith.constant 2 : i32
        %add3A_219 = arith.addi %add3A_217, %add3A_218 : i32
        %dma_start3A_220 = arith.constant 0 : i32
        %dma_start3A_221 = tpu.memref_slice %arg18[%add3A_219, %dma_start3A_220] : memref<80x128xi32, #tpu.memory_space<vmem>> -> memref<1x128xi32, #tpu.memory_space<vmem>>
        %dma_start3A_222 = tpu.memref_squeeze %dma_start3A_221 : memref<1x128xi32, #tpu.memory_space<vmem>> -> memref<128xi32, #tpu.memory_space<vmem>>
        %dma_start3A_223 = arith.constant 0 : i32
        %dma_start3A_224 = arith.constant 0 : i32
        %dma_start3A_225 = tpu.memref_slice %arg2[%dma_start3A_223, %dma_start3A_224] : memref<10000x64xf32, #tpu.memory_space<hbm>> -> memref<10000x64xf32, #tpu.memory_space<hbm>>
        tpu.enqueue_indirect_dma source(%dma_start3A_225 : memref<10000x64xf32, #tpu.memory_space<hbm>>) target(%arg14 : memref<128x64xf32, #tpu.memory_space<vmem>>) offsets(%dma_start3A_222 : memref<128xi32, #tpu.memory_space<vmem>>) semaphore(%arg22 : memref<!tpu.dma_semaphore, #tpu.memory_space<semaphore_mem>>)
      } else {
      }
      %add3A_200 = arith.constant 3 : i32
      %add3A_201 = arith.addi %mul3A_88, %add3A_200 : i32
      %dma_wait3A_202 = arith.constant 0 : i32
      %dma_wait3A_203 = tpu.memref_slice %arg19[%add3A_201, %dma_wait3A_202] : memref<80x128xi32, #tpu.memory_space<vmem>> -> memref<1x128xi32, #tpu.memory_space<vmem>>
      %dma_wait3A_204 = tpu.memref_squeeze %dma_wait3A_203 : memref<1x128xi32, #tpu.memory_space<vmem>> -> memref<128xi32, #tpu.memory_space<vmem>>
      %dma_wait3A_205 = arith.constant 0 : i32
      %dma_wait3A_206 = arith.constant 0 : i32
      %dma_wait3A_207 = tpu.memref_slice %arg10[%dma_wait3A_205, %dma_wait3A_206] : memref<10240x64xf32, #tpu.memory_space<vmem_shared>> -> memref<10240x64xf32, #tpu.memory_space<vmem_shared>>
      tpu.wait_indirect_dma semaphore(%arg27 : memref<!tpu.dma_semaphore, #tpu.memory_space<semaphore_mem>>) src(%arg15 : memref<128x64xf32, #tpu.memory_space<vmem>>) dst(%dma_wait3A_207 : memref<10240x64xf32, #tpu.memory_space<vmem_shared>>)
      %add3A_208 = arith.constant 4 : i32
      %add3A_209 = arith.addi %mul3A_88, %add3A_208 : i32
      %add3A_210 = arith.constant 3 : i32
      %add3A_211 = arith.addi %add3A_209, %add3A_210 : i32
      %lt3A_212 = arith.cmpi slt, %add3A_211, %min3A_20 : i32
      %convert_element_type3A_213 = arith.extui %lt3A_212 : i1 to i32
      %cond3A_214 = arith.constant 0 : i32
      %cond3A_215 = arith.cmpi ne, %convert_element_type3A_213, %cond3A_214 : i32
      scf.if %cond3A_215 {
        %add3A_216 = arith.constant 4 : i32
        %add3A_217 = arith.addi %mul3A_88, %add3A_216 : i32
        %add3A_218 = arith.constant 3 : i32
        %add3A_219 = arith.addi %add3A_217, %add3A_218 : i32
        %dma_start3A_220 = arith.constant 0 : i32
        %dma_start3A_221 = tpu.memref_slice %arg18[%add3A_219, %dma_start3A_220] : memref<80x128xi32, #tpu.memory_space<vmem>> -> memref<1x128xi32, #tpu.memory_space<vmem>>
        %dma_start3A_222 = tpu.memref_squeeze %dma_start3A_221 : memref<1x128xi32, #tpu.memory_space<vmem>> -> memref<128xi32, #tpu.memory_space<vmem>>
        %dma_start3A_223 = arith.constant 0 : i32
        %dma_start3A_224 = arith.constant 0 : i32
        %dma_start3A_225 = tpu.memref_slice %arg2[%dma_start3A_223, %dma_start3A_224] : memref<10000x64xf32, #tpu.memory_space<hbm>> -> memref<10000x64xf32, #tpu.memory_space<hbm>>
        tpu.enqueue_indirect_dma source(%dma_start3A_225 : memref<10000x64xf32, #tpu.memory_space<hbm>>) target(%arg15 : memref<128x64xf32, #tpu.memory_space<vmem>>) offsets(%dma_start3A_222 : memref<128xi32, #tpu.memory_space<vmem>>) semaphore(%arg23 : memref<!tpu.dma_semaphore, #tpu.memory_space<semaphore_mem>>)
      } else {
      }
    }
    %barrier3A_64 = arith.constant 0 : index
    tpu.barrier barrier_id(%barrier3A_64)
    "tpu.region"() ({
      %run_scoped3A = tpu.sem_alloc : memref<!tpu.dma_semaphore, #tpu.memory_space<semaphore_mem>>
      %dma_start3A_86 = arith.constant 0 : i32
      %dma_start3A_87 = arith.constant 0 : i32
      %dma_start3A_88 = tpu.memref_slice %arg6[%arg1, %dma_start3A_86, %dma_start3A_87] : memref<16x1x128xi32, #tpu.memory_space<hbm>> -> memref<1x1x128xi32, #tpu.memory_space<hbm>>
      %dma_start3A_89 = tpu.memref_squeeze %dma_start3A_88 : memref<1x1x128xi32, #tpu.memory_space<hbm>> -> memref<1x128xi32, #tpu.memory_space<hbm>>
      %dma_start3A_90 = arith.constant 0 : i32
      %dma_start3A_91 = arith.constant 0 : i32
      %dma_start3A_92 = tpu.memref_slice %arg6[%arg1, %dma_start3A_90, %dma_start3A_91] : memref<16x1x128xi32, #tpu.memory_space<hbm>> -> memref<1x1x128xi32, #tpu.memory_space<hbm>>
      %dma_start3A_93 = tpu.memref_squeeze %dma_start3A_92 : memref<1x1x128xi32, #tpu.memory_space<hbm>> -> memref<1x128xi32, #tpu.memory_space<hbm>>
      tpu.enqueue_dma source(%dma_start3A_93 : memref<1x128xi32, #tpu.memory_space<hbm>>) target(%arg17 : memref<1x128xi32, #tpu.memory_space<vmem>>) target_semaphore(%run_scoped3A : memref<!tpu.dma_semaphore, #tpu.memory_space<semaphore_mem>>)
      %dma_wait3A_94 = arith.constant 0 : i32
      %dma_wait3A_95 = arith.constant 0 : i32
      %dma_wait3A_96 = tpu.memref_slice %arg6[%arg1, %dma_wait3A_94, %dma_wait3A_95] : memref<16x1x128xi32, #tpu.memory_space<hbm>> -> memref<1x1x128xi32, #tpu.memory_space<hbm>>
      %dma_wait3A_97 = tpu.memref_squeeze %dma_wait3A_96 : memref<1x1x128xi32, #tpu.memory_space<hbm>> -> memref<1x128xi32, #tpu.memory_space<hbm>>
      %dma_wait3A_98 = arith.constant 0 : i32
      %dma_wait3A_99 = arith.constant 0 : i32
      %dma_wait3A_100 = tpu.memref_slice %arg6[%arg1, %dma_wait3A_98, %dma_wait3A_99] : memref<16x1x128xi32, #tpu.memory_space<hbm>> -> memref<1x1x128xi32, #tpu.memory_space<hbm>>
      %dma_wait3A_101 = tpu.memref_squeeze %dma_wait3A_100 : memref<1x1x128xi32, #tpu.memory_space<hbm>> -> memref<1x128xi32, #tpu.memory_space<hbm>>
      tpu.wait_dma2 semaphore(%run_scoped3A : memref<!tpu.dma_semaphore, #tpu.memory_space<semaphore_mem>>) src(%dma_wait3A_101 : memref<1x128xi32, #tpu.memory_space<hbm>>) dst(%arg17 : memref<1x128xi32, #tpu.memory_space<vmem>>)
      tpu.yield
    }) : () -> ()
    %dma_start3A = arith.constant 0 : i32
    %dma_start3A_65 = arith.constant 0 : i32
    %dma_start3A_66 = tpu.memref_slice %arg17[%dma_start3A, %dma_start3A_65] : memref<1x128xi32, #tpu.memory_space<vmem>> -> memref<1x128xi32, #tpu.memory_space<vmem>>
    %dma_start3A_67 = tpu.memref_squeeze %dma_start3A_66 : memref<1x128xi32, #tpu.memory_space<vmem>> -> memref<128xi32, #tpu.memory_space<vmem>>
    %dma_start3A_68 = arith.constant 0 : i32
    %dma_start3A_69 = arith.constant 0 : i32
    %dma_start3A_70 = tpu.memref_slice %arg10[%dma_start3A_68, %dma_start3A_69] : memref<10240x64xf32, #tpu.memory_space<vmem_shared>> -> memref<10240x64xf32, #tpu.memory_space<vmem_shared>>
    tpu.enqueue_indirect_dma source(%dma_start3A_70 : memref<10240x64xf32, #tpu.memory_space<vmem_shared>>) target(%arg12 : memref<128x64xf32, #tpu.memory_space<vmem>>) offsets(%dma_start3A_67 : memref<128xi32, #tpu.memory_space<vmem>>) semaphore(%arg20 : memref<!tpu.dma_semaphore, #tpu.memory_space<semaphore_mem>>)
    %dma_wait3A = arith.constant 0 : i32
    %dma_wait3A_71 = arith.constant 0 : i32
    %dma_wait3A_72 = tpu.memref_slice %arg17[%dma_wait3A, %dma_wait3A_71] : memref<1x128xi32, #tpu.memory_space<vmem>> -> memref<1x128xi32, #tpu.memory_space<vmem>>
    %dma_wait3A_73 = tpu.memref_squeeze %dma_wait3A_72 : memref<1x128xi32, #tpu.memory_space<vmem>> -> memref<128xi32, #tpu.memory_space<vmem>>
    %dma_wait3A_74 = arith.constant 0 : i32
    %dma_wait3A_75 = arith.constant 0 : i32
    %dma_wait3A_76 = tpu.memref_slice %arg10[%dma_wait3A_74, %dma_wait3A_75] : memref<10240x64xf32, #tpu.memory_space<vmem_shared>> -> memref<10240x64xf32, #tpu.memory_space<vmem_shared>>
    tpu.wait_indirect_dma semaphore(%arg20 : memref<!tpu.dma_semaphore, #tpu.memory_space<semaphore_mem>>) src(%dma_wait3A_76 : memref<10240x64xf32, #tpu.memory_space<vmem_shared>>) dst(%arg12 : memref<128x64xf32, #tpu.memory_space<vmem>>)
    %eq3A = arith.constant 0 : i32
    %eq3A_77 = arith.cmpi eq, %arg0, %eq3A : i32
    %convert_element_type3A_78 = arith.extui %eq3A_77 : i1 to i32
    %cond3A_79 = arith.constant 0 : i32
    %cond3A_80 = arith.cmpi ne, %convert_element_type3A_78, %cond3A_79 : i32
    scf.if %cond3A_80 {
      %mul3A_86 = arith.constant 128 : i32
      %mul3A_87 = arith.muli %arg1, %mul3A_86 : i32
      "tpu.region"() ({
        %run_scoped3A = tpu.sem_alloc : memref<!tpu.dma_semaphore, #tpu.memory_space<semaphore_mem>>
        %dma_start3A_104 = arith.constant 0 : i32
        %dma_start3A_105 = tpu.memref_slice %arg7[%mul3A_87, %dma_start3A_104] : memref<2048x64xf32, #tpu.memory_space<hbm>> -> memref<128x64xf32, #tpu.memory_space<hbm>>
        %dma_start3A_106 = arith.constant 0 : i32
        %dma_start3A_107 = tpu.memref_slice %arg7[%mul3A_87, %dma_start3A_106] : memref<2048x64xf32, #tpu.memory_space<hbm>> -> memref<128x64xf32, #tpu.memory_space<hbm>>
        tpu.enqueue_dma source(%arg12 : memref<128x64xf32, #tpu.memory_space<vmem>>) target(%dma_start3A_107 : memref<128x64xf32, #tpu.memory_space<hbm>>) target_semaphore(%run_scoped3A : memref<!tpu.dma_semaphore, #tpu.memory_space<semaphore_mem>>)
        %dma_wait3A_108 = arith.constant 0 : i32
        %dma_wait3A_109 = tpu.memref_slice %arg7[%mul3A_87, %dma_wait3A_108] : memref<2048x64xf32, #tpu.memory_space<hbm>> -> memref<128x64xf32, #tpu.memory_space<hbm>>
        %dma_wait3A_110 = arith.constant 0 : i32
        %dma_wait3A_111 = tpu.memref_slice %arg7[%mul3A_87, %dma_wait3A_110] : memref<2048x64xf32, #tpu.memory_space<hbm>> -> memref<128x64xf32, #tpu.memory_space<hbm>>
        tpu.wait_dma2 semaphore(%run_scoped3A : memref<!tpu.dma_semaphore, #tpu.memory_space<semaphore_mem>>) src(%arg12 : memref<128x64xf32, #tpu.memory_space<vmem>>) dst(%dma_wait3A_111 : memref<128x64xf32, #tpu.memory_space<hbm>>)
        tpu.yield
      }) : () -> ()
      %dma_start3A_88 = arith.constant 0 : i32
      %dma_start3A_89 = arith.constant 0 : i32
      %dma_start3A_90 = tpu.memref_slice %arg17[%dma_start3A_88, %dma_start3A_89] : memref<1x128xi32, #tpu.memory_space<vmem>> -> memref<1x128xi32, #tpu.memory_space<vmem>>
      %dma_start3A_91 = tpu.memref_squeeze %dma_start3A_90 : memref<1x128xi32, #tpu.memory_space<vmem>> -> memref<128xi32, #tpu.memory_space<vmem>>
      %dma_start3A_92 = arith.constant 0 : i32
      %dma_start3A_93 = arith.constant 0 : i32
      %dma_start3A_94 = tpu.memref_slice %arg5[%dma_start3A_92, %dma_start3A_93] : memref<10000x16xf32, #tpu.memory_space<hbm>> -> memref<10000x16xf32, #tpu.memory_space<hbm>>
      tpu.enqueue_indirect_dma source(%dma_start3A_94 : memref<10000x16xf32, #tpu.memory_space<hbm>>) target(%arg16 : memref<128x16xf32, #tpu.memory_space<vmem>>) offsets(%dma_start3A_91 : memref<128xi32, #tpu.memory_space<vmem>>) semaphore(%arg21 : memref<!tpu.dma_semaphore, #tpu.memory_space<semaphore_mem>>)
      %dma_wait3A_95 = arith.constant 0 : i32
      %dma_wait3A_96 = arith.constant 0 : i32
      %dma_wait3A_97 = tpu.memref_slice %arg17[%dma_wait3A_95, %dma_wait3A_96] : memref<1x128xi32, #tpu.memory_space<vmem>> -> memref<1x128xi32, #tpu.memory_space<vmem>>
      %dma_wait3A_98 = tpu.memref_squeeze %dma_wait3A_97 : memref<1x128xi32, #tpu.memory_space<vmem>> -> memref<128xi32, #tpu.memory_space<vmem>>
      %dma_wait3A_99 = arith.constant 0 : i32
      %dma_wait3A_100 = arith.constant 0 : i32
      %dma_wait3A_101 = tpu.memref_slice %arg5[%dma_wait3A_99, %dma_wait3A_100] : memref<10000x16xf32, #tpu.memory_space<hbm>> -> memref<10000x16xf32, #tpu.memory_space<hbm>>
      tpu.wait_indirect_dma semaphore(%arg21 : memref<!tpu.dma_semaphore, #tpu.memory_space<semaphore_mem>>) src(%dma_wait3A_101 : memref<10000x16xf32, #tpu.memory_space<hbm>>) dst(%arg16 : memref<128x16xf32, #tpu.memory_space<vmem>>)
      %mul3A_102 = arith.constant 128 : i32
      %mul3A_103 = arith.muli %arg1, %mul3A_102 : i32
      "tpu.region"() ({
        %run_scoped3A = tpu.sem_alloc : memref<!tpu.dma_semaphore, #tpu.memory_space<semaphore_mem>>
        %dma_start3A_104 = arith.constant 0 : i32
        %dma_start3A_105 = tpu.memref_slice %arg9[%mul3A_103, %dma_start3A_104] : memref<2048x16xf32, #tpu.memory_space<hbm>> -> memref<128x16xf32, #tpu.memory_space<hbm>>
        %dma_start3A_106 = arith.constant 0 : i32
        %dma_start3A_107 = tpu.memref_slice %arg9[%mul3A_103, %dma_start3A_106] : memref<2048x16xf32, #tpu.memory_space<hbm>> -> memref<128x16xf32, #tpu.memory_space<hbm>>
        tpu.enqueue_dma source(%arg16 : memref<128x16xf32, #tpu.memory_space<vmem>>) target(%dma_start3A_107 : memref<128x16xf32, #tpu.memory_space<hbm>>) target_semaphore(%run_scoped3A : memref<!tpu.dma_semaphore, #tpu.memory_space<semaphore_mem>>)
        %dma_wait3A_108 = arith.constant 0 : i32
        %dma_wait3A_109 = tpu.memref_slice %arg9[%mul3A_103, %dma_wait3A_108] : memref<2048x16xf32, #tpu.memory_space<hbm>> -> memref<128x16xf32, #tpu.memory_space<hbm>>
        %dma_wait3A_110 = arith.constant 0 : i32
        %dma_wait3A_111 = tpu.memref_slice %arg9[%mul3A_103, %dma_wait3A_110] : memref<2048x16xf32, #tpu.memory_space<hbm>> -> memref<128x16xf32, #tpu.memory_space<hbm>>
        tpu.wait_dma2 semaphore(%run_scoped3A : memref<!tpu.dma_semaphore, #tpu.memory_space<semaphore_mem>>) src(%arg16 : memref<128x16xf32, #tpu.memory_space<vmem>>) dst(%dma_wait3A_111 : memref<128x16xf32, #tpu.memory_space<hbm>>)
        tpu.yield
      }) : () -> ()
    } else {
    }
    %eq3A_81 = arith.constant 1 : i32
    %eq3A_82 = arith.cmpi eq, %arg0, %eq3A_81 : i32
    %convert_element_type3A_83 = arith.extui %eq3A_82 : i1 to i32
    %cond3A_84 = arith.constant 0 : i32
    %cond3A_85 = arith.cmpi ne, %convert_element_type3A_83, %cond3A_84 : i32
    scf.if %cond3A_85 {
      %mul3A_86 = arith.constant 128 : i32
      %mul3A_87 = arith.muli %arg1, %mul3A_86 : i32
      "tpu.region"() ({
        %run_scoped3A = tpu.sem_alloc : memref<!tpu.dma_semaphore, #tpu.memory_space<semaphore_mem>>
        %dma_start3A_88 = arith.constant 0 : i32
        %dma_start3A_89 = tpu.memref_slice %arg8[%mul3A_87, %dma_start3A_88] : memref<2048x64xf32, #tpu.memory_space<hbm>> -> memref<128x64xf32, #tpu.memory_space<hbm>>
        %dma_start3A_90 = arith.constant 0 : i32
        %dma_start3A_91 = tpu.memref_slice %arg8[%mul3A_87, %dma_start3A_90] : memref<2048x64xf32, #tpu.memory_space<hbm>> -> memref<128x64xf32, #tpu.memory_space<hbm>>
        tpu.enqueue_dma source(%arg12 : memref<128x64xf32, #tpu.memory_space<vmem>>) target(%dma_start3A_91 : memref<128x64xf32, #tpu.memory_space<hbm>>) target_semaphore(%run_scoped3A : memref<!tpu.dma_semaphore, #tpu.memory_space<semaphore_mem>>)
        %dma_wait3A_92 = arith.constant 0 : i32
        %dma_wait3A_93 = tpu.memref_slice %arg8[%mul3A_87, %dma_wait3A_92] : memref<2048x64xf32, #tpu.memory_space<hbm>> -> memref<128x64xf32, #tpu.memory_space<hbm>>
        %dma_wait3A_94 = arith.constant 0 : i32
        %dma_wait3A_95 = tpu.memref_slice %arg8[%mul3A_87, %dma_wait3A_94] : memref<2048x64xf32, #tpu.memory_space<hbm>> -> memref<128x64xf32, #tpu.memory_space<hbm>>
        tpu.wait_dma2 semaphore(%run_scoped3A : memref<!tpu.dma_semaphore, #tpu.memory_space<semaphore_mem>>) src(%arg12 : memref<128x64xf32, #tpu.memory_space<vmem>>) dst(%dma_wait3A_95 : memref<128x64xf32, #tpu.memory_space<hbm>>)
        tpu.yield
      }) : () -> ()
    } else {
    }
    return
  }
}

#map = affine_map<(d0, d1) -> (0, 0)>
module attributes {stable_mosaic.version = 14 : i64} {
  func.func @seg_kernel(%arg0: i32, %arg1: i32, %arg2: memref<10000x64xf32, #tpu.memory_space<hbm>>, %arg3: memref<2560x128xi32, #tpu.memory_space<hbm>>, %arg4: memref<2560x128xi32, #tpu.memory_space<hbm>>, %arg5: memref<10240x64xf32, #tpu.memory_space<hbm>>, %arg6: memref<10240x64xf32, #tpu.memory_space<hbm>>, %arg7: memref<10240x64xf32, #tpu.memory_space<vmem_shared>>, %arg8: memref<64x64xf32, #tpu.memory_space<vmem>>, %arg9: memref<128x64xf32, #tpu.memory_space<vmem>>, %arg10: memref<128x64xf32, #tpu.memory_space<vmem>>, %arg11: memref<128x64xf32, #tpu.memory_space<vmem>>, %arg12: memref<128x64xf32, #tpu.memory_space<vmem>>, %arg13: memref<80x128xi32, #tpu.memory_space<vmem>>, %arg14: memref<80x128xi32, #tpu.memory_space<vmem>>, %arg15: memref<!tpu.dma_semaphore, #tpu.memory_space<semaphore_mem>>, %arg16: memref<!tpu.dma_semaphore, #tpu.memory_space<semaphore_mem>>, %arg17: memref<!tpu.dma_semaphore, #tpu.memory_space<semaphore_mem>>, %arg18: memref<!tpu.dma_semaphore, #tpu.memory_space<semaphore_mem>>, %arg19: memref<!tpu.dma_semaphore, #tpu.memory_space<semaphore_mem>>, %arg20: memref<!tpu.dma_semaphore, #tpu.memory_space<semaphore_mem>>, %arg21: memref<!tpu.dma_semaphore, #tpu.memory_space<semaphore_mem>>, %arg22: memref<!tpu.dma_semaphore, #tpu.memory_space<semaphore_mem>>) attributes {dimension_semantics = [#tpu.dimension_semantics<core_parallel>, #tpu.dimension_semantics<subcore_parallel>], iteration_bounds = array<i64: 2, 16>, scalar_prefetch = 0 : i64, scratch_operands = 16 : i64, tpu.core_type = #tpu.core_type<sc_vector_subcore>, window_params = [{transform_indices = #map}, {transform_indices = #map}, {transform_indices = #map}, {transform_indices = #map}, {transform_indices = #map}]} {
    %mul3A = arith.constant 2 : i32
    %mul3A_0 = arith.muli %arg1, %mul3A : i32
    %add3A = arith.addi %mul3A_0, %arg0 : i32
    %scan3A = arith.constant 0 : i32
    %scan3A_1 = arith.constant 0 : i32
    %scan3A_2 = arith.constant 64 : i32
    %scan3A_3 = arith.addi %scan3A_1, %scan3A_2 : i32
    %scan3A_4 = arith.constant 1 : i32
    scf.for %scan3A_74 = %scan3A_1 to %scan3A_3 step %scan3A_4  : i32 {
      %broadcast_in_dim3A = arith.constant 0.000000e+00 : f32
      %broadcast_in_dim3A_75 = vector.broadcast %broadcast_in_dim3A : f32 to vector<16xf32>
      %swap3A = arith.index_cast %scan3A_74 : i32 to index
      %swap3A_76 = arith.constant 0 : index
      %swap3A_77 = tpu.vector_load %arg8[%swap3A, %swap3A_76] {strides = array<i32>} : memref<64x64xf32, #tpu.memory_space<vmem>>, vector<1x16xf32>,
      %swap3A_78 = vector.shape_cast %swap3A_77 : vector<1x16xf32> to vector<16xf32>
      %swap3A_79 = vector.shape_cast %broadcast_in_dim3A_75 : vector<16xf32> to vector<1x16xf32>
      tpu.vector_store %arg8[%swap3A, %swap3A_76], %swap3A_79 {strides = array<i32>} : memref<64x64xf32, #tpu.memory_space<vmem>>, vector<1x16xf32>,
      %broadcast_in_dim3A_80 = arith.constant 0.000000e+00 : f32
      %broadcast_in_dim3A_81 = vector.broadcast %broadcast_in_dim3A_80 : f32 to vector<16xf32>
      %swap3A_82 = arith.index_cast %scan3A_74 : i32 to index
      %swap3A_83 = arith.constant 16 : index
      %swap3A_84 = tpu.vector_load %arg8[%swap3A_82, %swap3A_83] {strides = array<i32>} : memref<64x64xf32, #tpu.memory_space<vmem>>, vector<1x16xf32>,
      %swap3A_85 = vector.shape_cast %swap3A_84 : vector<1x16xf32> to vector<16xf32>
      %swap3A_86 = vector.shape_cast %broadcast_in_dim3A_81 : vector<16xf32> to vector<1x16xf32>
      tpu.vector_store %arg8[%swap3A_82, %swap3A_83], %swap3A_86 {strides = array<i32>} : memref<64x64xf32, #tpu.memory_space<vmem>>, vector<1x16xf32>,
      %broadcast_in_dim3A_87 = arith.constant 0.000000e+00 : f32
      %broadcast_in_dim3A_88 = vector.broadcast %broadcast_in_dim3A_87 : f32 to vector<16xf32>
      %swap3A_89 = arith.index_cast %scan3A_74 : i32 to index
      %swap3A_90 = arith.constant 32 : index
      %swap3A_91 = tpu.vector_load %arg8[%swap3A_89, %swap3A_90] {strides = array<i32>} : memref<64x64xf32, #tpu.memory_space<vmem>>, vector<1x16xf32>,
      %swap3A_92 = vector.shape_cast %swap3A_91 : vector<1x16xf32> to vector<16xf32>
      %swap3A_93 = vector.shape_cast %broadcast_in_dim3A_88 : vector<16xf32> to vector<1x16xf32>
      tpu.vector_store %arg8[%swap3A_89, %swap3A_90], %swap3A_93 {strides = array<i32>} : memref<64x64xf32, #tpu.memory_space<vmem>>, vector<1x16xf32>,
      %broadcast_in_dim3A_94 = arith.constant 0.000000e+00 : f32
      %broadcast_in_dim3A_95 = vector.broadcast %broadcast_in_dim3A_94 : f32 to vector<16xf32>
      %swap3A_96 = arith.index_cast %scan3A_74 : i32 to index
      %swap3A_97 = arith.constant 48 : index
      %swap3A_98 = tpu.vector_load %arg8[%swap3A_96, %swap3A_97] {strides = array<i32>} : memref<64x64xf32, #tpu.memory_space<vmem>>, vector<1x16xf32>,
      %swap3A_99 = vector.shape_cast %swap3A_98 : vector<1x16xf32> to vector<16xf32>
      %swap3A_100 = vector.shape_cast %broadcast_in_dim3A_95 : vector<16xf32> to vector<1x16xf32>
      tpu.vector_store %arg8[%swap3A_96, %swap3A_97], %swap3A_100 {strides = array<i32>} : memref<64x64xf32, #tpu.memory_space<vmem>>, vector<1x16xf32>,
    }
    %scan3A_5 = arith.constant 64 : i32
    %scan3A_6 = arith.constant 0 : i32
    %scan3A_7 = arith.constant 0 : i32
    %scan3A_8 = arith.constant 10 : i32
    %scan3A_9 = arith.addi %scan3A_7, %scan3A_8 : i32
    %scan3A_10 = arith.constant 1 : i32
    scf.for %scan3A_74 = %scan3A_7 to %scan3A_9 step %scan3A_10  : i32 {
      %mul3A_75 = arith.constant 640 : i32
      %mul3A_76 = arith.muli %arg1, %mul3A_75 : i32
      %mul3A_77 = arith.constant 64 : i32
      %mul3A_78 = arith.muli %scan3A_74, %mul3A_77 : i32
      %add3A_79 = arith.addi %mul3A_76, %mul3A_78 : i32
      "tpu.region"() ({
        %run_scoped3A = tpu.sem_alloc : memref<!tpu.dma_semaphore, #tpu.memory_space<semaphore_mem>>
        %dma_start3A = arith.constant 0 : i32
        %dma_start3A_80 = tpu.memref_slice %arg7[%add3A_79, %dma_start3A] : memref<10240x64xf32, #tpu.memory_space<vmem_shared>> -> memref<64x64xf32, #tpu.memory_space<vmem_shared>>
        %dma_start3A_81 = arith.constant 0 : i32
        %dma_start3A_82 = tpu.memref_slice %arg7[%add3A_79, %dma_start3A_81] : memref<10240x64xf32, #tpu.memory_space<vmem_shared>> -> memref<64x64xf32, #tpu.memory_space<vmem_shared>>
        tpu.enqueue_dma source(%arg8 : memref<64x64xf32, #tpu.memory_space<vmem>>) target(%dma_start3A_82 : memref<64x64xf32, #tpu.memory_space<vmem_shared>>) target_semaphore(%run_scoped3A : memref<!tpu.dma_semaphore, #tpu.memory_space<semaphore_mem>>)
        %dma_wait3A = arith.constant 0 : i32
        %dma_wait3A_83 = tpu.memref_slice %arg7[%add3A_79, %dma_wait3A] : memref<10240x64xf32, #tpu.memory_space<vmem_shared>> -> memref<64x64xf32, #tpu.memory_space<vmem_shared>>
        %dma_wait3A_84 = arith.constant 0 : i32
        %dma_wait3A_85 = tpu.memref_slice %arg7[%add3A_79, %dma_wait3A_84] : memref<10240x64xf32, #tpu.memory_space<vmem_shared>> -> memref<64x64xf32, #tpu.memory_space<vmem_shared>>
        tpu.wait_dma2 semaphore(%run_scoped3A : memref<!tpu.dma_semaphore, #tpu.memory_space<semaphore_mem>>) src(%arg8 : memref<64x64xf32, #tpu.memory_space<vmem>>) dst(%dma_wait3A_85 : memref<64x64xf32, #tpu.memory_space<vmem_shared>>)
        tpu.yield
      }) : () -> ()
    }
    %scan3A_11 = arith.constant 10 : i32
    %mul3A_12 = arith.constant 80 : i32
    %mul3A_13 = arith.muli %add3A, %mul3A_12 : i32
    "tpu.region"() ({
      %run_scoped3A = tpu.sem_alloc : memref<!tpu.dma_semaphore, #tpu.memory_space<semaphore_mem>>
      %dma_start3A = arith.constant 0 : i32
      %dma_start3A_74 = tpu.memref_slice %arg3[%mul3A_13, %dma_start3A] : memref<2560x128xi32, #tpu.memory_space<hbm>> -> memref<80x128xi32, #tpu.memory_space<hbm>>
      %dma_start3A_75 = arith.constant 0 : i32
      %dma_start3A_76 = tpu.memref_slice %arg3[%mul3A_13, %dma_start3A_75] : memref<2560x128xi32, #tpu.memory_space<hbm>> -> memref<80x128xi32, #tpu.memory_space<hbm>>
      tpu.enqueue_dma source(%dma_start3A_76 : memref<80x128xi32, #tpu.memory_space<hbm>>) target(%arg13 : memref<80x128xi32, #tpu.memory_space<vmem>>) target_semaphore(%run_scoped3A : memref<!tpu.dma_semaphore, #tpu.memory_space<semaphore_mem>>)
      %dma_wait3A = arith.constant 0 : i32
      %dma_wait3A_77 = tpu.memref_slice %arg3[%mul3A_13, %dma_wait3A] : memref<2560x128xi32, #tpu.memory_space<hbm>> -> memref<80x128xi32, #tpu.memory_space<hbm>>
      %dma_wait3A_78 = arith.constant 0 : i32
      %dma_wait3A_79 = tpu.memref_slice %arg3[%mul3A_13, %dma_wait3A_78] : memref<2560x128xi32, #tpu.memory_space<hbm>> -> memref<80x128xi32, #tpu.memory_space<hbm>>
      tpu.wait_dma2 semaphore(%run_scoped3A : memref<!tpu.dma_semaphore, #tpu.memory_space<semaphore_mem>>) src(%dma_wait3A_79 : memref<80x128xi32, #tpu.memory_space<hbm>>) dst(%arg13 : memref<80x128xi32, #tpu.memory_space<vmem>>)
      tpu.yield
    }) : () -> ()
    %mul3A_14 = arith.constant 80 : i32
    %mul3A_15 = arith.muli %add3A, %mul3A_14 : i32
    "tpu.region"() ({
      %run_scoped3A = tpu.sem_alloc : memref<!tpu.dma_semaphore, #tpu.memory_space<semaphore_mem>>
      %dma_start3A = arith.constant 0 : i32
      %dma_start3A_74 = tpu.memref_slice %arg4[%mul3A_15, %dma_start3A] : memref<2560x128xi32, #tpu.memory_space<hbm>> -> memref<80x128xi32, #tpu.memory_space<hbm>>
      %dma_start3A_75 = arith.constant 0 : i32
      %dma_start3A_76 = tpu.memref_slice %arg4[%mul3A_15, %dma_start3A_75] : memref<2560x128xi32, #tpu.memory_space<hbm>> -> memref<80x128xi32, #tpu.memory_space<hbm>>
      tpu.enqueue_dma source(%dma_start3A_76 : memref<80x128xi32, #tpu.memory_space<hbm>>) target(%arg14 : memref<80x128xi32, #tpu.memory_space<vmem>>) target_semaphore(%run_scoped3A : memref<!tpu.dma_semaphore, #tpu.memory_space<semaphore_mem>>)
      %dma_wait3A = arith.constant 0 : i32
      %dma_wait3A_77 = tpu.memref_slice %arg4[%mul3A_15, %dma_wait3A] : memref<2560x128xi32, #tpu.memory_space<hbm>> -> memref<80x128xi32, #tpu.memory_space<hbm>>
      %dma_wait3A_78 = arith.constant 0 : i32
      %dma_wait3A_79 = tpu.memref_slice %arg4[%mul3A_15, %dma_wait3A_78] : memref<2560x128xi32, #tpu.memory_space<hbm>> -> memref<80x128xi32, #tpu.memory_space<hbm>>
      tpu.wait_dma2 semaphore(%run_scoped3A : memref<!tpu.dma_semaphore, #tpu.memory_space<semaphore_mem>>) src(%dma_wait3A_79 : memref<80x128xi32, #tpu.memory_space<hbm>>) dst(%arg14 : memref<80x128xi32, #tpu.memory_space<vmem>>)
      tpu.yield
    }) : () -> ()
    %barrier3A = arith.constant 0 : index
    tpu.barrier barrier_id(%barrier3A)
    %mul3A_16 = arith.constant 80 : i32
    %mul3A_17 = arith.muli %add3A, %mul3A_16 : i32
    %sub3A = arith.constant 2500 : i32
    %sub3A_18 = arith.subi %sub3A, %mul3A_17 : i32
    %max3A = arith.constant 0 : i32
    %max3A_19 = arith.maxsi %max3A, %sub3A_18 : i32
    %min3A = arith.constant 80 : i32
    %min3A_20 = arith.minsi %min3A, %max3A_19 : i32
    %gt3A = arith.constant 0 : i32
    %gt3A_21 = arith.cmpi sgt, %min3A_20, %gt3A : i32
    %convert_element_type3A = arith.extui %gt3A_21 : i1 to i32
    %cond3A = arith.constant 0 : i32
    %cond3A_22 = arith.cmpi ne, %convert_element_type3A, %cond3A : i32
    scf.if %cond3A_22 {
      %dma_start3A = arith.constant 0 : i32
      %dma_start3A_74 = arith.constant 0 : i32
      %dma_start3A_75 = tpu.memref_slice %arg13[%dma_start3A, %dma_start3A_74] : memref<80x128xi32, #tpu.memory_space<vmem>> -> memref<1x128xi32, #tpu.memory_space<vmem>>
      %dma_start3A_76 = tpu.memref_squeeze %dma_start3A_75 : memref<1x128xi32, #tpu.memory_space<vmem>> -> memref<128xi32, #tpu.memory_space<vmem>>
      %dma_start3A_77 = arith.constant 0 : i32
      %dma_start3A_78 = arith.constant 0 : i32
      %dma_start3A_79 = tpu.memref_slice %arg2[%dma_start3A_77, %dma_start3A_78] : memref<10000x64xf32, #tpu.memory_space<hbm>> -> memref<10000x64xf32, #tpu.memory_space<hbm>>
      tpu.enqueue_indirect_dma source(%dma_start3A_79 : memref<10000x64xf32, #tpu.memory_space<hbm>>) target(%arg9 : memref<128x64xf32, #tpu.memory_space<vmem>>) offsets(%dma_start3A_76 : memref<128xi32, #tpu.memory_space<vmem>>) semaphore(%arg15 : memref<!tpu.dma_semaphore, #tpu.memory_space<semaphore_mem>>)
    } else {
    }
    %gt3A_23 = arith.constant 1 : i32
    %gt3A_24 = arith.cmpi sgt, %min3A_20, %gt3A_23 : i32
    %convert_element_type3A_25 = arith.extui %gt3A_24 : i1 to i32
    %cond3A_26 = arith.constant 0 : i32
    %cond3A_27 = arith.cmpi ne, %convert_element_type3A_25, %cond3A_26 : i32
    scf.if %cond3A_27 {
      %dma_start3A = arith.constant 1 : i32
      %dma_start3A_74 = arith.constant 0 : i32
      %dma_start3A_75 = tpu.memref_slice %arg13[%dma_start3A, %dma_start3A_74] : memref<80x128xi32, #tpu.memory_space<vmem>> -> memref<1x128xi32, #tpu.memory_space<vmem>>
      %dma_start3A_76 = tpu.memref_squeeze %dma_start3A_75 : memref<1x128xi32, #tpu.memory_space<vmem>> -> memref<128xi32, #tpu.memory_space<vmem>>
      %dma_start3A_77 = arith.constant 0 : i32
      %dma_start3A_78 = arith.constant 0 : i32
      %dma_start3A_79 = tpu.memref_slice %arg2[%dma_start3A_77, %dma_start3A_78] : memref<10000x64xf32, #tpu.memory_space<hbm>> -> memref<10000x64xf32, #tpu.memory_space<hbm>>
      tpu.enqueue_indirect_dma source(%dma_start3A_79 : memref<10000x64xf32, #tpu.memory_space<hbm>>) target(%arg10 : memref<128x64xf32, #tpu.memory_space<vmem>>) offsets(%dma_start3A_76 : memref<128xi32, #tpu.memory_space<vmem>>) semaphore(%arg16 : memref<!tpu.dma_semaphore, #tpu.memory_space<semaphore_mem>>)
    } else {
    }
    %gt3A_28 = arith.constant 2 : i32
    %gt3A_29 = arith.cmpi sgt, %min3A_20, %gt3A_28 : i32
    %convert_element_type3A_30 = arith.extui %gt3A_29 : i1 to i32
    %cond3A_31 = arith.constant 0 : i32
    %cond3A_32 = arith.cmpi ne, %convert_element_type3A_30, %cond3A_31 : i32
    scf.if %cond3A_32 {
      %dma_start3A = arith.constant 2 : i32
      %dma_start3A_74 = arith.constant 0 : i32
      %dma_start3A_75 = tpu.memref_slice %arg13[%dma_start3A, %dma_start3A_74] : memref<80x128xi32, #tpu.memory_space<vmem>> -> memref<1x128xi32, #tpu.memory_space<vmem>>
      %dma_start3A_76 = tpu.memref_squeeze %dma_start3A_75 : memref<1x128xi32, #tpu.memory_space<vmem>> -> memref<128xi32, #tpu.memory_space<vmem>>
      %dma_start3A_77 = arith.constant 0 : i32
      %dma_start3A_78 = arith.constant 0 : i32
      %dma_start3A_79 = tpu.memref_slice %arg2[%dma_start3A_77, %dma_start3A_78] : memref<10000x64xf32, #tpu.memory_space<hbm>> -> memref<10000x64xf32, #tpu.memory_space<hbm>>
      tpu.enqueue_indirect_dma source(%dma_start3A_79 : memref<10000x64xf32, #tpu.memory_space<hbm>>) target(%arg11 : memref<128x64xf32, #tpu.memory_space<vmem>>) offsets(%dma_start3A_76 : memref<128xi32, #tpu.memory_space<vmem>>) semaphore(%arg17 : memref<!tpu.dma_semaphore, #tpu.memory_space<semaphore_mem>>)
    } else {
    }
    %gt3A_33 = arith.constant 3 : i32
    %gt3A_34 = arith.cmpi sgt, %min3A_20, %gt3A_33 : i32
    %convert_element_type3A_35 = arith.extui %gt3A_34 : i1 to i32
    %cond3A_36 = arith.constant 0 : i32
    %cond3A_37 = arith.cmpi ne, %convert_element_type3A_35, %cond3A_36 : i32
    scf.if %cond3A_37 {
      %dma_start3A = arith.constant 3 : i32
      %dma_start3A_74 = arith.constant 0 : i32
      %dma_start3A_75 = tpu.memref_slice %arg13[%dma_start3A, %dma_start3A_74] : memref<80x128xi32, #tpu.memory_space<vmem>> -> memref<1x128xi32, #tpu.memory_space<vmem>>
      %dma_start3A_76 = tpu.memref_squeeze %dma_start3A_75 : memref<1x128xi32, #tpu.memory_space<vmem>> -> memref<128xi32, #tpu.memory_space<vmem>>
      %dma_start3A_77 = arith.constant 0 : i32
      %dma_start3A_78 = arith.constant 0 : i32
      %dma_start3A_79 = tpu.memref_slice %arg2[%dma_start3A_77, %dma_start3A_78] : memref<10000x64xf32, #tpu.memory_space<hbm>> -> memref<10000x64xf32, #tpu.memory_space<hbm>>
      tpu.enqueue_indirect_dma source(%dma_start3A_79 : memref<10000x64xf32, #tpu.memory_space<hbm>>) target(%arg12 : memref<128x64xf32, #tpu.memory_space<vmem>>) offsets(%dma_start3A_76 : memref<128xi32, #tpu.memory_space<vmem>>) semaphore(%arg18 : memref<!tpu.dma_semaphore, #tpu.memory_space<semaphore_mem>>)
    } else {
    }
    %jit3A = arith.constant 4 : i32
    %div3A = arith.divsi %min3A_20, %jit3A : i32
    %sign3A = arith.constant 0 : i32
    %sign3A_38 = arith.cmpi sgt, %min3A_20, %sign3A : i32
    %sign3A_39 = arith.extui %sign3A_38 : i1 to i32
    %sign3A_40 = arith.constant 0 : i32
    %sign3A_41 = arith.cmpi slt, %min3A_20, %sign3A_40 : i32
    %sign3A_42 = arith.extui %sign3A_41 : i1 to i32
    %sign3A_43 = arith.subi %sign3A_39, %sign3A_42 : i32
    %sign3A_44 = arith.constant 0 : i32
    %sign3A_45 = arith.cmpi sgt, %jit3A, %sign3A_44 : i32
    %sign3A_46 = arith.extui %sign3A_45 : i1 to i32
    %sign3A_47 = arith.constant 0 : i32
    %sign3A_48 = arith.cmpi slt, %jit3A, %sign3A_47 : i32
    %sign3A_49 = arith.extui %sign3A_48 : i1 to i32
    %sign3A_50 = arith.subi %sign3A_46, %sign3A_49 : i32
    %ne3A = arith.cmpi ne, %sign3A_43, %sign3A_50 : i32
    %rem3A = arith.remsi %min3A_20, %jit3A : i32
    %ne3A_51 = arith.constant 0 : i32
    %ne3A_52 = arith.cmpi ne, %rem3A, %ne3A_51 : i32
    %and3A = arith.andi %ne3A, %ne3A_52 : i1
    %sub3A_53 = arith.constant 1 : i32
    %sub3A_54 = arith.subi %div3A, %sub3A_53 : i32
    %select_n3A = arith.select %and3A, %sub3A_54, %div3A : i32
    %while3A = arith.constant 0 : i32
    %while3A_55 = arith.constant 0 : i32
    %while3A_56 = arith.subi %select_n3A, %while3A_55 : i32
    %while3A_57 = arith.addi %while3A_55, %while3A_56 : i32
    %while3A_58 = arith.constant 1 : i32
    %while3A_59 = arith.divsi %while3A_56, %while3A_58 : i32
    %while3A_60 = arith.muli %while3A_59, %while3A_58 : i32
    %while3A_61 = arith.addi %while3A_55, %while3A_60 : i32
    %while3A_62 = arith.constant 1 : i32
    scf.for %while3A_74 = %while3A_55 to %while3A_61 step %while3A_62  : i32 {
      %mul3A_75 = arith.constant 4 : i32
      %mul3A_76 = arith.muli %mul3A_75, %while3A_74 : i32
      %add3A_77 = arith.constant 0 : i32
      %add3A_78 = arith.addi %mul3A_76, %add3A_77 : i32
      %dma_wait3A = arith.constant 0 : i32
      %dma_wait3A_79 = tpu.memref_slice %arg13[%add3A_78, %dma_wait3A] : memref<80x128xi32, #tpu.memory_space<vmem>> -> memref<1x128xi32, #tpu.memory_space<vmem>>
      %dma_wait3A_80 = tpu.memref_squeeze %dma_wait3A_79 : memref<1x128xi32, #tpu.memory_space<vmem>> -> memref<128xi32, #tpu.memory_space<vmem>>
      %dma_wait3A_81 = arith.constant 0 : i32
      %dma_wait3A_82 = arith.constant 0 : i32
      %dma_wait3A_83 = tpu.memref_slice %arg2[%dma_wait3A_81, %dma_wait3A_82] : memref<10000x64xf32, #tpu.memory_space<hbm>> -> memref<10000x64xf32, #tpu.memory_space<hbm>>
      tpu.wait_indirect_dma semaphore(%arg15 : memref<!tpu.dma_semaphore, #tpu.memory_space<semaphore_mem>>) src(%dma_wait3A_83 : memref<10000x64xf32, #tpu.memory_space<hbm>>) dst(%arg9 : memref<128x64xf32, #tpu.memory_space<vmem>>)
      %add3A_84 = arith.constant 0 : i32
      %add3A_85 = arith.addi %mul3A_76, %add3A_84 : i32
      %dma_start3A = arith.constant 0 : i32
      %dma_start3A_86 = tpu.memref_slice %arg14[%add3A_85, %dma_start3A] : memref<80x128xi32, #tpu.memory_space<vmem>> -> memref<1x128xi32, #tpu.memory_space<vmem>>
      %dma_start3A_87 = tpu.memref_squeeze %dma_start3A_86 : memref<1x128xi32, #tpu.memory_space<vmem>> -> memref<128xi32, #tpu.memory_space<vmem>>
      %dma_start3A_88 = arith.constant 0 : i32
      %dma_start3A_89 = arith.constant 0 : i32
      %dma_start3A_90 = tpu.memref_slice %arg7[%dma_start3A_88, %dma_start3A_89] : memref<10240x64xf32, #tpu.memory_space<vmem_shared>> -> memref<10240x64xf32, #tpu.memory_space<vmem_shared>>
      tpu.enqueue_indirect_dma source(%arg9 : memref<128x64xf32, #tpu.memory_space<vmem>>) target(%dma_start3A_90 : memref<10240x64xf32, #tpu.memory_space<vmem_shared>>) offsets(%dma_start3A_87 : memref<128xi32, #tpu.memory_space<vmem>>) semaphore(%arg19 : memref<!tpu.dma_semaphore, #tpu.memory_space<semaphore_mem>>) {add = true}
      %add3A_91 = arith.constant 1 : i32
      %add3A_92 = arith.addi %mul3A_76, %add3A_91 : i32
      %dma_wait3A_93 = arith.constant 0 : i32
      %dma_wait3A_94 = tpu.memref_slice %arg13[%add3A_92, %dma_wait3A_93] : memref<80x128xi32, #tpu.memory_space<vmem>> -> memref<1x128xi32, #tpu.memory_space<vmem>>
      %dma_wait3A_95 = tpu.memref_squeeze %dma_wait3A_94 : memref<1x128xi32, #tpu.memory_space<vmem>> -> memref<128xi32, #tpu.memory_space<vmem>>
      %dma_wait3A_96 = arith.constant 0 : i32
      %dma_wait3A_97 = arith.constant 0 : i32
      %dma_wait3A_98 = tpu.memref_slice %arg2[%dma_wait3A_96, %dma_wait3A_97] : memref<10000x64xf32, #tpu.memory_space<hbm>> -> memref<10000x64xf32, #tpu.memory_space<hbm>>
      tpu.wait_indirect_dma semaphore(%arg16 : memref<!tpu.dma_semaphore, #tpu.memory_space<semaphore_mem>>) src(%dma_wait3A_98 : memref<10000x64xf32, #tpu.memory_space<hbm>>) dst(%arg10 : memref<128x64xf32, #tpu.memory_space<vmem>>)
      %add3A_99 = arith.constant 1 : i32
      %add3A_100 = arith.addi %mul3A_76, %add3A_99 : i32
      %dma_start3A_101 = arith.constant 0 : i32
      %dma_start3A_102 = tpu.memref_slice %arg14[%add3A_100, %dma_start3A_101] : memref<80x128xi32, #tpu.memory_space<vmem>> -> memref<1x128xi32, #tpu.memory_space<vmem>>
      %dma_start3A_103 = tpu.memref_squeeze %dma_start3A_102 : memref<1x128xi32, #tpu.memory_space<vmem>> -> memref<128xi32, #tpu.memory_space<vmem>>
      %dma_start3A_104 = arith.constant 0 : i32
      %dma_start3A_105 = arith.constant 0 : i32
      %dma_start3A_106 = tpu.memref_slice %arg7[%dma_start3A_104, %dma_start3A_105] : memref<10240x64xf32, #tpu.memory_space<vmem_shared>> -> memref<10240x64xf32, #tpu.memory_space<vmem_shared>>
      tpu.enqueue_indirect_dma source(%arg10 : memref<128x64xf32, #tpu.memory_space<vmem>>) target(%dma_start3A_106 : memref<10240x64xf32, #tpu.memory_space<vmem_shared>>) offsets(%dma_start3A_103 : memref<128xi32, #tpu.memory_space<vmem>>) semaphore(%arg20 : memref<!tpu.dma_semaphore, #tpu.memory_space<semaphore_mem>>) {add = true}
      %add3A_107 = arith.constant 2 : i32
      %add3A_108 = arith.addi %mul3A_76, %add3A_107 : i32
      %dma_wait3A_109 = arith.constant 0 : i32
      %dma_wait3A_110 = tpu.memref_slice %arg13[%add3A_108, %dma_wait3A_109] : memref<80x128xi32, #tpu.memory_space<vmem>> -> memref<1x128xi32, #tpu.memory_space<vmem>>
      %dma_wait3A_111 = tpu.memref_squeeze %dma_wait3A_110 : memref<1x128xi32, #tpu.memory_space<vmem>> -> memref<128xi32, #tpu.memory_space<vmem>>
      %dma_wait3A_112 = arith.constant 0 : i32
      %dma_wait3A_113 = arith.constant 0 : i32
      %dma_wait3A_114 = tpu.memref_slice %arg2[%dma_wait3A_112, %dma_wait3A_113] : memref<10000x64xf32, #tpu.memory_space<hbm>> -> memref<10000x64xf32, #tpu.memory_space<hbm>>
      tpu.wait_indirect_dma semaphore(%arg17 : memref<!tpu.dma_semaphore, #tpu.memory_space<semaphore_mem>>) src(%dma_wait3A_114 : memref<10000x64xf32, #tpu.memory_space<hbm>>) dst(%arg11 : memref<128x64xf32, #tpu.memory_space<vmem>>)
      %add3A_115 = arith.constant 2 : i32
      %add3A_116 = arith.addi %mul3A_76, %add3A_115 : i32
      %dma_start3A_117 = arith.constant 0 : i32
      %dma_start3A_118 = tpu.memref_slice %arg14[%add3A_116, %dma_start3A_117] : memref<80x128xi32, #tpu.memory_space<vmem>> -> memref<1x128xi32, #tpu.memory_space<vmem>>
      %dma_start3A_119 = tpu.memref_squeeze %dma_start3A_118 : memref<1x128xi32, #tpu.memory_space<vmem>> -> memref<128xi32, #tpu.memory_space<vmem>>
      %dma_start3A_120 = arith.constant 0 : i32
      %dma_start3A_121 = arith.constant 0 : i32
      %dma_start3A_122 = tpu.memref_slice %arg7[%dma_start3A_120, %dma_start3A_121] : memref<10240x64xf32, #tpu.memory_space<vmem_shared>> -> memref<10240x64xf32, #tpu.memory_space<vmem_shared>>
      tpu.enqueue_indirect_dma source(%arg11 : memref<128x64xf32, #tpu.memory_space<vmem>>) target(%dma_start3A_122 : memref<10240x64xf32, #tpu.memory_space<vmem_shared>>) offsets(%dma_start3A_119 : memref<128xi32, #tpu.memory_space<vmem>>) semaphore(%arg21 : memref<!tpu.dma_semaphore, #tpu.memory_space<semaphore_mem>>) {add = true}
      %add3A_123 = arith.constant 3 : i32
      %add3A_124 = arith.addi %mul3A_76, %add3A_123 : i32
      %dma_wait3A_125 = arith.constant 0 : i32
      %dma_wait3A_126 = tpu.memref_slice %arg13[%add3A_124, %dma_wait3A_125] : memref<80x128xi32, #tpu.memory_space<vmem>> -> memref<1x128xi32, #tpu.memory_space<vmem>>
      %dma_wait3A_127 = tpu.memref_squeeze %dma_wait3A_126 : memref<1x128xi32, #tpu.memory_space<vmem>> -> memref<128xi32, #tpu.memory_space<vmem>>
      %dma_wait3A_128 = arith.constant 0 : i32
      %dma_wait3A_129 = arith.constant 0 : i32
      %dma_wait3A_130 = tpu.memref_slice %arg2[%dma_wait3A_128, %dma_wait3A_129] : memref<10000x64xf32, #tpu.memory_space<hbm>> -> memref<10000x64xf32, #tpu.memory_space<hbm>>
      tpu.wait_indirect_dma semaphore(%arg18 : memref<!tpu.dma_semaphore, #tpu.memory_space<semaphore_mem>>) src(%dma_wait3A_130 : memref<10000x64xf32, #tpu.memory_space<hbm>>) dst(%arg12 : memref<128x64xf32, #tpu.memory_space<vmem>>)
      %add3A_131 = arith.constant 3 : i32
      %add3A_132 = arith.addi %mul3A_76, %add3A_131 : i32
      %dma_start3A_133 = arith.constant 0 : i32
      %dma_start3A_134 = tpu.memref_slice %arg14[%add3A_132, %dma_start3A_133] : memref<80x128xi32, #tpu.memory_space<vmem>> -> memref<1x128xi32, #tpu.memory_space<vmem>>
      %dma_start3A_135 = tpu.memref_squeeze %dma_start3A_134 : memref<1x128xi32, #tpu.memory_space<vmem>> -> memref<128xi32, #tpu.memory_space<vmem>>
      %dma_start3A_136 = arith.constant 0 : i32
      %dma_start3A_137 = arith.constant 0 : i32
      %dma_start3A_138 = tpu.memref_slice %arg7[%dma_start3A_136, %dma_start3A_137] : memref<10240x64xf32, #tpu.memory_space<vmem_shared>> -> memref<10240x64xf32, #tpu.memory_space<vmem_shared>>
      tpu.enqueue_indirect_dma source(%arg12 : memref<128x64xf32, #tpu.memory_space<vmem>>) target(%dma_start3A_138 : memref<10240x64xf32, #tpu.memory_space<vmem_shared>>) offsets(%dma_start3A_135 : memref<128xi32, #tpu.memory_space<vmem>>) semaphore(%arg22 : memref<!tpu.dma_semaphore, #tpu.memory_space<semaphore_mem>>) {add = true}
      %add3A_139 = arith.constant 0 : i32
      %add3A_140 = arith.addi %mul3A_76, %add3A_139 : i32
      %dma_wait3A_141 = arith.constant 0 : i32
      %dma_wait3A_142 = tpu.memref_slice %arg14[%add3A_140, %dma_wait3A_141] : memref<80x128xi32, #tpu.memory_space<vmem>> -> memref<1x128xi32, #tpu.memory_space<vmem>>
      %dma_wait3A_143 = tpu.memref_squeeze %dma_wait3A_142 : memref<1x128xi32, #tpu.memory_space<vmem>> -> memref<128xi32, #tpu.memory_space<vmem>>
      %dma_wait3A_144 = arith.constant 0 : i32
      %dma_wait3A_145 = arith.constant 0 : i32
      %dma_wait3A_146 = tpu.memref_slice %arg7[%dma_wait3A_144, %dma_wait3A_145] : memref<10240x64xf32, #tpu.memory_space<vmem_shared>> -> memref<10240x64xf32, #tpu.memory_space<vmem_shared>>
      tpu.wait_indirect_dma semaphore(%arg19 : memref<!tpu.dma_semaphore, #tpu.memory_space<semaphore_mem>>) src(%arg9 : memref<128x64xf32, #tpu.memory_space<vmem>>) dst(%dma_wait3A_146 : memref<10240x64xf32, #tpu.memory_space<vmem_shared>>)
      %add3A_147 = arith.constant 4 : i32
      %add3A_148 = arith.addi %mul3A_76, %add3A_147 : i32
      %add3A_149 = arith.constant 0 : i32
      %add3A_150 = arith.addi %add3A_148, %add3A_149 : i32
      %lt3A = arith.cmpi slt, %add3A_150, %min3A_20 : i32
      %convert_element_type3A_151 = arith.extui %lt3A : i1 to i32
      %cond3A_152 = arith.constant 0 : i32
      %cond3A_153 = arith.cmpi ne, %convert_element_type3A_151, %cond3A_152 : i32
      scf.if %cond3A_153 {
        %add3A_202 = arith.constant 4 : i32
        %add3A_203 = arith.addi %mul3A_76, %add3A_202 : i32
        %add3A_204 = arith.constant 0 : i32
        %add3A_205 = arith.addi %add3A_203, %add3A_204 : i32
        %dma_start3A_206 = arith.constant 0 : i32
        %dma_start3A_207 = tpu.memref_slice %arg13[%add3A_205, %dma_start3A_206] : memref<80x128xi32, #tpu.memory_space<vmem>> -> memref<1x128xi32, #tpu.memory_space<vmem>>
        %dma_start3A_208 = tpu.memref_squeeze %dma_start3A_207 : memref<1x128xi32, #tpu.memory_space<vmem>> -> memref<128xi32, #tpu.memory_space<vmem>>
        %dma_start3A_209 = arith.constant 0 : i32
        %dma_start3A_210 = arith.constant 0 : i32
        %dma_start3A_211 = tpu.memref_slice %arg2[%dma_start3A_209, %dma_start3A_210] : memref<10000x64xf32, #tpu.memory_space<hbm>> -> memref<10000x64xf32, #tpu.memory_space<hbm>>
        tpu.enqueue_indirect_dma source(%dma_start3A_211 : memref<10000x64xf32, #tpu.memory_space<hbm>>) target(%arg9 : memref<128x64xf32, #tpu.memory_space<vmem>>) offsets(%dma_start3A_208 : memref<128xi32, #tpu.memory_space<vmem>>) semaphore(%arg15 : memref<!tpu.dma_semaphore, #tpu.memory_space<semaphore_mem>>)
      } else {
      }
      %add3A_154 = arith.constant 1 : i32
      %add3A_155 = arith.addi %mul3A_76, %add3A_154 : i32
      %dma_wait3A_156 = arith.constant 0 : i32
      %dma_wait3A_157 = tpu.memref_slice %arg14[%add3A_155, %dma_wait3A_156] : memref<80x128xi32, #tpu.memory_space<vmem>> -> memref<1x128xi32, #tpu.memory_space<vmem>>
      %dma_wait3A_158 = tpu.memref_squeeze %dma_wait3A_157 : memref<1x128xi32, #tpu.memory_space<vmem>> -> memref<128xi32, #tpu.memory_space<vmem>>
      %dma_wait3A_159 = arith.constant 0 : i32
      %dma_wait3A_160 = arith.constant 0 : i32
      %dma_wait3A_161 = tpu.memref_slice %arg7[%dma_wait3A_159, %dma_wait3A_160] : memref<10240x64xf32, #tpu.memory_space<vmem_shared>> -> memref<10240x64xf32, #tpu.memory_space<vmem_shared>>
      tpu.wait_indirect_dma semaphore(%arg20 : memref<!tpu.dma_semaphore, #tpu.memory_space<semaphore_mem>>) src(%arg10 : memref<128x64xf32, #tpu.memory_space<vmem>>) dst(%dma_wait3A_161 : memref<10240x64xf32, #tpu.memory_space<vmem_shared>>)
      %add3A_162 = arith.constant 4 : i32
      %add3A_163 = arith.addi %mul3A_76, %add3A_162 : i32
      %add3A_164 = arith.constant 1 : i32
      %add3A_165 = arith.addi %add3A_163, %add3A_164 : i32
      %lt3A_166 = arith.cmpi slt, %add3A_165, %min3A_20 : i32
      %convert_element_type3A_167 = arith.extui %lt3A_166 : i1 to i32
      %cond3A_168 = arith.constant 0 : i32
      %cond3A_169 = arith.cmpi ne, %convert_element_type3A_167, %cond3A_168 : i32
      scf.if %cond3A_169 {
        %add3A_202 = arith.constant 4 : i32
        %add3A_203 = arith.addi %mul3A_76, %add3A_202 : i32
        %add3A_204 = arith.constant 1 : i32
        %add3A_205 = arith.addi %add3A_203, %add3A_204 : i32
        %dma_start3A_206 = arith.constant 0 : i32
        %dma_start3A_207 = tpu.memref_slice %arg13[%add3A_205, %dma_start3A_206] : memref<80x128xi32, #tpu.memory_space<vmem>> -> memref<1x128xi32, #tpu.memory_space<vmem>>
        %dma_start3A_208 = tpu.memref_squeeze %dma_start3A_207 : memref<1x128xi32, #tpu.memory_space<vmem>> -> memref<128xi32, #tpu.memory_space<vmem>>
        %dma_start3A_209 = arith.constant 0 : i32
        %dma_start3A_210 = arith.constant 0 : i32
        %dma_start3A_211 = tpu.memref_slice %arg2[%dma_start3A_209, %dma_start3A_210] : memref<10000x64xf32, #tpu.memory_space<hbm>> -> memref<10000x64xf32, #tpu.memory_space<hbm>>
        tpu.enqueue_indirect_dma source(%dma_start3A_211 : memref<10000x64xf32, #tpu.memory_space<hbm>>) target(%arg10 : memref<128x64xf32, #tpu.memory_space<vmem>>) offsets(%dma_start3A_208 : memref<128xi32, #tpu.memory_space<vmem>>) semaphore(%arg16 : memref<!tpu.dma_semaphore, #tpu.memory_space<semaphore_mem>>)
      } else {
      }
      %add3A_170 = arith.constant 2 : i32
      %add3A_171 = arith.addi %mul3A_76, %add3A_170 : i32
      %dma_wait3A_172 = arith.constant 0 : i32
      %dma_wait3A_173 = tpu.memref_slice %arg14[%add3A_171, %dma_wait3A_172] : memref<80x128xi32, #tpu.memory_space<vmem>> -> memref<1x128xi32, #tpu.memory_space<vmem>>
      %dma_wait3A_174 = tpu.memref_squeeze %dma_wait3A_173 : memref<1x128xi32, #tpu.memory_space<vmem>> -> memref<128xi32, #tpu.memory_space<vmem>>
      %dma_wait3A_175 = arith.constant 0 : i32
      %dma_wait3A_176 = arith.constant 0 : i32
      %dma_wait3A_177 = tpu.memref_slice %arg7[%dma_wait3A_175, %dma_wait3A_176] : memref<10240x64xf32, #tpu.memory_space<vmem_shared>> -> memref<10240x64xf32, #tpu.memory_space<vmem_shared>>
      tpu.wait_indirect_dma semaphore(%arg21 : memref<!tpu.dma_semaphore, #tpu.memory_space<semaphore_mem>>) src(%arg11 : memref<128x64xf32, #tpu.memory_space<vmem>>) dst(%dma_wait3A_177 : memref<10240x64xf32, #tpu.memory_space<vmem_shared>>)
      %add3A_178 = arith.constant 4 : i32
      %add3A_179 = arith.addi %mul3A_76, %add3A_178 : i32
      %add3A_180 = arith.constant 2 : i32
      %add3A_181 = arith.addi %add3A_179, %add3A_180 : i32
      %lt3A_182 = arith.cmpi slt, %add3A_181, %min3A_20 : i32
      %convert_element_type3A_183 = arith.extui %lt3A_182 : i1 to i32
      %cond3A_184 = arith.constant 0 : i32
      %cond3A_185 = arith.cmpi ne, %convert_element_type3A_183, %cond3A_184 : i32
      scf.if %cond3A_185 {
        %add3A_202 = arith.constant 4 : i32
        %add3A_203 = arith.addi %mul3A_76, %add3A_202 : i32
        %add3A_204 = arith.constant 2 : i32
        %add3A_205 = arith.addi %add3A_203, %add3A_204 : i32
        %dma_start3A_206 = arith.constant 0 : i32
        %dma_start3A_207 = tpu.memref_slice %arg13[%add3A_205, %dma_start3A_206] : memref<80x128xi32, #tpu.memory_space<vmem>> -> memref<1x128xi32, #tpu.memory_space<vmem>>
        %dma_start3A_208 = tpu.memref_squeeze %dma_start3A_207 : memref<1x128xi32, #tpu.memory_space<vmem>> -> memref<128xi32, #tpu.memory_space<vmem>>
        %dma_start3A_209 = arith.constant 0 : i32
        %dma_start3A_210 = arith.constant 0 : i32
        %dma_start3A_211 = tpu.memref_slice %arg2[%dma_start3A_209, %dma_start3A_210] : memref<10000x64xf32, #tpu.memory_space<hbm>> -> memref<10000x64xf32, #tpu.memory_space<hbm>>
        tpu.enqueue_indirect_dma source(%dma_start3A_211 : memref<10000x64xf32, #tpu.memory_space<hbm>>) target(%arg11 : memref<128x64xf32, #tpu.memory_space<vmem>>) offsets(%dma_start3A_208 : memref<128xi32, #tpu.memory_space<vmem>>) semaphore(%arg17 : memref<!tpu.dma_semaphore, #tpu.memory_space<semaphore_mem>>)
      } else {
      }
      %add3A_186 = arith.constant 3 : i32
      %add3A_187 = arith.addi %mul3A_76, %add3A_186 : i32
      %dma_wait3A_188 = arith.constant 0 : i32
      %dma_wait3A_189 = tpu.memref_slice %arg14[%add3A_187, %dma_wait3A_188] : memref<80x128xi32, #tpu.memory_space<vmem>> -> memref<1x128xi32, #tpu.memory_space<vmem>>
      %dma_wait3A_190 = tpu.memref_squeeze %dma_wait3A_189 : memref<1x128xi32, #tpu.memory_space<vmem>> -> memref<128xi32, #tpu.memory_space<vmem>>
      %dma_wait3A_191 = arith.constant 0 : i32
      %dma_wait3A_192 = arith.constant 0 : i32
      %dma_wait3A_193 = tpu.memref_slice %arg7[%dma_wait3A_191, %dma_wait3A_192] : memref<10240x64xf32, #tpu.memory_space<vmem_shared>> -> memref<10240x64xf32, #tpu.memory_space<vmem_shared>>
      tpu.wait_indirect_dma semaphore(%arg22 : memref<!tpu.dma_semaphore, #tpu.memory_space<semaphore_mem>>) src(%arg12 : memref<128x64xf32, #tpu.memory_space<vmem>>) dst(%dma_wait3A_193 : memref<10240x64xf32, #tpu.memory_space<vmem_shared>>)
      %add3A_194 = arith.constant 4 : i32
      %add3A_195 = arith.addi %mul3A_76, %add3A_194 : i32
      %add3A_196 = arith.constant 3 : i32
      %add3A_197 = arith.addi %add3A_195, %add3A_196 : i32
      %lt3A_198 = arith.cmpi slt, %add3A_197, %min3A_20 : i32
      %convert_element_type3A_199 = arith.extui %lt3A_198 : i1 to i32
      %cond3A_200 = arith.constant 0 : i32
      %cond3A_201 = arith.cmpi ne, %convert_element_type3A_199, %cond3A_200 : i32
      scf.if %cond3A_201 {
        %add3A_202 = arith.constant 4 : i32
        %add3A_203 = arith.addi %mul3A_76, %add3A_202 : i32
        %add3A_204 = arith.constant 3 : i32
        %add3A_205 = arith.addi %add3A_203, %add3A_204 : i32
        %dma_start3A_206 = arith.constant 0 : i32
        %dma_start3A_207 = tpu.memref_slice %arg13[%add3A_205, %dma_start3A_206] : memref<80x128xi32, #tpu.memory_space<vmem>> -> memref<1x128xi32, #tpu.memory_space<vmem>>
        %dma_start3A_208 = tpu.memref_squeeze %dma_start3A_207 : memref<1x128xi32, #tpu.memory_space<vmem>> -> memref<128xi32, #tpu.memory_space<vmem>>
        %dma_start3A_209 = arith.constant 0 : i32
        %dma_start3A_210 = arith.constant 0 : i32
        %dma_start3A_211 = tpu.memref_slice %arg2[%dma_start3A_209, %dma_start3A_210] : memref<10000x64xf32, #tpu.memory_space<hbm>> -> memref<10000x64xf32, #tpu.memory_space<hbm>>
        tpu.enqueue_indirect_dma source(%dma_start3A_211 : memref<10000x64xf32, #tpu.memory_space<hbm>>) target(%arg12 : memref<128x64xf32, #tpu.memory_space<vmem>>) offsets(%dma_start3A_208 : memref<128xi32, #tpu.memory_space<vmem>>) semaphore(%arg18 : memref<!tpu.dma_semaphore, #tpu.memory_space<semaphore_mem>>)
      } else {
      }
    }
    %while3A_63 = arith.constant 1 : i32
    scf.for %while3A_74 = %while3A_61 to %while3A_57 step %while3A_63  : i32 {
      %mul3A_75 = arith.constant 4 : i32
      %mul3A_76 = arith.muli %mul3A_75, %while3A_74 : i32
      %add3A_77 = arith.constant 0 : i32
      %add3A_78 = arith.addi %mul3A_76, %add3A_77 : i32
      %dma_wait3A = arith.constant 0 : i32
      %dma_wait3A_79 = tpu.memref_slice %arg13[%add3A_78, %dma_wait3A] : memref<80x128xi32, #tpu.memory_space<vmem>> -> memref<1x128xi32, #tpu.memory_space<vmem>>
      %dma_wait3A_80 = tpu.memref_squeeze %dma_wait3A_79 : memref<1x128xi32, #tpu.memory_space<vmem>> -> memref<128xi32, #tpu.memory_space<vmem>>
      %dma_wait3A_81 = arith.constant 0 : i32
      %dma_wait3A_82 = arith.constant 0 : i32
      %dma_wait3A_83 = tpu.memref_slice %arg2[%dma_wait3A_81, %dma_wait3A_82] : memref<10000x64xf32, #tpu.memory_space<hbm>> -> memref<10000x64xf32, #tpu.memory_space<hbm>>
      tpu.wait_indirect_dma semaphore(%arg15 : memref<!tpu.dma_semaphore, #tpu.memory_space<semaphore_mem>>) src(%dma_wait3A_83 : memref<10000x64xf32, #tpu.memory_space<hbm>>) dst(%arg9 : memref<128x64xf32, #tpu.memory_space<vmem>>)
      %add3A_84 = arith.constant 0 : i32
      %add3A_85 = arith.addi %mul3A_76, %add3A_84 : i32
      %dma_start3A = arith.constant 0 : i32
      %dma_start3A_86 = tpu.memref_slice %arg14[%add3A_85, %dma_start3A] : memref<80x128xi32, #tpu.memory_space<vmem>> -> memref<1x128xi32, #tpu.memory_space<vmem>>
      %dma_start3A_87 = tpu.memref_squeeze %dma_start3A_86 : memref<1x128xi32, #tpu.memory_space<vmem>> -> memref<128xi32, #tpu.memory_space<vmem>>
      %dma_start3A_88 = arith.constant 0 : i32
      %dma_start3A_89 = arith.constant 0 : i32
      %dma_start3A_90 = tpu.memref_slice %arg7[%dma_start3A_88, %dma_start3A_89] : memref<10240x64xf32, #tpu.memory_space<vmem_shared>> -> memref<10240x64xf32, #tpu.memory_space<vmem_shared>>
      tpu.enqueue_indirect_dma source(%arg9 : memref<128x64xf32, #tpu.memory_space<vmem>>) target(%dma_start3A_90 : memref<10240x64xf32, #tpu.memory_space<vmem_shared>>) offsets(%dma_start3A_87 : memref<128xi32, #tpu.memory_space<vmem>>) semaphore(%arg19 : memref<!tpu.dma_semaphore, #tpu.memory_space<semaphore_mem>>) {add = true}
      %add3A_91 = arith.constant 1 : i32
      %add3A_92 = arith.addi %mul3A_76, %add3A_91 : i32
      %dma_wait3A_93 = arith.constant 0 : i32
      %dma_wait3A_94 = tpu.memref_slice %arg13[%add3A_92, %dma_wait3A_93] : memref<80x128xi32, #tpu.memory_space<vmem>> -> memref<1x128xi32, #tpu.memory_space<vmem>>
      %dma_wait3A_95 = tpu.memref_squeeze %dma_wait3A_94 : memref<1x128xi32, #tpu.memory_space<vmem>> -> memref<128xi32, #tpu.memory_space<vmem>>
      %dma_wait3A_96 = arith.constant 0 : i32
      %dma_wait3A_97 = arith.constant 0 : i32
      %dma_wait3A_98 = tpu.memref_slice %arg2[%dma_wait3A_96, %dma_wait3A_97] : memref<10000x64xf32, #tpu.memory_space<hbm>> -> memref<10000x64xf32, #tpu.memory_space<hbm>>
      tpu.wait_indirect_dma semaphore(%arg16 : memref<!tpu.dma_semaphore, #tpu.memory_space<semaphore_mem>>) src(%dma_wait3A_98 : memref<10000x64xf32, #tpu.memory_space<hbm>>) dst(%arg10 : memref<128x64xf32, #tpu.memory_space<vmem>>)
      %add3A_99 = arith.constant 1 : i32
      %add3A_100 = arith.addi %mul3A_76, %add3A_99 : i32
      %dma_start3A_101 = arith.constant 0 : i32
      %dma_start3A_102 = tpu.memref_slice %arg14[%add3A_100, %dma_start3A_101] : memref<80x128xi32, #tpu.memory_space<vmem>> -> memref<1x128xi32, #tpu.memory_space<vmem>>
      %dma_start3A_103 = tpu.memref_squeeze %dma_start3A_102 : memref<1x128xi32, #tpu.memory_space<vmem>> -> memref<128xi32, #tpu.memory_space<vmem>>
      %dma_start3A_104 = arith.constant 0 : i32
      %dma_start3A_105 = arith.constant 0 : i32
      %dma_start3A_106 = tpu.memref_slice %arg7[%dma_start3A_104, %dma_start3A_105] : memref<10240x64xf32, #tpu.memory_space<vmem_shared>> -> memref<10240x64xf32, #tpu.memory_space<vmem_shared>>
      tpu.enqueue_indirect_dma source(%arg10 : memref<128x64xf32, #tpu.memory_space<vmem>>) target(%dma_start3A_106 : memref<10240x64xf32, #tpu.memory_space<vmem_shared>>) offsets(%dma_start3A_103 : memref<128xi32, #tpu.memory_space<vmem>>) semaphore(%arg20 : memref<!tpu.dma_semaphore, #tpu.memory_space<semaphore_mem>>) {add = true}
      %add3A_107 = arith.constant 2 : i32
      %add3A_108 = arith.addi %mul3A_76, %add3A_107 : i32
      %dma_wait3A_109 = arith.constant 0 : i32
      %dma_wait3A_110 = tpu.memref_slice %arg13[%add3A_108, %dma_wait3A_109] : memref<80x128xi32, #tpu.memory_space<vmem>> -> memref<1x128xi32, #tpu.memory_space<vmem>>
      %dma_wait3A_111 = tpu.memref_squeeze %dma_wait3A_110 : memref<1x128xi32, #tpu.memory_space<vmem>> -> memref<128xi32, #tpu.memory_space<vmem>>
      %dma_wait3A_112 = arith.constant 0 : i32
      %dma_wait3A_113 = arith.constant 0 : i32
      %dma_wait3A_114 = tpu.memref_slice %arg2[%dma_wait3A_112, %dma_wait3A_113] : memref<10000x64xf32, #tpu.memory_space<hbm>> -> memref<10000x64xf32, #tpu.memory_space<hbm>>
      tpu.wait_indirect_dma semaphore(%arg17 : memref<!tpu.dma_semaphore, #tpu.memory_space<semaphore_mem>>) src(%dma_wait3A_114 : memref<10000x64xf32, #tpu.memory_space<hbm>>) dst(%arg11 : memref<128x64xf32, #tpu.memory_space<vmem>>)
      %add3A_115 = arith.constant 2 : i32
      %add3A_116 = arith.addi %mul3A_76, %add3A_115 : i32
      %dma_start3A_117 = arith.constant 0 : i32
      %dma_start3A_118 = tpu.memref_slice %arg14[%add3A_116, %dma_start3A_117] : memref<80x128xi32, #tpu.memory_space<vmem>> -> memref<1x128xi32, #tpu.memory_space<vmem>>
      %dma_start3A_119 = tpu.memref_squeeze %dma_start3A_118 : memref<1x128xi32, #tpu.memory_space<vmem>> -> memref<128xi32, #tpu.memory_space<vmem>>
      %dma_start3A_120 = arith.constant 0 : i32
      %dma_start3A_121 = arith.constant 0 : i32
      %dma_start3A_122 = tpu.memref_slice %arg7[%dma_start3A_120, %dma_start3A_121] : memref<10240x64xf32, #tpu.memory_space<vmem_shared>> -> memref<10240x64xf32, #tpu.memory_space<vmem_shared>>
      tpu.enqueue_indirect_dma source(%arg11 : memref<128x64xf32, #tpu.memory_space<vmem>>) target(%dma_start3A_122 : memref<10240x64xf32, #tpu.memory_space<vmem_shared>>) offsets(%dma_start3A_119 : memref<128xi32, #tpu.memory_space<vmem>>) semaphore(%arg21 : memref<!tpu.dma_semaphore, #tpu.memory_space<semaphore_mem>>) {add = true}
      %add3A_123 = arith.constant 3 : i32
      %add3A_124 = arith.addi %mul3A_76, %add3A_123 : i32
      %dma_wait3A_125 = arith.constant 0 : i32
      %dma_wait3A_126 = tpu.memref_slice %arg13[%add3A_124, %dma_wait3A_125] : memref<80x128xi32, #tpu.memory_space<vmem>> -> memref<1x128xi32, #tpu.memory_space<vmem>>
      %dma_wait3A_127 = tpu.memref_squeeze %dma_wait3A_126 : memref<1x128xi32, #tpu.memory_space<vmem>> -> memref<128xi32, #tpu.memory_space<vmem>>
      %dma_wait3A_128 = arith.constant 0 : i32
      %dma_wait3A_129 = arith.constant 0 : i32
      %dma_wait3A_130 = tpu.memref_slice %arg2[%dma_wait3A_128, %dma_wait3A_129] : memref<10000x64xf32, #tpu.memory_space<hbm>> -> memref<10000x64xf32, #tpu.memory_space<hbm>>
      tpu.wait_indirect_dma semaphore(%arg18 : memref<!tpu.dma_semaphore, #tpu.memory_space<semaphore_mem>>) src(%dma_wait3A_130 : memref<10000x64xf32, #tpu.memory_space<hbm>>) dst(%arg12 : memref<128x64xf32, #tpu.memory_space<vmem>>)
      %add3A_131 = arith.constant 3 : i32
      %add3A_132 = arith.addi %mul3A_76, %add3A_131 : i32
      %dma_start3A_133 = arith.constant 0 : i32
      %dma_start3A_134 = tpu.memref_slice %arg14[%add3A_132, %dma_start3A_133] : memref<80x128xi32, #tpu.memory_space<vmem>> -> memref<1x128xi32, #tpu.memory_space<vmem>>
      %dma_start3A_135 = tpu.memref_squeeze %dma_start3A_134 : memref<1x128xi32, #tpu.memory_space<vmem>> -> memref<128xi32, #tpu.memory_space<vmem>>
      %dma_start3A_136 = arith.constant 0 : i32
      %dma_start3A_137 = arith.constant 0 : i32
      %dma_start3A_138 = tpu.memref_slice %arg7[%dma_start3A_136, %dma_start3A_137] : memref<10240x64xf32, #tpu.memory_space<vmem_shared>> -> memref<10240x64xf32, #tpu.memory_space<vmem_shared>>
      tpu.enqueue_indirect_dma source(%arg12 : memref<128x64xf32, #tpu.memory_space<vmem>>) target(%dma_start3A_138 : memref<10240x64xf32, #tpu.memory_space<vmem_shared>>) offsets(%dma_start3A_135 : memref<128xi32, #tpu.memory_space<vmem>>) semaphore(%arg22 : memref<!tpu.dma_semaphore, #tpu.memory_space<semaphore_mem>>) {add = true}
      %add3A_139 = arith.constant 0 : i32
      %add3A_140 = arith.addi %mul3A_76, %add3A_139 : i32
      %dma_wait3A_141 = arith.constant 0 : i32
      %dma_wait3A_142 = tpu.memref_slice %arg14[%add3A_140, %dma_wait3A_141] : memref<80x128xi32, #tpu.memory_space<vmem>> -> memref<1x128xi32, #tpu.memory_space<vmem>>
      %dma_wait3A_143 = tpu.memref_squeeze %dma_wait3A_142 : memref<1x128xi32, #tpu.memory_space<vmem>> -> memref<128xi32, #tpu.memory_space<vmem>>
      %dma_wait3A_144 = arith.constant 0 : i32
      %dma_wait3A_145 = arith.constant 0 : i32
      %dma_wait3A_146 = tpu.memref_slice %arg7[%dma_wait3A_144, %dma_wait3A_145] : memref<10240x64xf32, #tpu.memory_space<vmem_shared>> -> memref<10240x64xf32, #tpu.memory_space<vmem_shared>>
      tpu.wait_indirect_dma semaphore(%arg19 : memref<!tpu.dma_semaphore, #tpu.memory_space<semaphore_mem>>) src(%arg9 : memref<128x64xf32, #tpu.memory_space<vmem>>) dst(%dma_wait3A_146 : memref<10240x64xf32, #tpu.memory_space<vmem_shared>>)
      %add3A_147 = arith.constant 4 : i32
      %add3A_148 = arith.addi %mul3A_76, %add3A_147 : i32
      %add3A_149 = arith.constant 0 : i32
      %add3A_150 = arith.addi %add3A_148, %add3A_149 : i32
      %lt3A = arith.cmpi slt, %add3A_150, %min3A_20 : i32
      %convert_element_type3A_151 = arith.extui %lt3A : i1 to i32
      %cond3A_152 = arith.constant 0 : i32
      %cond3A_153 = arith.cmpi ne, %convert_element_type3A_151, %cond3A_152 : i32
      scf.if %cond3A_153 {
        %add3A_202 = arith.constant 4 : i32
        %add3A_203 = arith.addi %mul3A_76, %add3A_202 : i32
        %add3A_204 = arith.constant 0 : i32
        %add3A_205 = arith.addi %add3A_203, %add3A_204 : i32
        %dma_start3A_206 = arith.constant 0 : i32
        %dma_start3A_207 = tpu.memref_slice %arg13[%add3A_205, %dma_start3A_206] : memref<80x128xi32, #tpu.memory_space<vmem>> -> memref<1x128xi32, #tpu.memory_space<vmem>>
        %dma_start3A_208 = tpu.memref_squeeze %dma_start3A_207 : memref<1x128xi32, #tpu.memory_space<vmem>> -> memref<128xi32, #tpu.memory_space<vmem>>
        %dma_start3A_209 = arith.constant 0 : i32
        %dma_start3A_210 = arith.constant 0 : i32
        %dma_start3A_211 = tpu.memref_slice %arg2[%dma_start3A_209, %dma_start3A_210] : memref<10000x64xf32, #tpu.memory_space<hbm>> -> memref<10000x64xf32, #tpu.memory_space<hbm>>
        tpu.enqueue_indirect_dma source(%dma_start3A_211 : memref<10000x64xf32, #tpu.memory_space<hbm>>) target(%arg9 : memref<128x64xf32, #tpu.memory_space<vmem>>) offsets(%dma_start3A_208 : memref<128xi32, #tpu.memory_space<vmem>>) semaphore(%arg15 : memref<!tpu.dma_semaphore, #tpu.memory_space<semaphore_mem>>)
      } else {
      }
      %add3A_154 = arith.constant 1 : i32
      %add3A_155 = arith.addi %mul3A_76, %add3A_154 : i32
      %dma_wait3A_156 = arith.constant 0 : i32
      %dma_wait3A_157 = tpu.memref_slice %arg14[%add3A_155, %dma_wait3A_156] : memref<80x128xi32, #tpu.memory_space<vmem>> -> memref<1x128xi32, #tpu.memory_space<vmem>>
      %dma_wait3A_158 = tpu.memref_squeeze %dma_wait3A_157 : memref<1x128xi32, #tpu.memory_space<vmem>> -> memref<128xi32, #tpu.memory_space<vmem>>
      %dma_wait3A_159 = arith.constant 0 : i32
      %dma_wait3A_160 = arith.constant 0 : i32
      %dma_wait3A_161 = tpu.memref_slice %arg7[%dma_wait3A_159, %dma_wait3A_160] : memref<10240x64xf32, #tpu.memory_space<vmem_shared>> -> memref<10240x64xf32, #tpu.memory_space<vmem_shared>>
      tpu.wait_indirect_dma semaphore(%arg20 : memref<!tpu.dma_semaphore, #tpu.memory_space<semaphore_mem>>) src(%arg10 : memref<128x64xf32, #tpu.memory_space<vmem>>) dst(%dma_wait3A_161 : memref<10240x64xf32, #tpu.memory_space<vmem_shared>>)
      %add3A_162 = arith.constant 4 : i32
      %add3A_163 = arith.addi %mul3A_76, %add3A_162 : i32
      %add3A_164 = arith.constant 1 : i32
      %add3A_165 = arith.addi %add3A_163, %add3A_164 : i32
      %lt3A_166 = arith.cmpi slt, %add3A_165, %min3A_20 : i32
      %convert_element_type3A_167 = arith.extui %lt3A_166 : i1 to i32
      %cond3A_168 = arith.constant 0 : i32
      %cond3A_169 = arith.cmpi ne, %convert_element_type3A_167, %cond3A_168 : i32
      scf.if %cond3A_169 {
        %add3A_202 = arith.constant 4 : i32
        %add3A_203 = arith.addi %mul3A_76, %add3A_202 : i32
        %add3A_204 = arith.constant 1 : i32
        %add3A_205 = arith.addi %add3A_203, %add3A_204 : i32
        %dma_start3A_206 = arith.constant 0 : i32
        %dma_start3A_207 = tpu.memref_slice %arg13[%add3A_205, %dma_start3A_206] : memref<80x128xi32, #tpu.memory_space<vmem>> -> memref<1x128xi32, #tpu.memory_space<vmem>>
        %dma_start3A_208 = tpu.memref_squeeze %dma_start3A_207 : memref<1x128xi32, #tpu.memory_space<vmem>> -> memref<128xi32, #tpu.memory_space<vmem>>
        %dma_start3A_209 = arith.constant 0 : i32
        %dma_start3A_210 = arith.constant 0 : i32
        %dma_start3A_211 = tpu.memref_slice %arg2[%dma_start3A_209, %dma_start3A_210] : memref<10000x64xf32, #tpu.memory_space<hbm>> -> memref<10000x64xf32, #tpu.memory_space<hbm>>
        tpu.enqueue_indirect_dma source(%dma_start3A_211 : memref<10000x64xf32, #tpu.memory_space<hbm>>) target(%arg10 : memref<128x64xf32, #tpu.memory_space<vmem>>) offsets(%dma_start3A_208 : memref<128xi32, #tpu.memory_space<vmem>>) semaphore(%arg16 : memref<!tpu.dma_semaphore, #tpu.memory_space<semaphore_mem>>)
      } else {
      }
      %add3A_170 = arith.constant 2 : i32
      %add3A_171 = arith.addi %mul3A_76, %add3A_170 : i32
      %dma_wait3A_172 = arith.constant 0 : i32
      %dma_wait3A_173 = tpu.memref_slice %arg14[%add3A_171, %dma_wait3A_172] : memref<80x128xi32, #tpu.memory_space<vmem>> -> memref<1x128xi32, #tpu.memory_space<vmem>>
      %dma_wait3A_174 = tpu.memref_squeeze %dma_wait3A_173 : memref<1x128xi32, #tpu.memory_space<vmem>> -> memref<128xi32, #tpu.memory_space<vmem>>
      %dma_wait3A_175 = arith.constant 0 : i32
      %dma_wait3A_176 = arith.constant 0 : i32
      %dma_wait3A_177 = tpu.memref_slice %arg7[%dma_wait3A_175, %dma_wait3A_176] : memref<10240x64xf32, #tpu.memory_space<vmem_shared>> -> memref<10240x64xf32, #tpu.memory_space<vmem_shared>>
      tpu.wait_indirect_dma semaphore(%arg21 : memref<!tpu.dma_semaphore, #tpu.memory_space<semaphore_mem>>) src(%arg11 : memref<128x64xf32, #tpu.memory_space<vmem>>) dst(%dma_wait3A_177 : memref<10240x64xf32, #tpu.memory_space<vmem_shared>>)
      %add3A_178 = arith.constant 4 : i32
      %add3A_179 = arith.addi %mul3A_76, %add3A_178 : i32
      %add3A_180 = arith.constant 2 : i32
      %add3A_181 = arith.addi %add3A_179, %add3A_180 : i32
      %lt3A_182 = arith.cmpi slt, %add3A_181, %min3A_20 : i32
      %convert_element_type3A_183 = arith.extui %lt3A_182 : i1 to i32
      %cond3A_184 = arith.constant 0 : i32
      %cond3A_185 = arith.cmpi ne, %convert_element_type3A_183, %cond3A_184 : i32
      scf.if %cond3A_185 {
        %add3A_202 = arith.constant 4 : i32
        %add3A_203 = arith.addi %mul3A_76, %add3A_202 : i32
        %add3A_204 = arith.constant 2 : i32
        %add3A_205 = arith.addi %add3A_203, %add3A_204 : i32
        %dma_start3A_206 = arith.constant 0 : i32
        %dma_start3A_207 = tpu.memref_slice %arg13[%add3A_205, %dma_start3A_206] : memref<80x128xi32, #tpu.memory_space<vmem>> -> memref<1x128xi32, #tpu.memory_space<vmem>>
        %dma_start3A_208 = tpu.memref_squeeze %dma_start3A_207 : memref<1x128xi32, #tpu.memory_space<vmem>> -> memref<128xi32, #tpu.memory_space<vmem>>
        %dma_start3A_209 = arith.constant 0 : i32
        %dma_start3A_210 = arith.constant 0 : i32
        %dma_start3A_211 = tpu.memref_slice %arg2[%dma_start3A_209, %dma_start3A_210] : memref<10000x64xf32, #tpu.memory_space<hbm>> -> memref<10000x64xf32, #tpu.memory_space<hbm>>
        tpu.enqueue_indirect_dma source(%dma_start3A_211 : memref<10000x64xf32, #tpu.memory_space<hbm>>) target(%arg11 : memref<128x64xf32, #tpu.memory_space<vmem>>) offsets(%dma_start3A_208 : memref<128xi32, #tpu.memory_space<vmem>>) semaphore(%arg17 : memref<!tpu.dma_semaphore, #tpu.memory_space<semaphore_mem>>)
      } else {
      }
      %add3A_186 = arith.constant 3 : i32
      %add3A_187 = arith.addi %mul3A_76, %add3A_186 : i32
      %dma_wait3A_188 = arith.constant 0 : i32
      %dma_wait3A_189 = tpu.memref_slice %arg14[%add3A_187, %dma_wait3A_188] : memref<80x128xi32, #tpu.memory_space<vmem>> -> memref<1x128xi32, #tpu.memory_space<vmem>>
      %dma_wait3A_190 = tpu.memref_squeeze %dma_wait3A_189 : memref<1x128xi32, #tpu.memory_space<vmem>> -> memref<128xi32, #tpu.memory_space<vmem>>
      %dma_wait3A_191 = arith.constant 0 : i32
      %dma_wait3A_192 = arith.constant 0 : i32
      %dma_wait3A_193 = tpu.memref_slice %arg7[%dma_wait3A_191, %dma_wait3A_192] : memref<10240x64xf32, #tpu.memory_space<vmem_shared>> -> memref<10240x64xf32, #tpu.memory_space<vmem_shared>>
      tpu.wait_indirect_dma semaphore(%arg22 : memref<!tpu.dma_semaphore, #tpu.memory_space<semaphore_mem>>) src(%arg12 : memref<128x64xf32, #tpu.memory_space<vmem>>) dst(%dma_wait3A_193 : memref<10240x64xf32, #tpu.memory_space<vmem_shared>>)
      %add3A_194 = arith.constant 4 : i32
      %add3A_195 = arith.addi %mul3A_76, %add3A_194 : i32
      %add3A_196 = arith.constant 3 : i32
      %add3A_197 = arith.addi %add3A_195, %add3A_196 : i32
      %lt3A_198 = arith.cmpi slt, %add3A_197, %min3A_20 : i32
      %convert_element_type3A_199 = arith.extui %lt3A_198 : i1 to i32
      %cond3A_200 = arith.constant 0 : i32
      %cond3A_201 = arith.cmpi ne, %convert_element_type3A_199, %cond3A_200 : i32
      scf.if %cond3A_201 {
        %add3A_202 = arith.constant 4 : i32
        %add3A_203 = arith.addi %mul3A_76, %add3A_202 : i32
        %add3A_204 = arith.constant 3 : i32
        %add3A_205 = arith.addi %add3A_203, %add3A_204 : i32
        %dma_start3A_206 = arith.constant 0 : i32
        %dma_start3A_207 = tpu.memref_slice %arg13[%add3A_205, %dma_start3A_206] : memref<80x128xi32, #tpu.memory_space<vmem>> -> memref<1x128xi32, #tpu.memory_space<vmem>>
        %dma_start3A_208 = tpu.memref_squeeze %dma_start3A_207 : memref<1x128xi32, #tpu.memory_space<vmem>> -> memref<128xi32, #tpu.memory_space<vmem>>
        %dma_start3A_209 = arith.constant 0 : i32
        %dma_start3A_210 = arith.constant 0 : i32
        %dma_start3A_211 = tpu.memref_slice %arg2[%dma_start3A_209, %dma_start3A_210] : memref<10000x64xf32, #tpu.memory_space<hbm>> -> memref<10000x64xf32, #tpu.memory_space<hbm>>
        tpu.enqueue_indirect_dma source(%dma_start3A_211 : memref<10000x64xf32, #tpu.memory_space<hbm>>) target(%arg12 : memref<128x64xf32, #tpu.memory_space<vmem>>) offsets(%dma_start3A_208 : memref<128xi32, #tpu.memory_space<vmem>>) semaphore(%arg18 : memref<!tpu.dma_semaphore, #tpu.memory_space<semaphore_mem>>)
      } else {
      }
    }
    %barrier3A_64 = arith.constant 0 : index
    tpu.barrier barrier_id(%barrier3A_64)
    %eq3A = arith.constant 0 : i32
    %eq3A_65 = arith.cmpi eq, %arg0, %eq3A : i32
    %convert_element_type3A_66 = arith.extui %eq3A_65 : i1 to i32
    %cond3A_67 = arith.constant 0 : i32
    %cond3A_68 = arith.cmpi ne, %convert_element_type3A_66, %cond3A_67 : i32
    scf.if %cond3A_68 {
      %mul3A_74 = arith.constant 640 : i32
      %mul3A_75 = arith.muli %arg1, %mul3A_74 : i32
      %mul3A_76 = arith.constant 640 : i32
      %mul3A_77 = arith.muli %arg1, %mul3A_76 : i32
      "tpu.region"() ({
        %run_scoped3A = tpu.sem_alloc : memref<!tpu.dma_semaphore, #tpu.memory_space<semaphore_mem>>
        %dma_start3A = arith.constant 0 : i32
        %dma_start3A_78 = tpu.memref_slice %arg5[%mul3A_77, %dma_start3A] : memref<10240x64xf32, #tpu.memory_space<hbm>> -> memref<640x64xf32, #tpu.memory_space<hbm>>
        %dma_start3A_79 = arith.constant 0 : i32
        %dma_start3A_80 = tpu.memref_slice %arg7[%mul3A_75, %dma_start3A_79] : memref<10240x64xf32, #tpu.memory_space<vmem_shared>> -> memref<640x64xf32, #tpu.memory_space<vmem_shared>>
        tpu.enqueue_dma source(%dma_start3A_80 : memref<640x64xf32, #tpu.memory_space<vmem_shared>>) target(%dma_start3A_78 : memref<640x64xf32, #tpu.memory_space<hbm>>) target_semaphore(%run_scoped3A : memref<!tpu.dma_semaphore, #tpu.memory_space<semaphore_mem>>)
        %dma_wait3A = arith.constant 0 : i32
        %dma_wait3A_81 = tpu.memref_slice %arg5[%mul3A_77, %dma_wait3A] : memref<10240x64xf32, #tpu.memory_space<hbm>> -> memref<640x64xf32, #tpu.memory_space<hbm>>
        %dma_wait3A_82 = arith.constant 0 : i32
        %dma_wait3A_83 = tpu.memref_slice %arg7[%mul3A_75, %dma_wait3A_82] : memref<10240x64xf32, #tpu.memory_space<vmem_shared>> -> memref<640x64xf32, #tpu.memory_space<vmem_shared>>
        tpu.wait_dma2 semaphore(%run_scoped3A : memref<!tpu.dma_semaphore, #tpu.memory_space<semaphore_mem>>) src(%dma_wait3A_83 : memref<640x64xf32, #tpu.memory_space<vmem_shared>>) dst(%dma_wait3A_81 : memref<640x64xf32, #tpu.memory_space<hbm>>)
        tpu.yield
      }) : () -> ()
    } else {
    }
    %eq3A_69 = arith.constant 1 : i32
    %eq3A_70 = arith.cmpi eq, %arg0, %eq3A_69 : i32
    %convert_element_type3A_71 = arith.extui %eq3A_70 : i1 to i32
    %cond3A_72 = arith.constant 0 : i32
    %cond3A_73 = arith.cmpi ne, %convert_element_type3A_71, %cond3A_72 : i32
    scf.if %cond3A_73 {
      %mul3A_74 = arith.constant 640 : i32
      %mul3A_75 = arith.muli %arg1, %mul3A_74 : i32
      %mul3A_76 = arith.constant 640 : i32
      %mul3A_77 = arith.muli %arg1, %mul3A_76 : i32
      "tpu.region"() ({
        %run_scoped3A = tpu.sem_alloc : memref<!tpu.dma_semaphore, #tpu.memory_space<semaphore_mem>>
        %dma_start3A = arith.constant 0 : i32
        %dma_start3A_78 = tpu.memref_slice %arg6[%mul3A_77, %dma_start3A] : memref<10240x64xf32, #tpu.memory_space<hbm>> -> memref<640x64xf32, #tpu.memory_space<hbm>>
        %dma_start3A_79 = arith.constant 0 : i32
        %dma_start3A_80 = tpu.memref_slice %arg7[%mul3A_75, %dma_start3A_79] : memref<10240x64xf32, #tpu.memory_space<vmem_shared>> -> memref<640x64xf32, #tpu.memory_space<vmem_shared>>
        tpu.enqueue_dma source(%dma_start3A_80 : memref<640x64xf32, #tpu.memory_space<vmem_shared>>) target(%dma_start3A_78 : memref<640x64xf32, #tpu.memory_space<hbm>>) target_semaphore(%run_scoped3A : memref<!tpu.dma_semaphore, #tpu.memory_space<semaphore_mem>>)
        %dma_wait3A = arith.constant 0 : i32
        %dma_wait3A_81 = tpu.memref_slice %arg6[%mul3A_77, %dma_wait3A] : memref<10240x64xf32, #tpu.memory_space<hbm>> -> memref<640x64xf32, #tpu.memory_space<hbm>>
        %dma_wait3A_82 = arith.constant 0 : i32
        %dma_wait3A_83 = tpu.memref_slice %arg7[%mul3A_75, %dma_wait3A_82] : memref<10240x64xf32, #tpu.memory_space<vmem_shared>> -> memref<640x64xf32, #tpu.memory_space<vmem_shared>>
        tpu.wait_dma2 semaphore(%run_scoped3A : memref<!tpu.dma_semaphore, #tpu.memory_space<semaphore_mem>>) src(%dma_wait3A_83 : memref<640x64xf32, #tpu.memory_space<vmem_shared>>) dst(%dma_wait3A_81 : memref<640x64xf32, #tpu.memory_space<hbm>>)
        tpu.yield
      }) : () -> ()
    } else {
    }
    return
  }
}

module attributes {stable_mosaic.version = 14 : i64} {
  func.func @_prep_body(%arg0: i32, %arg1: memref<2000x128xf32, #tpu.memory_space<vmem>>, %arg2: memref<2000x2xf32, #tpu.memory_space<vmem>>, %arg3: memref<2000x2xf32, #tpu.memory_space<vmem>>, %arg4: memref<128x64xf32, #tpu.memory_space<vmem>>, %arg5: memref<2000x64xf32, #tpu.memory_space<vmem>>, %arg6: memref<2000x1xf32, #tpu.memory_space<vmem>>, %arg7: memref<2000x1xf32, #tpu.memory_space<vmem>>, %arg8: memref<2000x16xf32, #tpu.memory_space<vmem>>) attributes {dimension_semantics = [#tpu.dimension_semantics<arbitrary>], iteration_bounds = array<i64: 5>, scalar_prefetch = 0 : i64, scratch_operands = 0 : i64, tpu.core_type = #tpu.core_type<tc>, window_params = [{transform_indices = @transform_0, window_bounds = array<i64: 2000, 128>}, {transform_indices = @transform_1, window_bounds = array<i64: 2000, 2>}, {transform_indices = @transform_2, window_bounds = array<i64: 2000, 2>}, {pipeline_mode = #tpu.pipeline_mode<synchronous>, transform_indices = @transform_3, window_bounds = array<i64: 128, 64>}, {transform_indices = @transform_4, window_bounds = array<i64: 2000, 64>}, {transform_indices = @transform_5, window_bounds = array<i64: 2000, 1>}, {transform_indices = @transform_6, window_bounds = array<i64: 2000, 1>}, {transform_indices = @transform_7, window_bounds = array<i64: 2000, 16>}]} {
    %get3A = arith.constant 0 : index
    %get3A_0 = arith.constant 0 : index
    %get3A_1 = vector.load %arg2[%get3A, %get3A_0] : memref<2000x2xf32, #tpu.memory_space<vmem>>, vector<2000x1xf32>
    %get3A_2 = arith.constant 0 : index
    %get3A_3 = arith.constant 1 : index
    %get3A_4 = vector.load %arg2[%get3A_2, %get3A_3] : memref<2000x2xf32, #tpu.memory_space<vmem>>, vector<2000x1xf32>
    %add3A = arith.addf %get3A_1, %get3A_4 : vector<2000x1xf32>
    %get3A_5 = arith.constant 0 : index
    %get3A_6 = arith.constant 0 : index
    %get3A_7 = vector.load %arg3[%get3A_5, %get3A_6] : memref<2000x2xf32, #tpu.memory_space<vmem>>, vector<2000x1xf32>
    %get3A_8 = arith.constant 0 : index
    %get3A_9 = arith.constant 1 : index
    %get3A_10 = vector.load %arg3[%get3A_8, %get3A_9] : memref<2000x2xf32, #tpu.memory_space<vmem>>, vector<2000x1xf32>
    %add3A_11 = arith.addf %get3A_7, %get3A_10 : vector<2000x1xf32>
    %max3A = arith.constant 1.000000e+00 : f32
    %max3A_12 = vector.broadcast %max3A : f32 to vector<2000x1xf32>
    %max3A_13 = arith.maximumf %add3A, %max3A_12 : vector<2000x1xf32>
    %rsqrt3A = math.rsqrt %max3A_13 : vector<2000x1xf32>
    %max3A_14 = arith.constant 1.000000e+00 : f32
    %max3A_15 = vector.broadcast %max3A_14 : f32 to vector<2000x1xf32>
    %max3A_16 = arith.maximumf %add3A_11, %max3A_15 : vector<2000x1xf32>
    %rsqrt3A_17 = math.rsqrt %max3A_16 : vector<2000x1xf32>
    %swap3A = arith.constant 0 : index
    %swap3A_18 = arith.constant 0 : index
    %swap3A_19 = vector.load %arg6[%swap3A, %swap3A_18] : memref<2000x1xf32, #tpu.memory_space<vmem>>, vector<2000x1xf32>
    tpu.vector_store %arg6[%swap3A, %swap3A_18], %rsqrt3A {strides = array<i32>} : memref<2000x1xf32, #tpu.memory_space<vmem>>, vector<2000x1xf32>,
    %swap3A_20 = arith.constant 0 : index
    %swap3A_21 = arith.constant 0 : index
    %swap3A_22 = vector.load %arg7[%swap3A_20, %swap3A_21] : memref<2000x1xf32, #tpu.memory_space<vmem>>, vector<2000x1xf32>
    tpu.vector_store %arg7[%swap3A_20, %swap3A_21], %rsqrt3A_17 {strides = array<i32>} : memref<2000x1xf32, #tpu.memory_space<vmem>>, vector<2000x1xf32>,
    %broadcast_in_dim3A = vector.shape_cast %rsqrt3A_17 : vector<2000x1xf32> to vector<2000x1xf32>
    %broadcast_in_dim3A_23 = vector.broadcast %broadcast_in_dim3A : vector<2000x1xf32> to vector<2000x16xf32>
    %swap3A_24 = arith.constant 0 : index
    %swap3A_25 = arith.constant 0 : index
    %swap3A_26 = vector.load %arg8[%swap3A_24, %swap3A_25] : memref<2000x16xf32, #tpu.memory_space<vmem>>, vector<2000x16xf32>
    tpu.vector_store %arg8[%swap3A_24, %swap3A_25], %broadcast_in_dim3A_23 {strides = array<i32>} : memref<2000x16xf32, #tpu.memory_space<vmem>>, vector<2000x16xf32>,
    %get3A_27 = arith.constant 0 : index
    %get3A_28 = arith.constant 0 : index
    %get3A_29 = vector.load %arg1[%get3A_27, %get3A_28] : memref<2000x128xf32, #tpu.memory_space<vmem>>, vector<2000x128xf32>
    %mul3A = vector.broadcast %rsqrt3A : vector<2000x1xf32> to vector<2000x128xf32>
    %mul3A_30 = arith.mulf %get3A_29, %mul3A : vector<2000x128xf32>
    %get3A_31 = arith.constant 0 : index
    %get3A_32 = arith.constant 0 : index
    %get3A_33 = vector.load %arg4[%get3A_31, %get3A_32] : memref<128x64xf32, #tpu.memory_space<vmem>>, vector<128x64xf32>
    %dot_general3A = arith.constant dense<0.000000e+00> : vector<2000x64xf32>
    %dot_general3A_34 = tpu.matmul %mul3A_30, %get3A_33, %dot_general3A {dimension_numbers = #tpu.dot_dimension_numbers<[1], [0], [0], [1], [0, 0, 1, 1], [], []>, transpose_lhs_hint = false} : vector<2000x128xf32>, vector<128x64xf32>, vector<2000x64xf32> -> vector<2000x64xf32>
    %swap3A_35 = arith.constant 0 : index
    %swap3A_36 = arith.constant 0 : index
    %swap3A_37 = vector.load %arg5[%swap3A_35, %swap3A_36] : memref<2000x64xf32, #tpu.memory_space<vmem>>, vector<2000x64xf32>
    tpu.vector_store %arg5[%swap3A_35, %swap3A_36], %dot_general3A_34 {strides = array<i32>} : memref<2000x64xf32, #tpu.memory_space<vmem>>, vector<2000x64xf32>,
    return
  }
  func.func @transform_0(%arg0: i32) -> (i32, i32) {
    %c0_i32 = arith.constant 0 : i32
    %c0_i32_0 = arith.constant 0 : i32
    return %arg0, %c0_i32 : i32, i32
  }
  func.func @transform_1(%arg0: i32) -> (i32, i32) {
    %c0_i32 = arith.constant 0 : i32
    %c0_i32_0 = arith.constant 0 : i32
    return %arg0, %c0_i32 : i32, i32
  }
  func.func @transform_2(%arg0: i32) -> (i32, i32) {
    %c0_i32 = arith.constant 0 : i32
    %c0_i32_0 = arith.constant 0 : i32
    return %arg0, %c0_i32 : i32, i32
  }
  func.func @transform_3(%arg0: i32) -> (i32, i32) {
    %c0_i32 = arith.constant 0 : i32
    %c0_i32_0 = arith.constant 0 : i32
    %c0_i32_1 = arith.constant 0 : i32
    return %c0_i32, %c0_i32_0 : i32, i32
  }
  func.func @transform_4(%arg0: i32) -> (i32, i32) {
    %c0_i32 = arith.constant 0 : i32
    %c0_i32_0 = arith.constant 0 : i32
    return %arg0, %c0_i32 : i32, i32
  }
  func.func @transform_5(%arg0: i32) -> (i32, i32) {
    %c0_i32 = arith.constant 0 : i32
    %c0_i32_0 = arith.constant 0 : i32
    return %arg0, %c0_i32 : i32, i32
  }
  func.func @transform_6(%arg0: i32) -> (i32, i32) {
    %c0_i32 = arith.constant 0 : i32
    %c0_i32_0 = arith.constant 0 : i32
    return %arg0, %c0_i32 : i32, i32
  }
  func.func @transform_7(%arg0: i32) -> (i32, i32) {
    %c0_i32 = arith.constant 0 : i32
    %c0_i32_0 = arith.constant 0 : i32
    return %arg0, %c0_i32 : i32, i32
  }
}

module attributes {stable_mosaic.version = 14 : i64} {
  func.func @_mid_body(%arg0: i32, %arg1: memref<2000x64xf32, #tpu.memory_space<vmem>>, %arg2: memref<2000x64xf32, #tpu.memory_space<vmem>>, %arg3: memref<2000x1xf32, #tpu.memory_space<vmem>>, %arg4: memref<2000x1xf32, #tpu.memory_space<vmem>>, %arg5: memref<64x64xf32, #tpu.memory_space<vmem>>, %arg6: memref<1x64xf32, #tpu.memory_space<vmem>>, %arg7: memref<2000x64xf32, #tpu.memory_space<vmem>>) attributes {dimension_semantics = [#tpu.dimension_semantics<arbitrary>], iteration_bounds = array<i64: 5>, scalar_prefetch = 0 : i64, scratch_operands = 0 : i64, tpu.core_type = #tpu.core_type<tc>, window_params = [{transform_indices = @transform_0, window_bounds = array<i64: 2000, 64>}, {transform_indices = @transform_1, window_bounds = array<i64: 2000, 64>}, {transform_indices = @transform_2, window_bounds = array<i64: 2000, 1>}, {transform_indices = @transform_3, window_bounds = array<i64: 2000, 1>}, {pipeline_mode = #tpu.pipeline_mode<synchronous>, transform_indices = @transform_4, window_bounds = array<i64: 64, 64>}, {pipeline_mode = #tpu.pipeline_mode<synchronous>, transform_indices = @transform_5, window_bounds = array<i64: 1, 64>}, {transform_indices = @transform_6, window_bounds = array<i64: 2000, 64>}]} {
    %get3A = arith.constant 0 : index
    %get3A_0 = arith.constant 0 : index
    %get3A_1 = vector.load %arg1[%get3A, %get3A_0] : memref<2000x64xf32, #tpu.memory_space<vmem>>, vector<2000x64xf32>
    %get3A_2 = arith.constant 0 : index
    %get3A_3 = arith.constant 0 : index
    %get3A_4 = vector.load %arg2[%get3A_2, %get3A_3] : memref<2000x64xf32, #tpu.memory_space<vmem>>, vector<2000x64xf32>
    %add3A = arith.addf %get3A_1, %get3A_4 : vector<2000x64xf32>
    %get3A_5 = arith.constant 0 : index
    %get3A_6 = arith.constant 0 : index
    %get3A_7 = vector.load %arg3[%get3A_5, %get3A_6] : memref<2000x1xf32, #tpu.memory_space<vmem>>, vector<2000x1xf32>
    %mul3A = vector.broadcast %get3A_7 : vector<2000x1xf32> to vector<2000x64xf32>
    %mul3A_8 = arith.mulf %add3A, %mul3A : vector<2000x64xf32>
    %get3A_9 = arith.constant 0 : index
    %get3A_10 = arith.constant 0 : index
    %get3A_11 = vector.load %arg6[%get3A_9, %get3A_10] : memref<1x64xf32, #tpu.memory_space<vmem>>, vector<1x64xf32>
    %add3A_12 = vector.broadcast %get3A_11 : vector<1x64xf32> to vector<2000x64xf32>
    %add3A_13 = arith.addf %mul3A_8, %add3A_12 : vector<2000x64xf32>
    %max3A = arith.constant 0.000000e+00 : f32
    %max3A_14 = vector.broadcast %max3A : f32 to vector<2000x64xf32>
    %max3A_15 = arith.maximumf %add3A_13, %max3A_14 : vector<2000x64xf32>
    %get3A_16 = arith.constant 0 : index
    %get3A_17 = arith.constant 0 : index
    %get3A_18 = vector.load %arg4[%get3A_16, %get3A_17] : memref<2000x1xf32, #tpu.memory_space<vmem>>, vector<2000x1xf32>
    %mul3A_19 = vector.broadcast %get3A_18 : vector<2000x1xf32> to vector<2000x64xf32>
    %mul3A_20 = arith.mulf %max3A_15, %mul3A_19 : vector<2000x64xf32>
    %get3A_21 = arith.constant 0 : index
    %get3A_22 = arith.constant 0 : index
    %get3A_23 = vector.load %arg5[%get3A_21, %get3A_22] : memref<64x64xf32, #tpu.memory_space<vmem>>, vector<64x64xf32>
    %dot_general3A = arith.constant dense<0.000000e+00> : vector<2000x64xf32>
    %dot_general3A_24 = tpu.matmul %mul3A_20, %get3A_23, %dot_general3A {dimension_numbers = #tpu.dot_dimension_numbers<[1], [0], [0], [1], [0, 0, 1, 1], [], []>, transpose_lhs_hint = false} : vector<2000x64xf32>, vector<64x64xf32>, vector<2000x64xf32> -> vector<2000x64xf32>
    %swap3A = arith.constant 0 : index
    %swap3A_25 = arith.constant 0 : index
    %swap3A_26 = vector.load %arg7[%swap3A, %swap3A_25] : memref<2000x64xf32, #tpu.memory_space<vmem>>, vector<2000x64xf32>
    tpu.vector_store %arg7[%swap3A, %swap3A_25], %dot_general3A_24 {strides = array<i32>} : memref<2000x64xf32, #tpu.memory_space<vmem>>, vector<2000x64xf32>,
    return
  }
  func.func @transform_0(%arg0: i32) -> (i32, i32) {
    %c0_i32 = arith.constant 0 : i32
    %c0_i32_0 = arith.constant 0 : i32
    return %arg0, %c0_i32 : i32, i32
  }
  func.func @transform_1(%arg0: i32) -> (i32, i32) {
    %c0_i32 = arith.constant 0 : i32
    %c0_i32_0 = arith.constant 0 : i32
    return %arg0, %c0_i32 : i32, i32
  }
  func.func @transform_2(%arg0: i32) -> (i32, i32) {
    %c0_i32 = arith.constant 0 : i32
    %c0_i32_0 = arith.constant 0 : i32
    return %arg0, %c0_i32 : i32, i32
  }
  func.func @transform_3(%arg0: i32) -> (i32, i32) {
    %c0_i32 = arith.constant 0 : i32
    %c0_i32_0 = arith.constant 0 : i32
    return %arg0, %c0_i32 : i32, i32
  }
  func.func @transform_4(%arg0: i32) -> (i32, i32) {
    %c0_i32 = arith.constant 0 : i32
    %c0_i32_0 = arith.constant 0 : i32
    %c0_i32_1 = arith.constant 0 : i32
    return %c0_i32, %c0_i32_0 : i32, i32
  }
  func.func @transform_5(%arg0: i32) -> (i32, i32) {
    %c0_i32 = arith.constant 0 : i32
    %c0_i32_0 = arith.constant 0 : i32
    %c0_i32_1 = arith.constant 0 : i32
    return %c0_i32, %c0_i32_0 : i32, i32
  }
  func.func @transform_6(%arg0: i32) -> (i32, i32) {
    %c0_i32 = arith.constant 0 : i32
    %c0_i32_0 = arith.constant 0 : i32
    return %arg0, %c0_i32 : i32, i32
  }
}

module attributes {stable_mosaic.version = 14 : i64} {
  func.func @_head_body(%arg0: memref<2048x64xf32, #tpu.memory_space<vmem>>, %arg1: memref<2048x64xf32, #tpu.memory_space<vmem>>, %arg2: memref<2048x16xf32, #tpu.memory_space<vmem>>, %arg3: memref<1x64xf32, #tpu.memory_space<vmem>>, %arg4: memref<128x64xf32, #tpu.memory_space<vmem>>, %arg5: memref<1x64xf32, #tpu.memory_space<vmem>>, %arg6: memref<64x2xf32, #tpu.memory_space<vmem>>, %arg7: memref<1x2xf32, #tpu.memory_space<vmem>>, %arg8: memref<1024x2xf32, #tpu.memory_space<vmem>>) attributes {dimension_semantics = [], scalar_prefetch = 0 : i64, scratch_operands = 0 : i64, tpu.core_type = #tpu.core_type<tc>} {
    %get3A = arith.constant 0 : index
    %get3A_0 = arith.constant 0 : index
    %get3A_1 = vector.load %arg0[%get3A, %get3A_0] : memref<2048x64xf32, #tpu.memory_space<vmem>>, vector<2048x64xf32>
    %get3A_2 = arith.constant 0 : index
    %get3A_3 = arith.constant 0 : index
    %get3A_4 = vector.load %arg1[%get3A_2, %get3A_3] : memref<2048x64xf32, #tpu.memory_space<vmem>>, vector<2048x64xf32>
    %add3A = arith.addf %get3A_1, %get3A_4 : vector<2048x64xf32>
    %get3A_5 = arith.constant 0 : index
    %get3A_6 = arith.constant 0 : index
    %get3A_7 = vector.load %arg2[%get3A_5, %get3A_6] : memref<2048x16xf32, #tpu.memory_space<vmem>>, vector<2048x1xf32>
    %mul3A = vector.broadcast %get3A_7 : vector<2048x1xf32> to vector<2048x64xf32>
    %mul3A_8 = arith.mulf %add3A, %mul3A : vector<2048x64xf32>
    %get3A_9 = arith.constant 0 : index
    %get3A_10 = arith.constant 0 : index
    %get3A_11 = vector.load %arg3[%get3A_9, %get3A_10] : memref<1x64xf32, #tpu.memory_space<vmem>>, vector<1x64xf32>
    %add3A_12 = vector.broadcast %get3A_11 : vector<1x64xf32> to vector<2048x64xf32>
    %add3A_13 = arith.addf %mul3A_8, %add3A_12 : vector<2048x64xf32>
    %slice3A = vector.extract_strided_slice %add3A_13 {offsets = [0, 0], sizes = [1024, 64], strides = [1, 1]} : vector<2048x64xf32> to vector<1024x64xf32>
    %slice3A_14 = vector.extract_strided_slice %add3A_13 {offsets = [1024, 0], sizes = [1024, 64], strides = [1, 1]} : vector<2048x64xf32> to vector<1024x64xf32>
    %get3A_15 = arith.constant 0 : index
    %get3A_16 = arith.constant 0 : index
    %get3A_17 = vector.load %arg4[%get3A_15, %get3A_16] : memref<128x64xf32, #tpu.memory_space<vmem>>, vector<64x64xf32>
    %dot_general3A = arith.constant dense<0.000000e+00> : vector<1024x64xf32>
    %dot_general3A_18 = tpu.matmul %slice3A, %get3A_17, %dot_general3A {dimension_numbers = #tpu.dot_dimension_numbers<[1], [0], [0], [1], [0, 0, 1, 1], [], []>, transpose_lhs_hint = false} : vector<1024x64xf32>, vector<64x64xf32>, vector<1024x64xf32> -> vector<1024x64xf32>
    %get3A_19 = arith.constant 64 : index
    %get3A_20 = arith.constant 0 : index
    %get3A_21 = vector.load %arg4[%get3A_19, %get3A_20] : memref<128x64xf32, #tpu.memory_space<vmem>>, vector<64x64xf32>
    %dot_general3A_22 = arith.constant dense<0.000000e+00> : vector<1024x64xf32>
    %dot_general3A_23 = tpu.matmul %slice3A_14, %get3A_21, %dot_general3A_22 {dimension_numbers = #tpu.dot_dimension_numbers<[1], [0], [0], [1], [0, 0, 1, 1], [], []>, transpose_lhs_hint = false} : vector<1024x64xf32>, vector<64x64xf32>, vector<1024x64xf32> -> vector<1024x64xf32>
    %add3A_24 = arith.addf %dot_general3A_18, %dot_general3A_23 : vector<1024x64xf32>
    %get3A_25 = arith.constant 0 : index
    %get3A_26 = arith.constant 0 : index
    %get3A_27 = vector.load %arg5[%get3A_25, %get3A_26] : memref<1x64xf32, #tpu.memory_space<vmem>>, vector<1x64xf32>
    %add3A_28 = vector.broadcast %get3A_27 : vector<1x64xf32> to vector<1024x64xf32>
    %add3A_29 = arith.addf %add3A_24, %add3A_28 : vector<1024x64xf32>
    %max3A = arith.constant 0.000000e+00 : f32
    %max3A_30 = vector.broadcast %max3A : f32 to vector<1024x64xf32>
    %max3A_31 = arith.maximumf %add3A_29, %max3A_30 : vector<1024x64xf32>
    %get3A_32 = arith.constant 0 : index
    %get3A_33 = arith.constant 0 : index
    %get3A_34 = vector.load %arg6[%get3A_32, %get3A_33] : memref<64x2xf32, #tpu.memory_space<vmem>>, vector<64x2xf32>
    %dot_general3A_35 = arith.constant dense<0.000000e+00> : vector<1024x2xf32>
    %dot_general3A_36 = tpu.matmul %max3A_31, %get3A_34, %dot_general3A_35 {dimension_numbers = #tpu.dot_dimension_numbers<[1], [0], [0], [1], [0, 0, 1, 1], [], []>, transpose_lhs_hint = false} : vector<1024x64xf32>, vector<64x2xf32>, vector<1024x2xf32> -> vector<1024x2xf32>
    %get3A_37 = arith.constant 0 : index
    %get3A_38 = arith.constant 0 : index
    %get3A_39 = vector.load %arg7[%get3A_37, %get3A_38] : memref<1x2xf32, #tpu.memory_space<vmem>>, vector<1x2xf32>
    %add3A_40 = vector.broadcast %get3A_39 : vector<1x2xf32> to vector<1024x2xf32>
    %add3A_41 = arith.addf %dot_general3A_36, %add3A_40 : vector<1024x2xf32>
    %swap3A = arith.constant 0 : index
    %swap3A_42 = arith.constant 0 : index
    %swap3A_43 = vector.load %arg8[%swap3A, %swap3A_42] : memref<1024x2xf32, #tpu.memory_space<vmem>>, vector<1024x2xf32>
    tpu.vector_store %arg8[%swap3A, %swap3A_42], %add3A_41 {strides = array<i32>} : memref<1024x2xf32, #tpu.memory_space<vmem>>, vector<1024x2xf32>,
    return
  }
}

</mosaic_0001>

<sc_bundles>
// kernel: kernel.11.cloned.1.call-start
scs
__scs_entry_jumppad:
0x0: {  	(pc) =	sbr.rel $0x88, $3  }
0x1: {  	(tag) =	ssettag $0x0;
	lr =	simm.s32 $0x1  }
0x2: {  	[smem:$0x3F96] =	sst lr;
	_ =	strace $0xD0000000  }
0x3: {  	_ = 	snop  }
0x4: {  	_ = 	snop  }
0x5: {  	_ = 	snop  }
0x6: {  	_ = 	snop  }
0x7: {  	_ = 	snop  }
__scs_overlays_trampoline_lowered:
0x8: {  	[smem:$0x3FA5] =	sst s0  }
0x9: {  	[smem:$0x3FA6] =	sst s1  }
0xa: {  	[smem:$0x3FA7] =	sst s2  }
0xb: {  	[smem:$0x3FA8] =	sst s3  }
0xc: {  	[smem:$0x3FA9] =	sst s4  }
0xd: {  	[smem:$0x3FAA] =	sst s5  }
0xe: {  	[smem:$0x3FAB] =	sst s6  }
0xf: {  	[smem:$0x3FAC] =	sst s7  }
0x10: {  	[smem:$0x3FAD] =	sst s8  }
0x11: {  	[smem:$0x3FAE] =	sst s9;
	s0 =	simm.s32 @!p0 $0x0  }
0x12: {  	s1 =	sld [smem:$0x3F94];
	s0 =	simm.s32 @p0 $0x1  }
0x13: {  	[smem:$0x3FAF] =	sst s0;
	s0 =	simm.s32 @!p1 $0x0  }
0x14: {  	s2 =	sld [smem:$0x3F93];
	s0 =	simm.s32 @p1 $0x1  }
0x15: {  	[smem:$0x3FB0] =	sst s0;
	s0 =	simm.s32 @!p2 $0x0  }
0x16: {  	s3 =	sld [smem:$0x3FDB];
	s0 =	simm.s32 @p2 $0x1  }
0x17: {  	s4 =	simm.s32 $0x1BF5;
	[smem:$0x3FB2] =	sst s0  }
0x18: {  	s0 =	sld [smem:$0x3F95];
	_ =	swait.ge [sflag:s4], $0x0  }
0x19: {  	s7 =	sld [smem:$0x3F96]  }
0x1a: {  	s8 =	sadd.s32 $0xFFFFE003, lr  }
0x1b: {  	s9 =	sadd.s32 $0xFFFFFEF7, lr;
	s5 =	simm.s32 $0xFFFFFFFF;
	p2 =	slt.u32 s8, $0xFFFFF086  }
0x1c: {  	p1 =	slt.u32 s9, $0xF7A;
	s5 =	simm.s32 @!p2 $0x0  }
0x1d: {  	s5 =	simm.s32 @p1 $0x1;
	p0 =	seq.s32 s7, s2  }
0x1e: {  	s7 =	smul.u32 @!p0 $0xF7A, s2;
	p2 =	seq.s32 @!p0 s5, $0x0  }
0x1f: {  	s9 =	smul.u32 $0xF7A, s1;
	s8 =	simm.s32 @!p0 $0x1BF5;
	p2 =	por !p2, p0  }
0x20: {  	[sflag:s8] =	ssyncset.s32 @!p0 $0xFFFFF086;
	s6 =	sadd.s32 @!p0 s3, s7;
	s7 =	simm.s32 @!p0 $0x108  }
0x21: {  	s3 =	sadd.s32 s3, s9;
	s6 =	sadd.s32 @!p0 $0x88, s6;
	s7 =	simm.s32 @p2 $0x1082  }
0x22: {  	[simem:s7], [sflag:s8] =	dma.local @!p0 [hbm:s6], $0xF7A  }
0x23: {  	s9 =	sor.u32 $0xD0000000, s2;
	s6 =	simm.s32 $0x108;
	_ =	swait.ge @!p0 [sflag:s8], $0x0  }
0x24: {  	s3 =	sadd.s32 $0x88, s3;
	s6 =	simm.s32 @!p1 $0x1082;
	[sflag:s4] =	ssyncset.s32 $0xFFFFF086  }
0x25: {  	[simem:s6], [sflag:s4] =	dma.local [hbm:s3], $0xF7A  }
0x26: {  	[smem:$0x3F96] =	sst s1;
	(tag) =	ssettag s2;
	_ =	strace s9  }
0x27: {  	s1 =	sld [smem:$0x3FA6]  }
0x28: {  	s2 =	sld [smem:$0x3FA7]  }
0x29: {  	s4 =	sld [smem:$0x3FA9]  }
0x2a: {  	p0 =	seq.s32 s5, $0x0;
	s5 =	sld [smem:$0x3FAA]  }
0x2b: {  	s6 =	sld [smem:$0x3FAB]  }
0x2c: {  	s7 =	sld [smem:$0x3FAC]  }
0x2d: {  	s3 =	simm.s32 $0x108;
	s8 =	sld [smem:$0x3FAD]  }
0x2e: {  	s3 =	simm.s32 @!p0 $0x1082;
	s9 =	sld [smem:$0x3FAE]  }
0x2f: {  	lr =	sadd.s32 s0, s3;
	s0 =	sld [smem:$0x3FA5]  }
0x30: {  	s3 =	sld [smem:$0x3FA8]  }
0x31: {  	[smem:$0x3FB1] =	sst s10  }
0x32: {  	s10 =	sld [smem:$0x3FAF];
	_ =	sdelay $0x3  }
0x33: {  	p0 =	seq.s32 s10, $0x1;
	s10 =	sld [smem:$0x3FB1];
	_ =	sdelay $0x3  }
0x34: {  	[smem:$0x3FB1] =	sst s10  }
0x35: {  	s10 =	sld [smem:$0x3FB0];
	_ =	sdelay $0x3  }
0x36: {  	p1 =	seq.s32 s10, $0x1;
	s10 =	sld [smem:$0x3FB1];
	_ =	sdelay $0x3  }
0x37: {  	[smem:$0x3FB1] =	sst s10  }
0x38: {  	s10 =	sld [smem:$0x3FB2]  }
0x39: {  	_ = 	snop;
	(pc) =	sbr.ind lr, $3  }
0x3a: {  	_ = 	snop  }
0x3b: {  	_ = 	snop  }
0x3c: {  	p2 =	seq.s32 s10, $0x1;
	s10 =	sld [smem:$0x3FB1]  }
0x3d: {  	_ =	shalt  }
0x3e: {  	_ =	shalt  }
0x3f: {  	_ =	shalt  }
0x40: {  	_ =	shalt  }
0x41: {  	_ =	shalt  }
0x42: {  	_ =	shalt  }
0x43: {  	_ =	shalt  }
0x44: {  	_ =	shalt  }
0x45: {  	_ =	shalt  }
0x46: {  	_ =	shalt  }
0x47: {  	_ =	shalt  }
0x48: {  	_ =	shalt  }
0x49: {  	_ =	shalt  }
0x4a: {  	_ =	shalt  }
0x4b: {  	_ =	shalt  }
0x4c: {  	_ =	shalt  }
0x4d: {  	_ =	shalt  }
0x4e: {  	_ =	shalt  }
0x4f: {  	_ =	shalt  }
0x50: {  	_ =	shalt  }
0x51: {  	_ =	shalt  }
0x52: {  	_ =	shalt  }
0x53: {  	_ =	shalt  }
0x54: {  	_ =	shalt  }
0x55: {  	_ =	shalt  }
0x56: {  	_ =	shalt  }
0x57: {  	_ =	shalt  }
0x58: {  	_ =	shalt  }
0x59: {  	_ =	shalt  }
0x5a: {  	_ =	shalt  }
0x5b: {  	_ =	shalt  }
0x5c: {  	_ =	shalt  }
0x5d: {  	_ =	shalt  }
0x5e: {  	_ =	shalt  }
0x5f: {  	_ =	shalt  }
0x60: {  	_ =	shalt  }
0x61: {  	_ =	shalt  }
0x62: {  	_ =	shalt  }
0x63: {  	_ =	shalt  }
0x64: {  	_ =	shalt  }
0x65: {  	_ =	shalt  }
0x66: {  	_ =	shalt  }
0x67: {  	_ =	shalt  }
0x68: {  	_ =	shalt  }
0x69: {  	_ =	shalt  }
0x6a: {  	_ =	shalt  }
0x6b: {  	_ =	shalt  }
0x6c: {  	_ =	shalt  }
0x6d: {  	_ =	shalt  }
0x6e: {  	_ =	shalt  }
0x6f: {  	_ =	shalt  }
0x70: {  	_ =	shalt  }
0x71: {  	_ =	shalt  }
0x72: {  	_ =	shalt  }
0x73: {  	_ =	shalt  }
0x74: {  	_ =	shalt  }
0x75: {  	_ =	shalt  }
0x76: {  	_ =	shalt  }
0x77: {  	_ =	shalt  }
0x78: {  	_ =	shalt  }
0x79: {  	_ =	shalt  }
0x7a: {  	_ =	shalt  }
0x7b: {  	_ =	shalt  }
0x7c: {  	_ =	shalt  }
0x7d: {  	_ =	shalt  }
0x7e: {  	_ =	shalt  }
0x7f: {  	_ =	shalt  }
0x80: {  	_ =	shalt  }
0x81: {  	_ =	shalt  }
0x82: {  	_ =	shalt  }
0x83: {  	_ =	shalt  }
0x84: {  	_ =	shalt  }
0x85: {  	_ =	shalt  }
0x86: {  	_ =	shalt  }
0x87: {  	_ =	shalt  }
.Lfunc_end0:
.L_simem_size_0:
called_computation.1_lowered:
.L_overlay_start_0:
0x88: {  	s2 =	sld [smem:$0x3FD9]  }
0x89: {  	s3 =	sld [smem:$0x3FFE];
	_ =	sdelay $0x1  }
0x8a: {  	s1 =	srdreg.scid  }
0x8b: {  	s0 =	sand.u32 $0x1, s1  }
0x8c: {  	s16 =	sshll.u32 s0, $0xA;
	s2 =	sadd.s32 s3, s2  }
0x8d: {  	s2 =	sadd.s32 s2, s16  }
0x8e: {  	[smem:$0x3FBD] =	sst s2  }
0x8f: {  	_ = 	snop  }
0x90: {  	(tm) =	ssettm $0x1  }
0x91: {  	s17 =	sld [smem:$0x3FFB];
	_ =	sdelay $0x3  }
0x92: {  	_ =	strace s17  }
0x93: {  	s2 =	sld [smem:$0x3FFC];
	_ =	sdelay $0x3  }
0x94: {  	_ =	strace s2  }
0x95: {  	s2 =	sld [smem:$0x3FFD];
	_ =	sdelay $0x3  }
0x96: {  	_ =	strace s2  }
0x97: {  	_ =	strace $0x8FFFFFFF  }
0x98: {  	s18 =	sld [smem:$0x3FDB];
	_ =	sdelay $0x1  }
0x99: {  	s19 =	simm.s32 $_scs_section_size  }
0x9a: {  	s4 =	simm.s32 $_size__tile_overlayer_lowered;
	s5 =	simm.s32 $_tile_overlayer_lowered  }
0x9b: {  	s22 =	simm.s32 $0x1BFF;
	s21 =	sshll.u32 s5, $0x1;
	s2 =	sadd.s32 s19, s18  }
0x9c: {  	s6 =	simm.s32 $0x0;
	s20 =	sshll.u32 s4, $0x1;
	s4 =	sadd.s32 s21, s2  }
0x9d: {  	[timem:s6], [sflag:s22] =	dma.local [hbm:s4], s20  }
0x9e: {  	_ =	swait.ge [sflag:s22], s20  }
0x9f: {  	s3 =	ssub.s32 $0x0, s20;
	[sflag:s22] =	ssyncset.done $0x0  }
0xa0: {  	[sflag:s22] =	ssyncadd.s32 s3;
	_ =	sdelay $0x1  }
0xa1: {  	s23 =	simm.s32 $0x1B8B  }
0xa2: {  	_ =	swait.ge [sflag:s23], $0x1  }
0xa3: {  	[sflag:s23] =	ssyncset.done $0x0  }
0xa4: {  	s25 =	simm.s32 $0x1B8E;
	s24 =	sld [smem:$0x3FFE];
	[sflag:s23] =	ssyncadd.s32 $0xFFFFFFFF  }
0xa5: {  	s26 =	simm.s32 $execute0_lowered;
	[smem:$0x3FD2] =	sst s25  }
0xa6: {  	s4 =	sshll.u32 s26, $0x1;
	_ =	strace $0x80000049;
	[dreg:$0x1] =	wrdreg $0xFFFFFFFF  }
0xa7: {  	s28 =	simm.s32 $_size_execute0_lowered;
	s2 =	sadd.s32 s2, s4;
	[dreg:$0x0] =	wrdreg $0x0  }
0xa8: {  	s4 =	sshll.u32 s28, $0x1;
	[dreg:$0x2] =	wrdreg s2  }
0xa9: {  	[dreg:$0x3] =	wrdreg s4  }
0xaa: {  	[dreg:$0x4] =	wrdreg $0xC0  }
0xab: {  	_ =	task [dreg:s6], $0x5FFFF  }
0xac: {  	[dreg:$0x1] =	wrdreg $0xFFFFFFFF  }
0xad: {  	[dreg:$0x0] =	wrdreg $0x60  }
0xae: {  	[dreg:$0x2] =	wrdreg s24  }
0xaf: {  	[dreg:$0x3] =	wrdreg $0x0  }
0xb0: {  	[dreg:$0x4] =	wrdreg $0x9  }
0xb1: {  	_ =	task.clear_ibuf [dreg:s6], $0x5FFFF;
	_ =	strace $0x90000049  }
0xb2: {  	s29 =	simm.s32 $0x9;
	_ =	strace $0x8000004B  }
0xb3: {  	_ =	swait.ge [sflag:s29], $0x1  }
0xb4: {  	[sflag:s29] =	ssyncadd.s32 $0xFFFFFFFF  }
0xb5: {  	_ =	strace $0x9000004B  }
0xb6: {  	_ =	sfence  }
0xb7: {  	s30 =	sld [smem:$0x0];
	_ =	sdelay $0x2  }
0xb8: {  	s31 =	sshll.u32 s1, $0xD;
	s1 =	sshrl.u32 s1, $0x2  }
0xb9: {  	s3 =	sand.u32 $0x4000, s31;
	s1 =	sadd.s32 s1, s30  }
0xba: {  	s0 =	sor.u32 s3, s0;
	s1 =	sshll.u32 s1, $0x11  }
0xbb: {  	s0 =	sor.u32 s1, s0  }
0xbc: {  	s0 =	sadd.s32 $0x8F2B, s0  }
0xbd: {  	[sflag:s0] =	ssyncadd.remote.s32 $0x1  }
0xbe: {  	_ =	sfence.sel $0xFFFF  }
0xbf: {  	[dreg:$0x0] =	wrdreg $0xFFFFFFFF;
	(pc) =	sbr.abs _section_cstart, $3  }
0xc0: {  	[dreg:$0x1] =	wrdreg $0xFFFFFFFF  }
0xc1: {  	_ =	task.clear_ibuf [dreg:s6], $0x2FFFF;
	_ =	strace $0x9FFFFFFF  }
0xc2: {  	(tm) =	ssettm $0x7FFFFFFF  }
0xc3: {  	_ =	shalt  }
tec
execute0_lowered:
.L_overlay_start_1:
0x0: {  	(tag) =	ssettag $0x1  }
0x1: {  	s0 =	srdreg.scid;
	s1 =	rddreg [dreg:$0x0]  }
0x2: {  	s12 =	stileid.u32;
	s2 =	rddreg [dreg:$0x1]  }
0x3: {  	s28 =	simm.s32 $0xB000;
	s30 =	simm.s32 $0xD000;
	s29 =	simm.s32 $0x1  }
0x4: {  	s31 =	simm.s32 $0x2;
	s0 =	sand.u32 $0x1, s0;
	s7 =	smul.u32 $0x28000, s12  }
0x5: {  	s3 =	sshll.u32 s12, $0x1;
	s4 =	sadd.s32 $0x16600, s1;
	s11 =	smul.u32 $0xFFFFFF60, s12  }
0x6: {  	s15 =	smul.u32 $0xA000, s12;
	s5 =	sor.u32 s0, s3;
	s3 =	simm.s32 $0x0  }
0x7: {  	s13 =	ssub.s32 $0x2, s0;
	s9 =	smul.u32 $0xFFFFFFB0, s0;
	p1 =	seq.s32 s0, $0x1  }
0x8: {  	s0 =	simm.s32 $0x3;
	s6 =	smul.u32 $0x500, s5;
	s10 =	sshrl.u32 s13, $0x1  }
0x9: {  	[smem:$0x7FF] =	sst s3;
	s7 =	sshrl.u32 s7, $0x2;
	s10 =	ssub.s32 s13, s10  }
0xa: {  	s8 =	smul.u32 $0xFFFFFFB0, s5;
	s5 =	sadd.s32 s7, s2;
	s17 =	smax.u32 s10, $0x1  }
0xb: {  	_ =	strace $0x8000004A;
	s18 =	sadd.s32 $0x1000, s5;
	[dreg:$0x6] =	wrdreg s17  }
0xc: {  	s16 =	sshrl.u32 s15, $0x3;
	s19 =	sadd.s32 $0x2000, s5;
	[dreg:$0x7] =	wrdreg s18  }
0xd: {  	s7 =	sadd.s32 s15, s2;
	s20 =	sadd.s32 $0x3000, s5;
	[dreg:$0x8] =	wrdreg s19  }
0xe: {  	s6 =	sadd.s32 s6, s1;
	s21 =	sadd.s32 $0x4000, s5;
	[dreg:$0x9] =	wrdreg s20  }
0xf: {  	p0 =	slt.s32 s8, $0xFFFFF68C;
	s22 =	sadd.s32 $0x5000, s5;
	[dreg:$0xa] =	wrdreg s21  }
0x10: {  	s23 =	sadd.s32 $0x6000, s5;
	s24 =	sadd.s32 $0x7000, s5;
	[dreg:$0xb] =	wrdreg s22  }
0x11: {  	s25 =	sadd.s32 $0x8000, s5;
	s26 =	sadd.s32 $0x9000, s5;
	[dreg:$0xc] =	wrdreg s23  }
0x12: {  	s14 =	sadd.s32 $0xC600, s6;
	s6 =	sadd.s32 $0x2600, s6;
	[dreg:$0xd] =	wrdreg s24  }
0x13: {  	s10 =	simm.s32 $0x7;
	[dreg:$0x4] =	wrdreg s6;
	s6 =	sadd.s32 s9, s11  }
0x14: {  	s8 =	simm.s32 @!p0 $0xFFFFF68C;
	[dreg:$0xe] =	wrdreg s25;
	p0 =	slt.s32 s6, $0xFFFFF68C  }
0x15: {  	[dreg:$0xf] =	wrdreg s26;
	s21 =	simm.s32 $0xA000;
	s6 =	simm.s32 @!p0 $0xFFFFF68C  }
0x16: {  	s22 =	simm.s32 $0x9;
	s25 =	sshrl.u32 s7, $0x3;
	s6 =	sadd.s32 $0x9C4, s6  }
0x17: {  	s26 =	simm.s32 $0x80;
	s24 =	simm.s32 $0x11000;
	s6 =	sshrl.u32 s6, $0x2  }
0x18: {  	s7 =	simm.s32 $0x5;
	[dreg:$0x5] =	wrdreg s6;
	s6 =	simm.s32 $0x2A000  }
0x19: {  	[dreg:$0x3] =	wrdreg s14;
	s8 =	sadd.s32 $0x9C4, s8;
	s6 =	simm.s32 @!p1 $0x3E000  }
0x1a: {  	s9 =	simm.s32 $0x6;
	s11 =	simm.s32 $0x8;
	s1 =	sadd.s32 s6, s1  }
0x1b: {  	v0 =	vimm.f32 $0.0e+00;
	s6 =	simm.s32 $0x4;
	s20 =	sadd.s32 s1, s16;
	s1 =	simm.s32 $0xF000  }
.LBB2_1:
0x1c: {  	s13 =	simm.s32 $0x100;
	s12 =	simm.s32 $0x0  }
.LBB2_2:
0x1d: {  	p0 =	sne.s32 s13, $0x3F00;
	[tilespmem:s12+$0xA030] =	vst v0;
	s14 =	smov.u32 s13;
	s13 =	sadd.s32 $0x100, s13  }
.Ltmp0:
0x1e: {  	[tilespmem:s12+$0xA020] =	vst v0;
	(pc) =	sbr.rel @p0 .LBB2_2-.Ltmp0, $3  }
0x1f: {  	[tilespmem:s12+$0xA000] =	vst v0  }
0x20: {  	[tilespmem:s12+$0xA010] =	vst v0;
	_ =	sdelay $0x1  }
0x21: {  	s12 =	sshra.s32 s14, $0x2  }
0x22: {  	[tilespmem:s12+$0xA030] =	vst v0  }
0x23: {  	[tilespmem:s12+$0xA020] =	vst v0  }
0x24: {  	[tilespmem:s12+$0xA000] =	vst v0  }
0x25: {  	[tilespmem:s12+$0xA010] =	vst v0  }
0x26: {  	[spmem:s5] =	stream.linear.scatter [tilespmem:s21], [sflag:$0x9], $0x1000, $0x38;
	[tilespmem:$0x18000] =	vst v63  }
0x27: {  	_ =	swait.ge [sflag:s22], $0x1000  }
0x28: {  	[sflag:s22] =	ssyncset.done $0x0  }
0x29: {  	s18 =	rddreg [dreg:$0x7];
	[sflag:s22] =	ssyncadd.s32 $0xFFFFF000  }
0x2a: {  	[spmem:s18] =	stream.linear.scatter [tilespmem:s21], [sflag:$0x9], $0x1000, $0x38;
	[tilespmem:$0x18000] =	vst v63  }
0x2b: {  	_ =	swait.ge [sflag:s22], $0x1000  }
0x2c: {  	[sflag:s22] =	ssyncset.done $0x0  }
0x2d: {  	s19 =	rddreg [dreg:$0x8];
	[sflag:s22] =	ssyncadd.s32 $0xFFFFF000  }
0x2e: {  	[spmem:s19] =	stream.linear.scatter [tilespmem:s21], [sflag:$0x9], $0x1000, $0x38;
	[tilespmem:$0x18000] =	vst v63  }
0x2f: {  	_ =	swait.ge [sflag:s22], $0x1000  }
0x30: {  	[sflag:s22] =	ssyncset.done $0x0  }
0x31: {  	s23 =	rddreg [dreg:$0x9];
	[sflag:s22] =	ssyncadd.s32 $0xFFFFF000  }
0x32: {  	[spmem:s23] =	stream.linear.scatter [tilespmem:s21], [sflag:$0x9], $0x1000, $0x38;
	[tilespmem:$0x18000] =	vst v63  }
0x33: {  	_ =	swait.ge [sflag:s22], $0x1000  }
0x34: {  	[sflag:s22] =	ssyncset.done $0x0  }
0x35: {  	s13 =	rddreg [dreg:$0xa];
	[sflag:s22] =	ssyncadd.s32 $0xFFFFF000  }
0x36: {  	[spmem:s13] =	stream.linear.scatter [tilespmem:s21], [sflag:$0x9], $0x1000, $0x38;
	[tilespmem:$0x18000] =	vst v63  }
0x37: {  	_ =	swait.ge [sflag:s22], $0x1000  }
0x38: {  	[sflag:s22] =	ssyncset.done $0x0  }
0x39: {  	s14 =	rddreg [dreg:$0xb];
	[sflag:s22] =	ssyncadd.s32 $0xFFFFF000  }
0x3a: {  	[spmem:s14] =	stream.linear.scatter [tilespmem:s21], [sflag:$0x9], $0x1000, $0x38;
	[tilespmem:$0x18000] =	vst v63  }
0x3b: {  	_ =	swait.ge [sflag:s22], $0x1000  }
0x3c: {  	[sflag:s22] =	ssyncset.done $0x0  }
0x3d: {  	s15 =	rddreg [dreg:$0xc];
	[sflag:s22] =	ssyncadd.s32 $0xFFFFF000  }
0x3e: {  	[spmem:s15] =	stream.linear.scatter [tilespmem:s21], [sflag:$0x9], $0x1000, $0x38;
	[tilespmem:$0x18000] =	vst v63  }
0x3f: {  	_ =	swait.ge [sflag:s22], $0x1000  }
0x40: {  	[sflag:s22] =	ssyncset.done $0x0  }
0x41: {  	s16 =	rddreg [dreg:$0xd];
	[sflag:s22] =	ssyncadd.s32 $0xFFFFF000  }
0x42: {  	[spmem:s16] =	stream.linear.scatter [tilespmem:s21], [sflag:$0x9], $0x1000, $0x38;
	[tilespmem:$0x18000] =	vst v63  }
0x43: {  	_ =	swait.ge [sflag:s22], $0x1000  }
0x44: {  	[sflag:s22] =	ssyncset.done $0x0  }
0x45: {  	s17 =	rddreg [dreg:$0xe];
	[sflag:s22] =	ssyncadd.s32 $0xFFFFF000  }
0x46: {  	[spmem:s17] =	stream.linear.scatter [tilespmem:s21], [sflag:$0x9], $0x1000, $0x38;
	[tilespmem:$0x18000] =	vst v63  }
0x47: {  	_ =	swait.ge [sflag:s22], $0x1000  }
0x48: {  	[sflag:s22] =	ssyncset.done $0x0  }
0x49: {  	s18 =	rddreg [dreg:$0xf];
	[sflag:s22] =	ssyncadd.s32 $0xFFFFF000  }
0x4a: {  	[spmem:s18] =	stream.linear.scatter [tilespmem:s21], [sflag:$0x9], $0x1000, $0x38;
	[tilespmem:$0x18000] =	vst v63  }
0x4b: {  	_ =	swait.ge [sflag:s22], $0x1000  }
0x4c: {  	s19 =	simm.s32 $0x0;
	[sflag:s22] =	ssyncset.done $0x0  }
0x4d: {  	s14 =	simm.s32 $0x13000;
	s13 =	rddreg [dreg:$0x3];
	[sflag:s22] =	ssyncadd.s32 $0xFFFFF000  }
0x4e: {  	[tilespmem:s14], [sflag:$0x9] =	stream.linear.gather [hbm4b:s13+s19], $0x2800, $0x38;
	[tilespmem:$0x18000] =	vst v63  }
0x4f: {  	_ =	swait.ge [sflag:s22], $0x2800  }
0x50: {  	[sflag:s22] =	ssyncset.done $0x0  }
0x51: {  	s15 =	simm.s32 $0x15800;
	s23 =	rddreg [dreg:$0x4];
	[sflag:s22] =	ssyncadd.s32 $0xFFFFD800  }
0x52: {  	[tilespmem:s15], [sflag:$0x9] =	stream.linear.gather [hbm4b:s23+s19], $0x2800, $0x38;
	[tilespmem:$0x18000] =	vst v63  }
0x53: {  	_ =	swait.ge [sflag:s22], $0x2800  }
0x54: {  	[sflag:s22] =	ssyncset.done $0x0  }
0x55: {  	[sflag:s22] =	ssyncadd.s32 $0xFFFFD800  }
0x56: {  	[bflag:$0x0] =	sbarrier.arrive $0xFFFF  }
0x57: {  	[tilespmem:s28], [sflag:$0x1] =	stream.indirect.gather [hbm4b:s4+s26], $0x40, s14, s26, $0xb8;
	[tilespmem:$0x18000] =	vst v63  }
0x58: {  	s13 =	simm.s32 $0x13080  }
0x59: {  	[tilespmem:s30], [sflag:$0x2] =	stream.indirect.gather [hbm4b:s4+s26], $0x40, s13, s26, $0xb8;
	[tilespmem:$0x18000] =	vst v63  }
0x5a: {  	s14 =	simm.s32 $0x13100  }
0x5b: {  	[tilespmem:s1], [sflag:$0x3] =	stream.indirect.gather [hbm4b:s4+s26], $0x40, s14, s26, $0xb8;
	[tilespmem:$0x18000] =	vst v63  }
0x5c: {  	s15 =	simm.s32 $0x13180  }
0x5d: {  	[tilespmem:s24], [sflag:$0x4] =	stream.indirect.gather [hbm4b:s4+s26], $0x40, s15, s26, $0xb8;
	[tilespmem:$0x18000] =	vst v63  }
0x5e: {  	_ =	swait.ge [sflag:s29], $0x2000  }
0x5f: {  	[sflag:s29] =	ssyncset.done $0x0  }
0x60: {  	s16 =	simm.s32 $0x15800;
	[sflag:s29] =	ssyncadd.s32 $0xFFFFE000  }
0x61: {  	[spmem:s2] =	stream.indirect.scatter.add.f32 [tilespmem:s28], [sflag:$0x5], $0x40, s16, s26, $0xb8;
	[tilespmem:$0x18000] =	vst v63  }
0x62: {  	_ =	swait.ge [sflag:s31], $0x2000  }
0x63: {  	[sflag:s31] =	ssyncset.done $0x0  }
0x64: {  	s17 =	simm.s32 $0x15880;
	[sflag:s31] =	ssyncadd.s32 $0xFFFFE000  }
0x65: {  	[spmem:s2] =	stream.indirect.scatter.add.f32 [tilespmem:s30], [sflag:$0x6], $0x40, s17, s26, $0xb8;
	[tilespmem:$0x18000] =	vst v63  }
0x66: {  	_ =	swait.ge [sflag:s0], $0x2000  }
0x67: {  	[sflag:s0] =	ssyncset.done $0x0  }
0x68: {  	s18 =	simm.s32 $0x15900;
	[sflag:s0] =	ssyncadd.s32 $0xFFFFE000  }
0x69: {  	[spmem:s2] =	stream.indirect.scatter.add.f32 [tilespmem:s1], [sflag:$0x7], $0x40, s18, s26, $0xb8;
	[tilespmem:$0x18000] =	vst v63  }
0x6a: {  	_ =	swait.ge [sflag:s6], $0x2000  }
0x6b: {  	[sflag:s6] =	ssyncset.done $0x0  }
0x6c: {  	s19 =	simm.s32 $0x15980;
	[sflag:s6] =	ssyncadd.s32 $0xFFFFE000  }
0x6d: {  	[spmem:s2] =	stream.indirect.scatter.add.f32 [tilespmem:s24], [sflag:$0x8], $0x40, s19, s26, $0xb8;
	[tilespmem:$0x18000] =	vst v63  }
0x6e: {  	p0 =	sle.s32 s8, $0x4;
	_ =	swait.ge [sflag:s7], $0x2000  }
0x6f: {  	s12 =	simm.s32 @!p0 $0xB000;
	[sflag:s7] =	ssyncset.done $0x0  }
0x70: {  	s13 =	simm.s32 @!p0 $0x13200;
	s14 =	simm.s32 @!p0 $0x80;
	[sflag:s7] =	ssyncadd.s32 $0xFFFFE000  }
0x71: {  	[tilespmem:s12], [sflag:$0x1] =	stream.indirect.gather @!p0 [hbm4b:s4+s14], $0x40, s13, s14, $0xb8;
	[tilespmem:$0x18000] =	vst v63  }
0x72: {  	p1 =	sle.s32 s8, $0x6;
	p0 =	sle.s32 s8, $0x5;
	_ =	swait.ge [sflag:s9], $0x2000  }
0x73: {  	s12 =	simm.s32 @!p0 $0xD000;
	s13 =	simm.s32 @!p0 $0x13280;
	[sflag:s9] =	ssyncset.done $0x0  }
0x74: {  	s14 =	simm.s32 @!p0 $0x80;
	s23 =	rddreg [dreg:$0x5];
	[sflag:s9] =	ssyncadd.s32 $0xFFFFE000  }
0x75: {  	[tilespmem:s12], [sflag:$0x2] =	stream.indirect.gather @!p0 [hbm4b:s4+s14], $0x40, s13, s14, $0xb8;
	[tilespmem:$0x18000] =	vst v63  }
0x76: {  	s15 =	simm.s32 @!p1 $0x80;
	s12 =	sadd.s32 $0xFFFFFFFF, s23;
	_ =	swait.ge [sflag:s10], $0x2000  }
0x77: {  	s13 =	simm.s32 @!p1 $0xF000;
	p0 =	sne.s32 s12, $0x0;
	[sflag:s10] =	ssyncset.done $0x0  }
.Ltmp1:
0x78: {  	s14 =	simm.s32 @!p1 $0x13300;
	[sflag:s10] =	ssyncadd.s32 $0xFFFFE000;
	(pc) =	sbr.rel @!p0 .LBB2_5-.Ltmp1, $4  }
0x79: {  	[tilespmem:s13], [sflag:$0x3] =	stream.indirect.gather @!p1 [hbm4b:s4+s15], $0x40, s14, s15, $0xb8;
	[tilespmem:$0x18000] =	vst v63  }
0x7a: {  	s13 =	simm.s32 $0x8;
	p1 =	sle.s32 s8, $0x7;
	_ =	swait.ge [sflag:s11], $0x2000  }
0x7b: {  	s14 =	simm.s32 $0x800;
	s15 =	simm.s32 @!p1 $0x11000;
	[sflag:s11] =	ssyncset.done $0x0  }
0x7c: {  	s16 =	simm.s32 @!p1 $0x13380;
	s17 =	simm.s32 @!p1 $0x80;
	[sflag:s11] =	ssyncadd.s32 $0xFFFFE000  }
.LBB2_4:
0x7d: {  	[tilespmem:s15], [sflag:$0x4] =	stream.indirect.gather @!p1 [hbm4b:s4+s17], $0x40, s16, s17, $0xb8;
	[tilespmem:$0x18000] =	vst v63  }
0x7e: {  	s12 =	sadd.s32 $0xFFFFFFFF, s12;
	s16 =	smov.u32 s13;
	s15 =	smov.u32 s14  }
0x7f: {  	p0 =	sne.s32 s12, $0x0;
	_ =	swait.ge [sflag:s29], $0x2000  }
0x80: {  	s17 =	sshra.s32 s14, $0x2;
	[sflag:s29] =	ssyncset.done $0x0  }
0x81: {  	s18 =	sadd.s32 $0x15800, s17;
	[sflag:s29] =	ssyncadd.s32 $0xFFFFE000  }
0x82: {  	[spmem:s2] =	stream.indirect.scatter.add.f32 [tilespmem:s28], [sflag:$0x5], $0x40, s18, s26, $0xb8;
	[tilespmem:$0x18000] =	vst v63  }
0x83: {  	_ =	swait.ge [sflag:s31], $0x2000  }
0x84: {  	[sflag:s31] =	ssyncset.done $0x0  }
0x85: {  	s18 =	sadd.s32 $0x15880, s17;
	[sflag:s31] =	ssyncadd.s32 $0xFFFFE000  }
0x86: {  	[spmem:s2] =	stream.indirect.scatter.add.f32 [tilespmem:s30], [sflag:$0x6], $0x40, s18, s26, $0xb8;
	[tilespmem:$0x18000] =	vst v63  }
0x87: {  	_ =	swait.ge [sflag:s0], $0x2000  }
0x88: {  	[sflag:s0] =	ssyncset.done $0x0  }
0x89: {  	s18 =	sadd.s32 $0x15900, s17;
	[sflag:s0] =	ssyncadd.s32 $0xFFFFE000  }
0x8a: {  	[spmem:s2] =	stream.indirect.scatter.add.f32 [tilespmem:s1], [sflag:$0x7], $0x40, s18, s26, $0xb8;
	[tilespmem:$0x18000] =	vst v63  }
0x8b: {  	_ =	swait.ge [sflag:s6], $0x2000  }
0x8c: {  	[sflag:s6] =	ssyncset.done $0x0  }
0x8d: {  	s13 =	sadd.s32 $0x4, s13;
	s17 =	sadd.s32 $0x15980, s17;
	[sflag:s6] =	ssyncadd.s32 $0xFFFFE000  }
0x8e: {  	[spmem:s2] =	stream.indirect.scatter.add.f32 [tilespmem:s24], [sflag:$0x8], $0x40, s17, s26, $0xb8;
	[tilespmem:$0x18000] =	vst v63  }
0x8f: {  	p1 =	sge.s32 s16, s8;
	s17 =	sadd.s32 $0x1, s16;
	_ =	swait.ge [sflag:s7], $0x2000  }
0x90: {  	s23 =	simm.s32 @!p1 $0xB000;
	s18 =	sshra.s32 @!p1 s14, $0x2;
	[sflag:s7] =	ssyncset.done $0x0  }
0x91: {  	s19 =	simm.s32 @!p1 $0x80;
	s18 =	sadd.s32 @!p1 $0x13200, s18;
	[sflag:s7] =	ssyncadd.s32 $0xFFFFE000  }
0x92: {  	[tilespmem:s23], [sflag:$0x1] =	stream.indirect.gather @!p1 [hbm4b:s4+s19], $0x40, s18, s19, $0xb8;
	[tilespmem:$0x18000] =	vst v63  }
0x93: {  	p1 =	sge.s32 s17, s8;
	s17 =	sadd.s32 $0x2, s16;
	_ =	swait.ge [sflag:s9], $0x2000  }
0x94: {  	s18 =	sshra.s32 @!p1 s14, $0x2;
	s19 =	simm.s32 @!p1 $0xD000;
	[sflag:s9] =	ssyncset.done $0x0  }
0x95: {  	s23 =	simm.s32 @!p1 $0x80;
	s18 =	sadd.s32 @!p1 $0x13280, s18;
	[sflag:s9] =	ssyncadd.s32 $0xFFFFE000  }
0x96: {  	[tilespmem:s19], [sflag:$0x2] =	stream.indirect.gather @!p1 [hbm4b:s4+s23], $0x40, s18, s23, $0xb8;
	[tilespmem:$0x18000] =	vst v63  }
0x97: {  	p1 =	sge.s32 s17, s8  }
0x98: {  	s16 =	sadd.s32 $0x3, s16;
	_ =	swait.ge [sflag:s10], $0x2000;
	s17 =	sshra.s32 @!p1 s14, $0x2  }
0x99: {  	s18 =	simm.s32 @!p1 $0xF000;
	s19 =	simm.s32 @!p1 $0x80;
	[sflag:s10] =	ssyncset.done $0x0  }
.Ltmp2:
0x9a: {  	s17 =	sadd.s32 @!p1 $0x13300, s17;
	[sflag:s10] =	ssyncadd.s32 $0xFFFFE000;
	(pc) =	sbr.rel @p0 .LBB2_4-.Ltmp2, $4  }
0x9b: {  	[tilespmem:s18], [sflag:$0x3] =	stream.indirect.gather @!p1 [hbm4b:s4+s19], $0x40, s17, s19, $0xb8;
	[tilespmem:$0x18000] =	vst v63  }
0x9c: {  	s14 =	sadd.s32 $0x800, s14;
	p1 =	sge.s32 s16, s8;
	_ =	swait.ge [sflag:s11], $0x2000  }
0x9d: {  	s16 =	sshra.s32 @!p1 s15, $0x2;
	s15 =	simm.s32 @!p1 $0x11000;
	[sflag:s11] =	ssyncset.done $0x0  }
0x9e: {  	s17 =	simm.s32 @!p1 $0x80;
	s16 =	sadd.s32 @!p1 $0x13380, s16;
	[sflag:s11] =	ssyncadd.s32 $0xFFFFE000  }
.LBB2_5:
0x9f: {  	[tilespmem:s15], [sflag:$0x4] =	stream.indirect.gather @!p1 [hbm4b:s4+s17], $0x40, s16, s17, $0xb8;
	[tilespmem:$0x18000] =	vst v63  }
0xa0: {  	s12 =	stileid.u32  }
0xa1: {  	s12 =	sshll.u32 s12, $0x6  }
0xa2: {  	[bflag:$0x0] =	sbarrier.arrive $0xFFFF;
	s12 =	sor.u32 $0x1C09, s12  }
0xa3: {  	[hbm:s20], [sflag:s12] =	dma.local [spmem:s25], $0x1400  }
0xa4: {  	_ =	swait.ge [sflag:s22], $0x1400  }
0xa5: {  	s3 =	sadd.s32 $0x1, s3;
	s23 =	rddreg [dreg:$0x6]  }
0xa6: {  	p0 =	sne.s32 s3, s23  }
.Ltmp3:
0xa7: {  	_ = 	snop;
	(pc) =	sbr.rel @p0 .LBB2_1-.Ltmp3, $3  }
0xa8: {  	_ =	sdelay $0x1  }
0xa9: {  	[sflag:s22] =	ssyncset.done $0x0  }
0xaa: {  	[sflag:s22] =	ssyncadd.s32 $0xFFFFEC00  }
0xab: {  	_ =	sfence.sel $0x180000  }
0xac: {  	[bflag:$0x0] =	sbarrier.arrive $0xFFFF  }
0xad: {  	_ =	strace $0x9000004A  }
0xae: {  	s0 =	stileid.u32;
	[bflag:$0x2] =	sbarrier.arrive $0xFFFF  }
0xaf: {  	p0 =	sne.s32 s0, $0x0;
	s0 =	rddreg [dreg:$0x2]  }
0xb0: {  	s0 =	sadd.s32 @!p0 $0x100000, s0  }
0xb1: {  	[sflag:s0] =	ssyncadd.tile.s32 @!p0 $0x1;
	_ =	shalt  }
.Lfunc_end2:
_tile_overlayer_lowered:
.L_overlay_start_2:
0xb2: {  	(tag) =	ssettag $0x2  }
0xb3: {  	s0 =	rddreg [dreg:$0x0];
	s2 =	stileid.u32  }
0xb4: {  	s1 =	rddreg [dreg:$0x1];
	p0 =	sne.s32 s2, $0x0  }
0xb5: {  	s3 =	rddreg [dreg:$0x2];
	[bflag:$0x3] =	sbarrier.arrive $0xFFFF;
	s2 =	simm.s32 @!p0 $0x1C09  }
0xb6: {  	[timem:s3], [sflag:s2] =	dma.local @!p0 [hbm:s0], s1  }
0xb7: {  	s0 =	simm.s32 @!p0 $0x9  }
0xb8: {  	_ =	swait.ge @!p0 [sflag:s0], s1  }
0xb9: {  	s1 =	ssub.s32 @!p0 $0x0, s1;
	[sflag:s0] =	ssyncset.done @!p0 $0x0  }
0xba: {  	[sflag:s0] =	ssyncadd.s32 @!p0 s1  }
0xbb: {  	[bflag:$0x3] =	sbarrier.arrive $0xFFFF  }
0xbc: {  	_ =	shalt  }

// kernel: kernel.14.cloned.1.call-start
scs
__scs_entry_jumppad:
0x0: {  	(pc) =	sbr.rel $0x88, $3  }
0x1: {  	(tag) =	ssettag $0x0;
	lr =	simm.s32 $0x1  }
0x2: {  	[smem:$0x3F96] =	sst lr;
	_ =	strace $0xD0000000  }
0x3: {  	_ = 	snop  }
0x4: {  	_ = 	snop  }
0x5: {  	_ = 	snop  }
0x6: {  	_ = 	snop  }
0x7: {  	_ = 	snop  }
__scs_overlays_trampoline_lowered:
0x8: {  	[smem:$0x3FA5] =	sst s0  }
0x9: {  	[smem:$0x3FA6] =	sst s1  }
0xa: {  	[smem:$0x3FA7] =	sst s2  }
0xb: {  	[smem:$0x3FA8] =	sst s3  }
0xc: {  	[smem:$0x3FA9] =	sst s4  }
0xd: {  	[smem:$0x3FAA] =	sst s5  }
0xe: {  	[smem:$0x3FAB] =	sst s6  }
0xf: {  	[smem:$0x3FAC] =	sst s7  }
0x10: {  	[smem:$0x3FAD] =	sst s8  }
0x11: {  	[smem:$0x3FAE] =	sst s9;
	s0 =	simm.s32 @!p0 $0x0  }
0x12: {  	s1 =	sld [smem:$0x3F94];
	s0 =	simm.s32 @p0 $0x1  }
0x13: {  	[smem:$0x3FAF] =	sst s0;
	s0 =	simm.s32 @!p1 $0x0  }
0x14: {  	s2 =	sld [smem:$0x3F93];
	s0 =	simm.s32 @p1 $0x1  }
0x15: {  	[smem:$0x3FB0] =	sst s0;
	s0 =	simm.s32 @!p2 $0x0  }
0x16: {  	s3 =	sld [smem:$0x3FDB];
	s0 =	simm.s32 @p2 $0x1  }
0x17: {  	s4 =	simm.s32 $0x1BF5;
	[smem:$0x3FB2] =	sst s0  }
0x18: {  	s0 =	sld [smem:$0x3F95];
	_ =	swait.ge [sflag:s4], $0x0  }
0x19: {  	s7 =	sld [smem:$0x3F96]  }
0x1a: {  	s8 =	sadd.s32 $0xFFFFE003, lr  }
0x1b: {  	s9 =	sadd.s32 $0xFFFFFEF7, lr;
	s5 =	simm.s32 $0xFFFFFFFF;
	p2 =	slt.u32 s8, $0xFFFFF086  }
0x1c: {  	p1 =	slt.u32 s9, $0xF7A;
	s5 =	simm.s32 @!p2 $0x0  }
0x1d: {  	s5 =	simm.s32 @p1 $0x1;
	p0 =	seq.s32 s7, s2  }
0x1e: {  	s7 =	smul.u32 @!p0 $0xF7A, s2;
	p2 =	seq.s32 @!p0 s5, $0x0  }
0x1f: {  	s9 =	smul.u32 $0xF7A, s1;
	s8 =	simm.s32 @!p0 $0x1BF5;
	p2 =	por !p2, p0  }
0x20: {  	[sflag:s8] =	ssyncset.s32 @!p0 $0xFFFFF086;
	s6 =	sadd.s32 @!p0 s3, s7;
	s7 =	simm.s32 @!p0 $0x108  }
0x21: {  	s3 =	sadd.s32 s3, s9;
	s6 =	sadd.s32 @!p0 $0x88, s6;
	s7 =	simm.s32 @p2 $0x1082  }
0x22: {  	[simem:s7], [sflag:s8] =	dma.local @!p0 [hbm:s6], $0xF7A  }
0x23: {  	s9 =	sor.u32 $0xD0000000, s2;
	s6 =	simm.s32 $0x108;
	_ =	swait.ge @!p0 [sflag:s8], $0x0  }
0x24: {  	s3 =	sadd.s32 $0x88, s3;
	s6 =	simm.s32 @!p1 $0x1082;
	[sflag:s4] =	ssyncset.s32 $0xFFFFF086  }
0x25: {  	[simem:s6], [sflag:s4] =	dma.local [hbm:s3], $0xF7A  }
0x26: {  	[smem:$0x3F96] =	sst s1;
	(tag) =	ssettag s2;
	_ =	strace s9  }
0x27: {  	s1 =	sld [smem:$0x3FA6]  }
0x28: {  	s2 =	sld [smem:$0x3FA7]  }
0x29: {  	s4 =	sld [smem:$0x3FA9]  }
0x2a: {  	p0 =	seq.s32 s5, $0x0;
	s5 =	sld [smem:$0x3FAA]  }
0x2b: {  	s6 =	sld [smem:$0x3FAB]  }
0x2c: {  	s7 =	sld [smem:$0x3FAC]  }
0x2d: {  	s3 =	simm.s32 $0x108;
	s8 =	sld [smem:$0x3FAD]  }
0x2e: {  	s3 =	simm.s32 @!p0 $0x1082;
	s9 =	sld [smem:$0x3FAE]  }
0x2f: {  	lr =	sadd.s32 s0, s3;
	s0 =	sld [smem:$0x3FA5]  }
0x30: {  	s3 =	sld [smem:$0x3FA8]  }
0x31: {  	[smem:$0x3FB1] =	sst s10  }
0x32: {  	s10 =	sld [smem:$0x3FAF];
	_ =	sdelay $0x3  }
0x33: {  	p0 =	seq.s32 s10, $0x1;
	s10 =	sld [smem:$0x3FB1];
	_ =	sdelay $0x3  }
0x34: {  	[smem:$0x3FB1] =	sst s10  }
0x35: {  	s10 =	sld [smem:$0x3FB0];
	_ =	sdelay $0x3  }
0x36: {  	p1 =	seq.s32 s10, $0x1;
	s10 =	sld [smem:$0x3FB1];
	_ =	sdelay $0x3  }
0x37: {  	[smem:$0x3FB1] =	sst s10  }
0x38: {  	s10 =	sld [smem:$0x3FB2]  }
0x39: {  	_ = 	snop;
	(pc) =	sbr.ind lr, $3  }
0x3a: {  	_ = 	snop  }
0x3b: {  	_ = 	snop  }
0x3c: {  	p2 =	seq.s32 s10, $0x1;
	s10 =	sld [smem:$0x3FB1]  }
0x3d: {  	_ =	shalt  }
0x3e: {  	_ =	shalt  }
0x3f: {  	_ =	shalt  }
0x40: {  	_ =	shalt  }
0x41: {  	_ =	shalt  }
0x42: {  	_ =	shalt  }
0x43: {  	_ =	shalt  }
0x44: {  	_ =	shalt  }
0x45: {  	_ =	shalt  }
0x46: {  	_ =	shalt  }
0x47: {  	_ =	shalt  }
0x48: {  	_ =	shalt  }
0x49: {  	_ =	shalt  }
0x4a: {  	_ =	shalt  }
0x4b: {  	_ =	shalt  }
0x4c: {  	_ =	shalt  }
0x4d: {  	_ =	shalt  }
0x4e: {  	_ =	shalt  }
0x4f: {  	_ =	shalt  }
0x50: {  	_ =	shalt  }
0x51: {  	_ =	shalt  }
0x52: {  	_ =	shalt  }
0x53: {  	_ =	shalt  }
0x54: {  	_ =	shalt  }
0x55: {  	_ =	shalt  }
0x56: {  	_ =	shalt  }
0x57: {  	_ =	shalt  }
0x58: {  	_ =	shalt  }
0x59: {  	_ =	shalt  }
0x5a: {  	_ =	shalt  }
0x5b: {  	_ =	shalt  }
0x5c: {  	_ =	shalt  }
0x5d: {  	_ =	shalt  }
0x5e: {  	_ =	shalt  }
0x5f: {  	_ =	shalt  }
0x60: {  	_ =	shalt  }
0x61: {  	_ =	shalt  }
0x62: {  	_ =	shalt  }
0x63: {  	_ =	shalt  }
0x64: {  	_ =	shalt  }
0x65: {  	_ =	shalt  }
0x66: {  	_ =	shalt  }
0x67: {  	_ =	shalt  }
0x68: {  	_ =	shalt  }
0x69: {  	_ =	shalt  }
0x6a: {  	_ =	shalt  }
0x6b: {  	_ =	shalt  }
0x6c: {  	_ =	shalt  }
0x6d: {  	_ =	shalt  }
0x6e: {  	_ =	shalt  }
0x6f: {  	_ =	shalt  }
0x70: {  	_ =	shalt  }
0x71: {  	_ =	shalt  }
0x72: {  	_ =	shalt  }
0x73: {  	_ =	shalt  }
0x74: {  	_ =	shalt  }
0x75: {  	_ =	shalt  }
0x76: {  	_ =	shalt  }
0x77: {  	_ =	shalt  }
0x78: {  	_ =	shalt  }
0x79: {  	_ =	shalt  }
0x7a: {  	_ =	shalt  }
0x7b: {  	_ =	shalt  }
0x7c: {  	_ =	shalt  }
0x7d: {  	_ =	shalt  }
0x7e: {  	_ =	shalt  }
0x7f: {  	_ =	shalt  }
0x80: {  	_ =	shalt  }
0x81: {  	_ =	shalt  }
0x82: {  	_ =	shalt  }
0x83: {  	_ =	shalt  }
0x84: {  	_ =	shalt  }
0x85: {  	_ =	shalt  }
0x86: {  	_ =	shalt  }
0x87: {  	_ =	shalt  }
.Lfunc_end0:
.L_simem_size_0:
called_computation.2_lowered:
.L_overlay_start_0:
0x88: {  	s2 =	sld [smem:$0x3FD9]  }
0x89: {  	s3 =	sld [smem:$0x3FFE];
	_ =	sdelay $0x1  }
0x8a: {  	s1 =	srdreg.scid  }
0x8b: {  	s0 =	sand.u32 $0x1, s1  }
0x8c: {  	s17 =	sshll.u32 s0, $0xA;
	s2 =	sadd.s32 s3, s2  }
0x8d: {  	s2 =	sadd.s32 s2, s17  }
0x8e: {  	[smem:$0x3FBD] =	sst s2  }
0x8f: {  	_ = 	snop  }
0x90: {  	s2 =	sld [smem:$0x3FD0];
	(tm) =	ssettm $0x1  }
0x91: {  	s18 =	sld [smem:$0x3FFB];
	_ =	sdelay $0x3  }
0x92: {  	_ =	strace s18  }
0x93: {  	s3 =	sld [smem:$0x3FFC];
	_ =	sdelay $0x3  }
0x94: {  	_ =	strace s3  }
0x95: {  	s3 =	sld [smem:$0x3FFD];
	_ =	sdelay $0x3  }
0x96: {  	_ =	strace s3  }
0x97: {  	_ =	strace $0x8FFFFFFF  }
0x98: {  	s19 =	sld [smem:$0x3FDB];
	_ =	sdelay $0x1  }
0x99: {  	s4 =	simm.s32 $_scs_section_size  }
0x9a: {  	s5 =	simm.s32 $_size__tile_overlayer_lowered;
	s6 =	simm.s32 $_tile_overlayer_lowered  }
0x9b: {  	s22 =	simm.s32 $0x1BFF;
	s21 =	sshll.u32 s6, $0x1;
	s3 =	sadd.s32 s4, s19  }
0x9c: {  	s7 =	simm.s32 $0x0;
	s20 =	sshll.u32 s5, $0x1;
	s5 =	sadd.s32 s21, s3  }
0x9d: {  	[timem:s7], [sflag:s22] =	dma.local [hbm:s5], s20  }
0x9e: {  	_ =	swait.ge [sflag:s22], s20  }
0x9f: {  	s4 =	ssub.s32 $0x0, s20;
	[sflag:s22] =	ssyncset.done $0x0  }
0xa0: {  	[sflag:s22] =	ssyncadd.s32 s4;
	_ =	sdelay $0x1  }
0xa1: {  	s23 =	simm.s32 $0x1B8B  }
0xa2: {  	_ =	swait.ge [sflag:s23], $0x1  }
0xa3: {  	[sflag:s23] =	ssyncset.done $0x0  }
0xa4: {  	s25 =	simm.s32 $0x1B8E;
	s24 =	sld [smem:$0x3FFE];
	[sflag:s23] =	ssyncadd.s32 $0xFFFFFFFF  }
0xa5: {  	s26 =	simm.s32 $execute0_lowered;
	[smem:$0x3FD2] =	sst s25  }
0xa6: {  	s5 =	sshll.u32 s26, $0x1;
	_ =	strace $0x8000004C;
	[dreg:$0x1] =	wrdreg $0xFFFFFFFF  }
0xa7: {  	s28 =	simm.s32 $_size_execute0_lowered;
	s3 =	sadd.s32 s3, s5;
	[dreg:$0x0] =	wrdreg $0x0  }
0xa8: {  	s5 =	sshll.u32 s28, $0x1;
	[dreg:$0x2] =	wrdreg s3  }
0xa9: {  	[dreg:$0x3] =	wrdreg s5  }
0xaa: {  	[dreg:$0x4] =	wrdreg $0xC0  }
0xab: {  	_ =	task [dreg:s7], $0x5FFFF  }
0xac: {  	[dreg:$0x1] =	wrdreg $0xFFFFFFFF  }
0xad: {  	[dreg:$0x0] =	wrdreg $0x60  }
0xae: {  	[dreg:$0x2] =	wrdreg s24  }
0xaf: {  	[dreg:$0x3] =	wrdreg s2  }
0xb0: {  	[dreg:$0x4] =	wrdreg $0x0  }
0xb1: {  	[dreg:$0x5] =	wrdreg $0x9  }
0xb2: {  	_ =	task.clear_ibuf [dreg:s7], $0x6FFFF;
	_ =	strace $0x9000004C  }
0xb3: {  	s29 =	simm.s32 $0x9;
	_ =	strace $0x8000004E  }
0xb4: {  	_ =	swait.ge [sflag:s29], $0x1  }
0xb5: {  	[sflag:s29] =	ssyncadd.s32 $0xFFFFFFFF  }
0xb6: {  	_ =	strace $0x9000004E  }
0xb7: {  	_ =	sfence  }
0xb8: {  	s30 =	sld [smem:$0x0];
	_ =	sdelay $0x2  }
0xb9: {  	s31 =	sshll.u32 s1, $0xD;
	s1 =	sshrl.u32 s1, $0x2  }
0xba: {  	s3 =	sand.u32 $0x4000, s31;
	s1 =	sadd.s32 s1, s30  }
0xbb: {  	s0 =	sor.u32 s3, s0;
	s1 =	sshll.u32 s1, $0x11  }
0xbc: {  	s0 =	sor.u32 s1, s0  }
0xbd: {  	s0 =	sadd.s32 $0x8F2B, s0  }
0xbe: {  	[sflag:s0] =	ssyncadd.remote.s32 $0x1  }
0xbf: {  	_ =	sfence.sel $0xFFFF  }
0xc0: {  	[dreg:$0x0] =	wrdreg $0xFFFFFFFF;
	(pc) =	sbr.abs _section_cstart, $3  }
0xc1: {  	[dreg:$0x1] =	wrdreg $0xFFFFFFFF  }
0xc2: {  	_ =	task.clear_ibuf [dreg:s7], $0x2FFFF;
	_ =	strace $0x9FFFFFFF  }
0xc3: {  	(tm) =	ssettm $0x7FFFFFFF  }
tec
execute0_lowered:
.L_overlay_start_1:
0x0: {  	(tag) =	ssettag $0x1  }
0x1: {  	s0 =	rddreg [dreg:$0x0]  }
0x2: {  	s1 =	rddreg [dreg:$0x1]  }
0x3: {  	s3 =	srdreg.scid;
	s12 =	stileid.u32  }
0x4: {  	s2 =	rddreg [dreg:$0x2];
	s6 =	simm.s32 $0x0;
	s30 =	simm.s32 $0x80  }
0x5: {  	s31 =	simm.s32 $0xB000;
	s29 =	simm.s32 $0xF000;
	s3 =	sand.u32 $0x1, s3  }
0x6: {  	s4 =	sshll.u32 s12, $0x1;
	[smem:$0x7FF] =	sst s6;
	s9 =	sadd.s32 $0x52000, s0  }
0x7: {  	s10 =	sshll.u32 s12, $0xA;
	s11 =	sshll.u32 s12, $0x8;
	s14 =	smul.u32 $0xFFFFFF60, s12  }
0x8: {  	s15 =	sshll.u32 s12, $0x4;
	s5 =	sor.u32 s3, s4;
	_ =	strace $0x8000004D  }
0x9: {  	s4 =	sadd.s32 $0x16600, s0;
	[dreg:$0x4] =	wrdreg s9;
	s9 =	smul.u32 $0x28000, s12  }
0xa: {  	s13 =	ssub.s32 $0x2, s3;
	s1 =	sadd.s32 s1, s15;
	s8 =	smul.u32 $0x500, s5  }
0xb: {  	s12 =	simm.s32 $0x7;
	s15 =	simm.s32 $0x0;
	s5 =	smul.u32 $0xFFFFFFB0, s5  }
0xc: {  	s7 =	sadd.s32 s8, s0;
	s8 =	sadd.s32 s10, s0;
	s10 =	sshrl.u32 s13, $0x1  }
0xd: {  	[dreg:$0x7] =	wrdreg s1;
	s10 =	ssub.s32 s13, s10;
	s13 =	sadd.s32 $0xC600, s7  }
0xe: {  	s1 =	simm.s32 $0x1;
	s7 =	sadd.s32 $0x2600, s7;
	[dreg:$0x5] =	wrdreg s13  }
0xf: {  	s0 =	sadd.s32 s11, s0;
	s16 =	sadd.s32 $0x2E000, s8;
	[dreg:$0x6] =	wrdreg s7  }
0x10: {  	s9 =	sshrl.u32 s9, $0x2;
	s0 =	sadd.s32 $0x32000, s0;
	[dreg:$0x8] =	wrdreg s16  }
0x11: {  	s6 =	sadd.s32 s9, s2;
	s17 =	sadd.s32 $0x2A000, s8;
	[dreg:$0x9] =	wrdreg s0  }
0x12: {  	s11 =	smul.u32 $0xFFFFFFB0, s3;
	s20 =	sadd.s32 $0x1000, s6;
	[dreg:$0xa] =	wrdreg s17  }
0x13: {  	p0 =	slt.s32 s5, $0xFFFFF68C;
	s21 =	sadd.s32 $0x2000, s6;
	[dreg:$0xd] =	wrdreg s20  }
0x14: {  	s5 =	simm.s32 @!p0 $0xFFFFF68C;
	s22 =	sadd.s32 $0x3000, s6;
	[dreg:$0xe] =	wrdreg s21  }
0x15: {  	p0 =	seq.s32 s3, $0x1;
	s23 =	sadd.s32 $0x4000, s6;
	[dreg:$0xf] =	wrdreg s22  }
0x16: {  	s24 =	sadd.s32 $0x5000, s6;
	s25 =	sadd.s32 $0x6000, s6;
	[dreg:$0x10] =	wrdreg s23  }
0x17: {  	s26 =	sadd.s32 $0x7000, s6;
	s28 =	sadd.s32 $0x8000, s6;
	[dreg:$0x11] =	wrdreg s24  }
0x18: {  	s3 =	simm.s32 $0x11000;
	s8 =	simm.s32 $0x4;
	[dreg:$0x12] =	wrdreg s25  }
0x19: {  	s11 =	sadd.s32 s11, s14;
	s9 =	sadd.s32 $0x9C4, s5;
	[dreg:$0x13] =	wrdreg s26  }
0x1a: {  	s19 =	smax.u32 s10, $0x1;
	[dreg:$0x14] =	wrdreg s28;
	s24 =	sadd.s32 $0x9000, s6  }
0x1b: {  	s25 =	simm.s32 $0xA000;
	s26 =	simm.s32 $0x9;
	p1 =	slt.s32 s11, $0xFFFFF68C  }
0x1c: {  	s5 =	simm.s32 $0x2;
	s7 =	simm.s32 $0x3;
	s11 =	simm.s32 @!p1 $0xFFFFF68C  }
0x1d: {  	s10 =	simm.s32 $0x5;
	s13 =	simm.s32 $0x8;
	s18 =	sadd.s32 $0x9C4, s11  }
0x1e: {  	s14 =	simm.s32 $0x13800;
	[dreg:$0xc] =	wrdreg s19;
	s0 =	sshrl.u32 s18, $0x2  }
0x1f: {  	v0 =	vimm.f32 $0.0e+00;
	s11 =	simm.s32 $0x6;
	[dreg:$0xb] =	wrdreg s0;
	s0 =	simm.s32 $0xD000  }
.LBB2_1:
0x20: {  	s17 =	simm.s32 $0x100;
	s16 =	simm.s32 $0x0  }
.LBB2_2:
0x21: {  	p1 =	sne.s32 s17, $0x3F00;
	[tilespmem:s16+$0xA030] =	vst v0;
	s18 =	smov.u32 s17;
	s17 =	sadd.s32 $0x100, s17  }
.Ltmp0:
0x22: {  	[tilespmem:s16+$0xA020] =	vst v0;
	(pc) =	sbr.rel @p1 .LBB2_2-.Ltmp0, $3  }
0x23: {  	[tilespmem:s16+$0xA000] =	vst v0  }
0x24: {  	[tilespmem:s16+$0xA010] =	vst v0;
	_ =	sdelay $0x1  }
0x25: {  	s16 =	sshra.s32 s18, $0x2  }
0x26: {  	[tilespmem:s16+$0xA030] =	vst v0  }
0x27: {  	[tilespmem:s16+$0xA020] =	vst v0  }
0x28: {  	[tilespmem:s16+$0xA000] =	vst v0  }
0x29: {  	[tilespmem:s16+$0xA010] =	vst v0  }
0x2a: {  	[spmem:s6] =	stream.linear.scatter [tilespmem:s25], [sflag:$0x9], $0x1000, $0x38;
	[tilespmem:$0x18880] =	vst v63  }
0x2b: {  	_ =	swait.ge [sflag:s26], $0x1000  }
0x2c: {  	[sflag:s26] =	ssyncset.done $0x0  }
0x2d: {  	s23 =	rddreg [dreg:$0xd];
	[sflag:s26] =	ssyncadd.s32 $0xFFFFF000  }
0x2e: {  	[spmem:s23] =	stream.linear.scatter [tilespmem:s25], [sflag:$0x9], $0x1000, $0x38;
	[tilespmem:$0x18880] =	vst v63  }
0x2f: {  	_ =	swait.ge [sflag:s26], $0x1000  }
0x30: {  	[sflag:s26] =	ssyncset.done $0x0  }
0x31: {  	s28 =	rddreg [dreg:$0xe];
	[sflag:s26] =	ssyncadd.s32 $0xFFFFF000  }
0x32: {  	[spmem:s28] =	stream.linear.scatter [tilespmem:s25], [sflag:$0x9], $0x1000, $0x38;
	[tilespmem:$0x18880] =	vst v63  }
0x33: {  	_ =	swait.ge [sflag:s26], $0x1000  }
0x34: {  	[sflag:s26] =	ssyncset.done $0x0  }
0x35: {  	s17 =	rddreg [dreg:$0xf];
	[sflag:s26] =	ssyncadd.s32 $0xFFFFF000  }
0x36: {  	[spmem:s17] =	stream.linear.scatter [tilespmem:s25], [sflag:$0x9], $0x1000, $0x38;
	[tilespmem:$0x18880] =	vst v63  }
0x37: {  	_ =	swait.ge [sflag:s26], $0x1000  }
0x38: {  	[sflag:s26] =	ssyncset.done $0x0  }
0x39: {  	s18 =	rddreg [dreg:$0x10];
	[sflag:s26] =	ssyncadd.s32 $0xFFFFF000  }
0x3a: {  	[spmem:s18] =	stream.linear.scatter [tilespmem:s25], [sflag:$0x9], $0x1000, $0x38;
	[tilespmem:$0x18880] =	vst v63  }
0x3b: {  	_ =	swait.ge [sflag:s26], $0x1000  }
0x3c: {  	[sflag:s26] =	ssyncset.done $0x0  }
0x3d: {  	s19 =	rddreg [dreg:$0x11];
	[sflag:s26] =	ssyncadd.s32 $0xFFFFF000  }
0x3e: {  	[spmem:s19] =	stream.linear.scatter [tilespmem:s25], [sflag:$0x9], $0x1000, $0x38;
	[tilespmem:$0x18880] =	vst v63  }
0x3f: {  	_ =	swait.ge [sflag:s26], $0x1000  }
0x40: {  	[sflag:s26] =	ssyncset.done $0x0  }
0x41: {  	s20 =	rddreg [dreg:$0x12];
	[sflag:s26] =	ssyncadd.s32 $0xFFFFF000  }
0x42: {  	[spmem:s20] =	stream.linear.scatter [tilespmem:s25], [sflag:$0x9], $0x1000, $0x38;
	[tilespmem:$0x18880] =	vst v63  }
0x43: {  	_ =	swait.ge [sflag:s26], $0x1000  }
0x44: {  	[sflag:s26] =	ssyncset.done $0x0  }
0x45: {  	s21 =	rddreg [dreg:$0x13];
	[sflag:s26] =	ssyncadd.s32 $0xFFFFF000  }
0x46: {  	[spmem:s21] =	stream.linear.scatter [tilespmem:s25], [sflag:$0x9], $0x1000, $0x38;
	[tilespmem:$0x18880] =	vst v63  }
0x47: {  	_ =	swait.ge [sflag:s26], $0x1000  }
0x48: {  	[sflag:s26] =	ssyncset.done $0x0  }
0x49: {  	s22 =	rddreg [dreg:$0x14];
	[sflag:s26] =	ssyncadd.s32 $0xFFFFF000  }
0x4a: {  	[spmem:s22] =	stream.linear.scatter [tilespmem:s25], [sflag:$0x9], $0x1000, $0x38;
	[tilespmem:$0x18880] =	vst v63  }
0x4b: {  	_ =	swait.ge [sflag:s26], $0x1000  }
0x4c: {  	[sflag:s26] =	ssyncset.done $0x0  }
0x4d: {  	[sflag:s26] =	ssyncadd.s32 $0xFFFFF000  }
0x4e: {  	[spmem:s24] =	stream.linear.scatter [tilespmem:s25], [sflag:$0x9], $0x1000, $0x38;
	[tilespmem:$0x18880] =	vst v63  }
0x4f: {  	_ =	swait.ge [sflag:s26], $0x1000  }
0x50: {  	s23 =	simm.s32 $0x0;
	[sflag:s26] =	ssyncset.done $0x0  }
0x51: {  	s18 =	simm.s32 $0x13880;
	s17 =	rddreg [dreg:$0x5];
	[sflag:s26] =	ssyncadd.s32 $0xFFFFF000  }
0x52: {  	[tilespmem:s18], [sflag:$0x9] =	stream.linear.gather [hbm4b:s17+s23], $0x2800, $0x38;
	[tilespmem:$0x18880] =	vst v63  }
0x53: {  	_ =	swait.ge [sflag:s26], $0x2800  }
0x54: {  	[sflag:s26] =	ssyncset.done $0x0  }
0x55: {  	s19 =	simm.s32 $0x16080;
	s28 =	rddreg [dreg:$0x6];
	[sflag:s26] =	ssyncadd.s32 $0xFFFFD800  }
0x56: {  	[tilespmem:s19], [sflag:$0x9] =	stream.linear.gather [hbm4b:s28+s23], $0x2800, $0x38;
	[tilespmem:$0x18880] =	vst v63  }
0x57: {  	_ =	swait.ge [sflag:s26], $0x2800  }
0x58: {  	[sflag:s26] =	ssyncset.done $0x0  }
0x59: {  	[sflag:s26] =	ssyncadd.s32 $0xFFFFD800  }
0x5a: {  	[bflag:$0x0] =	sbarrier.arrive $0xFFFF  }
0x5b: {  	[tilespmem:s31], [sflag:$0x1] =	stream.indirect.gather [hbm4b:s4+s30], $0x40, s18, s30, $0xb8;
	[tilespmem:$0x18880] =	vst v63  }
0x5c: {  	s17 =	simm.s32 $0x13900  }
0x5d: {  	[tilespmem:s0], [sflag:$0x2] =	stream.indirect.gather [hbm4b:s4+s30], $0x40, s17, s30, $0xb8;
	[tilespmem:$0x18880] =	vst v63  }
0x5e: {  	s18 =	simm.s32 $0x13980  }
0x5f: {  	[tilespmem:s29], [sflag:$0x3] =	stream.indirect.gather [hbm4b:s4+s30], $0x40, s18, s30, $0xb8;
	[tilespmem:$0x18880] =	vst v63  }
0x60: {  	s19 =	simm.s32 $0x13A00  }
0x61: {  	[tilespmem:s3], [sflag:$0x4] =	stream.indirect.gather [hbm4b:s4+s30], $0x40, s19, s30, $0xb8;
	[tilespmem:$0x18880] =	vst v63  }
0x62: {  	_ =	swait.ge [sflag:s1], $0x2000  }
0x63: {  	[sflag:s1] =	ssyncset.done $0x0  }
0x64: {  	s20 =	simm.s32 $0x16080;
	[sflag:s1] =	ssyncadd.s32 $0xFFFFE000  }
0x65: {  	[spmem:s2] =	stream.indirect.scatter.add.f32 [tilespmem:s31], [sflag:$0x5], $0x40, s20, s30, $0xb8;
	[tilespmem:$0x18880] =	vst v63  }
0x66: {  	_ =	swait.ge [sflag:s5], $0x2000  }
0x67: {  	[sflag:s5] =	ssyncset.done $0x0  }
0x68: {  	s21 =	simm.s32 $0x16100;
	[sflag:s5] =	ssyncadd.s32 $0xFFFFE000  }
0x69: {  	[spmem:s2] =	stream.indirect.scatter.add.f32 [tilespmem:s0], [sflag:$0x6], $0x40, s21, s30, $0xb8;
	[tilespmem:$0x18880] =	vst v63  }
0x6a: {  	_ =	swait.ge [sflag:s7], $0x2000  }
0x6b: {  	[sflag:s7] =	ssyncset.done $0x0  }
0x6c: {  	s22 =	simm.s32 $0x16180;
	[sflag:s7] =	ssyncadd.s32 $0xFFFFE000  }
0x6d: {  	[spmem:s2] =	stream.indirect.scatter.add.f32 [tilespmem:s29], [sflag:$0x7], $0x40, s22, s30, $0xb8;
	[tilespmem:$0x18880] =	vst v63  }
0x6e: {  	_ =	swait.ge [sflag:s8], $0x2000  }
0x6f: {  	[sflag:s8] =	ssyncset.done $0x0  }
0x70: {  	s23 =	simm.s32 $0x16200;
	[sflag:s8] =	ssyncadd.s32 $0xFFFFE000  }
0x71: {  	[spmem:s2] =	stream.indirect.scatter.add.f32 [tilespmem:s3], [sflag:$0x8], $0x40, s23, s30, $0xb8;
	[tilespmem:$0x18880] =	vst v63  }
0x72: {  	p1 =	sle.s32 s9, $0x4;
	_ =	swait.ge [sflag:s10], $0x2000  }
0x73: {  	s16 =	simm.s32 @!p1 $0xB000;
	[sflag:s10] =	ssyncset.done $0x0  }
0x74: {  	s17 =	simm.s32 @!p1 $0x13A80;
	s18 =	simm.s32 @!p1 $0x80;
	[sflag:s10] =	ssyncadd.s32 $0xFFFFE000  }
0x75: {  	[tilespmem:s16], [sflag:$0x1] =	stream.indirect.gather @!p1 [hbm4b:s4+s18], $0x40, s17, s18, $0xb8;
	[tilespmem:$0x18880] =	vst v63  }
0x76: {  	p2 =	sle.s32 s9, $0x6;
	p1 =	sle.s32 s9, $0x5;
	_ =	swait.ge [sflag:s11], $0x2000  }
0x77: {  	s16 =	simm.s32 @!p1 $0xD000;
	s17 =	simm.s32 @!p1 $0x13B00;
	[sflag:s11] =	ssyncset.done $0x0  }
0x78: {  	s18 =	simm.s32 @!p1 $0x80;
	s28 =	rddreg [dreg:$0xb];
	[sflag:s11] =	ssyncadd.s32 $0xFFFFE000  }
0x79: {  	[tilespmem:s16], [sflag:$0x2] =	stream.indirect.gather @!p1 [hbm4b:s4+s18], $0x40, s17, s18, $0xb8;
	[tilespmem:$0x18880] =	vst v63  }
0x7a: {  	s19 =	simm.s32 @!p2 $0x80;
	s16 =	sadd.s32 $0xFFFFFFFF, s28;
	_ =	swait.ge [sflag:s12], $0x2000  }
0x7b: {  	s17 =	simm.s32 @!p2 $0xF000;
	p1 =	sne.s32 s16, $0x0;
	[sflag:s12] =	ssyncset.done $0x0  }
.Ltmp1:
0x7c: {  	s18 =	simm.s32 @!p2 $0x13B80;
	[sflag:s12] =	ssyncadd.s32 $0xFFFFE000;
	(pc) =	sbr.rel @!p1 .LBB2_5-.Ltmp1, $4  }
0x7d: {  	[tilespmem:s17], [sflag:$0x3] =	stream.indirect.gather @!p2 [hbm4b:s4+s19], $0x40, s18, s19, $0xb8;
	[tilespmem:$0x18880] =	vst v63  }
0x7e: {  	s17 =	simm.s32 $0x8;
	p2 =	sle.s32 s9, $0x7;
	_ =	swait.ge [sflag:s13], $0x2000  }
0x7f: {  	s18 =	simm.s32 $0x800;
	s19 =	simm.s32 @!p2 $0x11000;
	[sflag:s13] =	ssyncset.done $0x0  }
0x80: {  	s20 =	simm.s32 @!p2 $0x13C00;
	s21 =	simm.s32 @!p2 $0x80;
	[sflag:s13] =	ssyncadd.s32 $0xFFFFE000  }
.LBB2_4:
0x81: {  	[tilespmem:s19], [sflag:$0x4] =	stream.indirect.gather @!p2 [hbm4b:s4+s21], $0x40, s20, s21, $0xb8;
	[tilespmem:$0x18880] =	vst v63  }
0x82: {  	s16 =	sadd.s32 $0xFFFFFFFF, s16;
	s20 =	smov.u32 s17;
	s19 =	smov.u32 s18  }
0x83: {  	p1 =	sne.s32 s16, $0x0;
	_ =	swait.ge [sflag:s1], $0x2000  }
0x84: {  	s21 =	sshra.s32 s18, $0x2;
	[sflag:s1] =	ssyncset.done $0x0  }
0x85: {  	s22 =	sadd.s32 $0x16080, s21;
	[sflag:s1] =	ssyncadd.s32 $0xFFFFE000  }
0x86: {  	[spmem:s2] =	stream.indirect.scatter.add.f32 [tilespmem:s31], [sflag:$0x5], $0x40, s22, s30, $0xb8;
	[tilespmem:$0x18880] =	vst v63  }
0x87: {  	_ =	swait.ge [sflag:s5], $0x2000  }
0x88: {  	[sflag:s5] =	ssyncset.done $0x0  }
0x89: {  	s22 =	sadd.s32 $0x16100, s21;
	[sflag:s5] =	ssyncadd.s32 $0xFFFFE000  }
0x8a: {  	[spmem:s2] =	stream.indirect.scatter.add.f32 [tilespmem:s0], [sflag:$0x6], $0x40, s22, s30, $0xb8;
	[tilespmem:$0x18880] =	vst v63  }
0x8b: {  	_ =	swait.ge [sflag:s7], $0x2000  }
0x8c: {  	[sflag:s7] =	ssyncset.done $0x0  }
0x8d: {  	s22 =	sadd.s32 $0x16180, s21;
	[sflag:s7] =	ssyncadd.s32 $0xFFFFE000  }
0x8e: {  	[spmem:s2] =	stream.indirect.scatter.add.f32 [tilespmem:s29], [sflag:$0x7], $0x40, s22, s30, $0xb8;
	[tilespmem:$0x18880] =	vst v63  }
0x8f: {  	_ =	swait.ge [sflag:s8], $0x2000  }
0x90: {  	[sflag:s8] =	ssyncset.done $0x0  }
0x91: {  	s17 =	sadd.s32 $0x4, s17;
	s21 =	sadd.s32 $0x16200, s21;
	[sflag:s8] =	ssyncadd.s32 $0xFFFFE000  }
0x92: {  	[spmem:s2] =	stream.indirect.scatter.add.f32 [tilespmem:s3], [sflag:$0x8], $0x40, s21, s30, $0xb8;
	[tilespmem:$0x18880] =	vst v63  }
0x93: {  	p2 =	sge.s32 s20, s9;
	s21 =	sadd.s32 $0x1, s20;
	_ =	swait.ge [sflag:s10], $0x2000  }
0x94: {  	s28 =	simm.s32 @!p2 $0xB000;
	s22 =	sshra.s32 @!p2 s18, $0x2;
	[sflag:s10] =	ssyncset.done $0x0  }
0x95: {  	s23 =	simm.s32 @!p2 $0x80;
	s22 =	sadd.s32 @!p2 $0x13A80, s22;
	[sflag:s10] =	ssyncadd.s32 $0xFFFFE000  }
0x96: {  	[tilespmem:s28], [sflag:$0x1] =	stream.indirect.gather @!p2 [hbm4b:s4+s23], $0x40, s22, s23, $0xb8;
	[tilespmem:$0x18880] =	vst v63  }
0x97: {  	p2 =	sge.s32 s21, s9;
	s21 =	sadd.s32 $0x2, s20;
	_ =	swait.ge [sflag:s11], $0x2000  }
0x98: {  	s22 =	sshra.s32 @!p2 s18, $0x2;
	s23 =	simm.s32 @!p2 $0xD000;
	[sflag:s11] =	ssyncset.done $0x0  }
0x99: {  	s28 =	simm.s32 @!p2 $0x80;
	s22 =	sadd.s32 @!p2 $0x13B00, s22;
	[sflag:s11] =	ssyncadd.s32 $0xFFFFE000  }
0x9a: {  	[tilespmem:s23], [sflag:$0x2] =	stream.indirect.gather @!p2 [hbm4b:s4+s28], $0x40, s22, s28, $0xb8;
	[tilespmem:$0x18880] =	vst v63  }
0x9b: {  	p2 =	sge.s32 s21, s9  }
0x9c: {  	s20 =	sadd.s32 $0x3, s20;
	_ =	swait.ge [sflag:s12], $0x2000;
	s21 =	sshra.s32 @!p2 s18, $0x2  }
0x9d: {  	s22 =	simm.s32 @!p2 $0xF000;
	s23 =	simm.s32 @!p2 $0x80;
	[sflag:s12] =	ssyncset.done $0x0  }
.Ltmp2:
0x9e: {  	s21 =	sadd.s32 @!p2 $0x13B80, s21;
	[sflag:s12] =	ssyncadd.s32 $0xFFFFE000;
	(pc) =	sbr.rel @p1 .LBB2_4-.Ltmp2, $4  }
0x9f: {  	[tilespmem:s22], [sflag:$0x3] =	stream.indirect.gather @!p2 [hbm4b:s4+s23], $0x40, s21, s23, $0xb8;
	[tilespmem:$0x18880] =	vst v63  }
0xa0: {  	s18 =	sadd.s32 $0x800, s18;
	p2 =	sge.s32 s20, s9;
	_ =	swait.ge [sflag:s13], $0x2000  }
0xa1: {  	s20 =	sshra.s32 @!p2 s19, $0x2;
	s19 =	simm.s32 @!p2 $0x11000;
	[sflag:s13] =	ssyncset.done $0x0  }
0xa2: {  	s21 =	simm.s32 @!p2 $0x80;
	s20 =	sadd.s32 @!p2 $0x13C00, s20;
	[sflag:s13] =	ssyncadd.s32 $0xFFFFE000  }
.LBB2_5:
0xa3: {  	[tilespmem:s19], [sflag:$0x4] =	stream.indirect.gather @!p2 [hbm4b:s4+s21], $0x40, s20, s21, $0xb8;
	[tilespmem:$0x18880] =	vst v63  }
0xa4: {  	[bflag:$0x0] =	sbarrier.arrive $0xFFFF  }
0xa5: {  	s16 =	simm.s32 $0x0;
	s17 =	rddreg [dreg:$0x7]  }
0xa6: {  	[tilespmem:s14], [sflag:$0x9] =	stream.linear.gather [hbm4b:s17+s16], $0x80, $0x38;
	[tilespmem:$0x18880] =	vst v63  }
0xa7: {  	_ =	swait.ge [sflag:s26], $0x80  }
0xa8: {  	[sflag:s26] =	ssyncset.done $0x0  }
0xa9: {  	[sflag:s26] =	ssyncadd.s32 $0xFFFFFF80  }
0xaa: {  	[tilespmem:s31], [sflag:$0x1] =	stream.indirect.gather [spmem:s2], $0x40, s14, s30, $0xb8;
	[tilespmem:$0x18880] =	vst v63  }
0xab: {  	_ =	swait.ge [sflag:s1], $0x2000  }
0xac: {  	s16 =	simm.s32 @p0 $0x0;
	[sflag:s1] =	ssyncset.done $0x0  }
0xad: {  	s17 =	simm.s32 @p0 $0xB000;
	s18 =	rddreg [dreg:$0xa];
	[sflag:s1] =	ssyncadd.s32 $0xFFFFE000  }
0xae: {  	[hbm4b:s18+s16] =	stream.linear.scatter @p0 [tilespmem:s17], [sflag:$0x9], $0x2000, $0x38;
	[tilespmem:$0x18880] =	vst v63  }
0xaf: {  	s16 =	simm.s32 @p0 $0x9  }
0xb0: {  	_ =	swait.ge @p0 [sflag:s16], $0x2000  }
0xb1: {  	s17 =	simm.s32 @!p0 $0xB000;
	[sflag:s16] =	ssyncset.done @p0 $0x0  }
0xb2: {  	s18 =	rddreg [dreg:$0x8];
	[sflag:s16] =	ssyncadd.s32 @p0 $0xFFFFE000;
	s16 =	simm.s32 @!p0 $0x0  }
0xb3: {  	[hbm4b:s18+s16] =	stream.linear.scatter @!p0 [tilespmem:s17], [sflag:$0x9], $0x2000, $0x38;
	[tilespmem:$0x18880] =	vst v63  }
0xb4: {  	s17 =	simm.s32 @!p0 $0x9  }
0xb5: {  	_ =	swait.ge @!p0 [sflag:s17], $0x2000  }
0xb6: {  	s19 =	simm.s32 @!p0 $0x13800;
	s20 =	simm.s32 @!p0 $0x13000;
	[sflag:s17] =	ssyncset.done @!p0 $0x0  }
0xb7: {  	s18 =	simm.s32 @!p0 $0x80;
	s21 =	rddreg [dreg:$0x4];
	[sflag:s17] =	ssyncadd.s32 @!p0 $0xFFFFE000  }
0xb8: {  	[tilespmem:s20], [sflag:$0x2] =	stream.indirect.gather @!p0 [hbm4b:s21+s18], $0x10, s19, s18, $0xb8;
	[tilespmem:$0x18880] =	vst v63  }
0xb9: {  	s18 =	simm.s32 @!p0 $0x2  }
0xba: {  	_ =	swait.ge @!p0 [sflag:s18], $0x800  }
0xbb: {  	[sflag:s18] =	ssyncset.done @!p0 $0x0  }
0xbc: {  	[sflag:s18] =	ssyncadd.s32 @!p0 $0xFFFFF800;
	s18 =	rddreg [dreg:$0x9]  }
0xbd: {  	[hbm4b:s18+s16] =	stream.linear.scatter @!p0 [tilespmem:s20], [sflag:$0x9], $0x800, $0x38;
	[tilespmem:$0x18880] =	vst v63  }
0xbe: {  	_ =	swait.ge @!p0 [sflag:s17], $0x800  }
0xbf: {  	s15 =	sadd.s32 $0x1, s15;
	s28 =	rddreg [dreg:$0xc]  }
0xc0: {  	p1 =	sne.s32 s15, s28  }
.Ltmp3:
0xc1: {  	_ = 	snop;
	(pc) =	sbr.rel @p1 .LBB2_1-.Ltmp3, $3  }
0xc2: {  	_ =	sdelay $0x1  }
0xc3: {  	[sflag:s17] =	ssyncset.done @!p0 $0x0  }
0xc4: {  	[sflag:s17] =	ssyncadd.s32 @!p0 $0xFFFFF800  }
0xc5: {  	_ =	sfence.sel $0x180000  }
0xc6: {  	[bflag:$0x0] =	sbarrier.arrive $0xFFFF  }
0xc7: {  	_ =	strace $0x9000004D  }
0xc8: {  	s0 =	stileid.u32;
	[bflag:$0x2] =	sbarrier.arrive $0xFFFF  }
0xc9: {  	p0 =	sne.s32 s0, $0x0;
	s0 =	rddreg [dreg:$0x3]  }
0xca: {  	s0 =	sadd.s32 @!p0 $0x100000, s0  }
0xcb: {  	[sflag:s0] =	ssyncadd.tile.s32 @!p0 $0x1;
	_ =	shalt  }
.Lfunc_end2:
_tile_overlayer_lowered:
.L_overlay_start_2:
0xcc: {  	(tag) =	ssettag $0x2  }
0xcd: {  	s0 =	rddreg [dreg:$0x0];
	s2 =	stileid.u32  }
0xce: {  	s1 =	rddreg [dreg:$0x1];
	p0 =	sne.s32 s2, $0x0  }
0xcf: {  	s3 =	rddreg [dreg:$0x2];
	[bflag:$0x3] =	sbarrier.arrive $0xFFFF;
	s2 =	simm.s32 @!p0 $0x1C09  }
0xd0: {  	[timem:s3], [sflag:s2] =	dma.local @!p0 [hbm:s0], s1  }
0xd1: {  	s0 =	simm.s32 @!p0 $0x9  }
0xd2: {  	_ =	swait.ge @!p0 [sflag:s0], s1  }
0xd3: {  	s1 =	ssub.s32 @!p0 $0x0, s1;
	[sflag:s0] =	ssyncset.done @!p0 $0x0  }
0xd4: {  	[sflag:s0] =	ssyncadd.s32 @!p0 s1  }
0xd5: {  	[bflag:$0x3] =	sbarrier.arrive $0xFFFF  }
0xd6: {  	_ =	shalt  }

// kernel: kernel.8.cloned.1.call-start
scs
__scs_entry_jumppad:
0x0: {  	(pc) =	sbr.rel $0x88, $3  }
0x1: {  	(tag) =	ssettag $0x0;
	lr =	simm.s32 $0x1  }
0x2: {  	[smem:$0x3F96] =	sst lr;
	_ =	strace $0xD0000000  }
0x3: {  	_ = 	snop  }
0x4: {  	_ = 	snop  }
0x5: {  	_ = 	snop  }
0x6: {  	_ = 	snop  }
0x7: {  	_ = 	snop  }
__scs_overlays_trampoline_lowered:
0x8: {  	[smem:$0x3FA5] =	sst s0  }
0x9: {  	[smem:$0x3FA6] =	sst s1  }
0xa: {  	[smem:$0x3FA7] =	sst s2  }
0xb: {  	[smem:$0x3FA8] =	sst s3  }
0xc: {  	[smem:$0x3FA9] =	sst s4  }
0xd: {  	[smem:$0x3FAA] =	sst s5  }
0xe: {  	[smem:$0x3FAB] =	sst s6  }
0xf: {  	[smem:$0x3FAC] =	sst s7  }
0x10: {  	[smem:$0x3FAD] =	sst s8  }
0x11: {  	[smem:$0x3FAE] =	sst s9;
	s0 =	simm.s32 @!p0 $0x0  }
0x12: {  	s1 =	sld [smem:$0x3F94];
	s0 =	simm.s32 @p0 $0x1  }
0x13: {  	[smem:$0x3FAF] =	sst s0;
	s0 =	simm.s32 @!p1 $0x0  }
0x14: {  	s2 =	sld [smem:$0x3F93];
	s0 =	simm.s32 @p1 $0x1  }
0x15: {  	[smem:$0x3FB0] =	sst s0;
	s0 =	simm.s32 @!p2 $0x0  }
0x16: {  	s3 =	sld [smem:$0x3FDB];
	s0 =	simm.s32 @p2 $0x1  }
0x17: {  	s4 =	simm.s32 $0x1BF5;
	[smem:$0x3FB2] =	sst s0  }
0x18: {  	s0 =	sld [smem:$0x3F95];
	_ =	swait.ge [sflag:s4], $0x0  }
0x19: {  	s7 =	sld [smem:$0x3F96]  }
0x1a: {  	s8 =	sadd.s32 $0xFFFFE003, lr  }
0x1b: {  	s9 =	sadd.s32 $0xFFFFFEF7, lr;
	s5 =	simm.s32 $0xFFFFFFFF;
	p2 =	slt.u32 s8, $0xFFFFF086  }
0x1c: {  	p1 =	slt.u32 s9, $0xF7A;
	s5 =	simm.s32 @!p2 $0x0  }
0x1d: {  	s5 =	simm.s32 @p1 $0x1;
	p0 =	seq.s32 s7, s2  }
0x1e: {  	s7 =	smul.u32 @!p0 $0xF7A, s2;
	p2 =	seq.s32 @!p0 s5, $0x0  }
0x1f: {  	s9 =	smul.u32 $0xF7A, s1;
	s8 =	simm.s32 @!p0 $0x1BF5;
	p2 =	por !p2, p0  }
0x20: {  	[sflag:s8] =	ssyncset.s32 @!p0 $0xFFFFF086;
	s6 =	sadd.s32 @!p0 s3, s7;
	s7 =	simm.s32 @!p0 $0x108  }
0x21: {  	s3 =	sadd.s32 s3, s9;
	s6 =	sadd.s32 @!p0 $0x88, s6;
	s7 =	simm.s32 @p2 $0x1082  }
0x22: {  	[simem:s7], [sflag:s8] =	dma.local @!p0 [hbm:s6], $0xF7A  }
0x23: {  	s9 =	sor.u32 $0xD0000000, s2;
	s6 =	simm.s32 $0x108;
	_ =	swait.ge @!p0 [sflag:s8], $0x0  }
0x24: {  	s3 =	sadd.s32 $0x88, s3;
	s6 =	simm.s32 @!p1 $0x1082;
	[sflag:s4] =	ssyncset.s32 $0xFFFFF086  }
0x25: {  	[simem:s6], [sflag:s4] =	dma.local [hbm:s3], $0xF7A  }
0x26: {  	[smem:$0x3F96] =	sst s1;
	(tag) =	ssettag s2;
	_ =	strace s9  }
0x27: {  	s1 =	sld [smem:$0x3FA6]  }
0x28: {  	s2 =	sld [smem:$0x3FA7]  }
0x29: {  	s4 =	sld [smem:$0x3FA9]  }
0x2a: {  	p0 =	seq.s32 s5, $0x0;
	s5 =	sld [smem:$0x3FAA]  }
0x2b: {  	s6 =	sld [smem:$0x3FAB]  }
0x2c: {  	s7 =	sld [smem:$0x3FAC]  }
0x2d: {  	s3 =	simm.s32 $0x108;
	s8 =	sld [smem:$0x3FAD]  }
0x2e: {  	s3 =	simm.s32 @!p0 $0x1082;
	s9 =	sld [smem:$0x3FAE]  }
0x2f: {  	lr =	sadd.s32 s0, s3;
	s0 =	sld [smem:$0x3FA5]  }
0x30: {  	s3 =	sld [smem:$0x3FA8]  }
0x31: {  	[smem:$0x3FB1] =	sst s10  }
0x32: {  	s10 =	sld [smem:$0x3FAF];
	_ =	sdelay $0x3  }
0x33: {  	p0 =	seq.s32 s10, $0x1;
	s10 =	sld [smem:$0x3FB1];
	_ =	sdelay $0x3  }
0x34: {  	[smem:$0x3FB1] =	sst s10  }
0x35: {  	s10 =	sld [smem:$0x3FB0];
	_ =	sdelay $0x3  }
0x36: {  	p1 =	seq.s32 s10, $0x1;
	s10 =	sld [smem:$0x3FB1];
	_ =	sdelay $0x3  }
0x37: {  	[smem:$0x3FB1] =	sst s10  }
0x38: {  	s10 =	sld [smem:$0x3FB2]  }
0x39: {  	_ = 	snop;
	(pc) =	sbr.ind lr, $3  }
0x3a: {  	_ = 	snop  }
0x3b: {  	_ = 	snop  }
0x3c: {  	p2 =	seq.s32 s10, $0x1;
	s10 =	sld [smem:$0x3FB1]  }
0x3d: {  	_ =	shalt  }
0x3e: {  	_ =	shalt  }
0x3f: {  	_ =	shalt  }
0x40: {  	_ =	shalt  }
0x41: {  	_ =	shalt  }
0x42: {  	_ =	shalt  }
0x43: {  	_ =	shalt  }
0x44: {  	_ =	shalt  }
0x45: {  	_ =	shalt  }
0x46: {  	_ =	shalt  }
0x47: {  	_ =	shalt  }
0x48: {  	_ =	shalt  }
0x49: {  	_ =	shalt  }
0x4a: {  	_ =	shalt  }
0x4b: {  	_ =	shalt  }
0x4c: {  	_ =	shalt  }
0x4d: {  	_ =	shalt  }
0x4e: {  	_ =	shalt  }
0x4f: {  	_ =	shalt  }
0x50: {  	_ =	shalt  }
0x51: {  	_ =	shalt  }
0x52: {  	_ =	shalt  }
0x53: {  	_ =	shalt  }
0x54: {  	_ =	shalt  }
0x55: {  	_ =	shalt  }
0x56: {  	_ =	shalt  }
0x57: {  	_ =	shalt  }
0x58: {  	_ =	shalt  }
0x59: {  	_ =	shalt  }
0x5a: {  	_ =	shalt  }
0x5b: {  	_ =	shalt  }
0x5c: {  	_ =	shalt  }
0x5d: {  	_ =	shalt  }
0x5e: {  	_ =	shalt  }
0x5f: {  	_ =	shalt  }
0x60: {  	_ =	shalt  }
0x61: {  	_ =	shalt  }
0x62: {  	_ =	shalt  }
0x63: {  	_ =	shalt  }
0x64: {  	_ =	shalt  }
0x65: {  	_ =	shalt  }
0x66: {  	_ =	shalt  }
0x67: {  	_ =	shalt  }
0x68: {  	_ =	shalt  }
0x69: {  	_ =	shalt  }
0x6a: {  	_ =	shalt  }
0x6b: {  	_ =	shalt  }
0x6c: {  	_ =	shalt  }
0x6d: {  	_ =	shalt  }
0x6e: {  	_ =	shalt  }
0x6f: {  	_ =	shalt  }
0x70: {  	_ =	shalt  }
0x71: {  	_ =	shalt  }
0x72: {  	_ =	shalt  }
0x73: {  	_ =	shalt  }
0x74: {  	_ =	shalt  }
0x75: {  	_ =	shalt  }
0x76: {  	_ =	shalt  }
0x77: {  	_ =	shalt  }
0x78: {  	_ =	shalt  }
0x79: {  	_ =	shalt  }
0x7a: {  	_ =	shalt  }
0x7b: {  	_ =	shalt  }
0x7c: {  	_ =	shalt  }
0x7d: {  	_ =	shalt  }
0x7e: {  	_ =	shalt  }
0x7f: {  	_ =	shalt  }
0x80: {  	_ =	shalt  }
0x81: {  	_ =	shalt  }
0x82: {  	_ =	shalt  }
0x83: {  	_ =	shalt  }
0x84: {  	_ =	shalt  }
0x85: {  	_ =	shalt  }
0x86: {  	_ =	shalt  }
0x87: {  	_ =	shalt  }
.Lfunc_end0:
.L_simem_size_0:
called_computation_lowered:
.L_overlay_start_0:
0x88: {  	s2 =	sld [smem:$0x3FD9]  }
0x89: {  	s3 =	sld [smem:$0x3FFE];
	_ =	sdelay $0x1  }
0x8a: {  	s1 =	srdreg.scid  }
0x8b: {  	s0 =	sand.u32 $0x1, s1  }
0x8c: {  	s16 =	sshll.u32 s0, $0xA;
	s2 =	sadd.s32 s3, s2  }
0x8d: {  	s2 =	sadd.s32 s2, s16  }
0x8e: {  	[smem:$0x3FBD] =	sst s2  }
0x8f: {  	_ = 	snop  }
0x90: {  	(tm) =	ssettm $0x1  }
0x91: {  	s17 =	sld [smem:$0x3FFB];
	_ =	sdelay $0x3  }
0x92: {  	_ =	strace s17  }
0x93: {  	s2 =	sld [smem:$0x3FFC];
	_ =	sdelay $0x3  }
0x94: {  	_ =	strace s2  }
0x95: {  	s2 =	sld [smem:$0x3FFD];
	_ =	sdelay $0x3  }
0x96: {  	_ =	strace s2  }
0x97: {  	_ =	strace $0x8FFFFFFF  }
0x98: {  	s18 =	sld [smem:$0x3FDB];
	_ =	sdelay $0x1  }
0x99: {  	s19 =	simm.s32 $_scs_section_size  }
0x9a: {  	s4 =	simm.s32 $_size__tile_overlayer_lowered;
	s5 =	simm.s32 $_tile_overlayer_lowered  }
0x9b: {  	s22 =	simm.s32 $0x1BFF;
	s21 =	sshll.u32 s5, $0x1;
	s2 =	sadd.s32 s19, s18  }
0x9c: {  	s6 =	simm.s32 $0x0;
	s20 =	sshll.u32 s4, $0x1;
	s4 =	sadd.s32 s21, s2  }
0x9d: {  	[timem:s6], [sflag:s22] =	dma.local [hbm:s4], s20  }
0x9e: {  	_ =	swait.ge [sflag:s22], s20  }
0x9f: {  	s3 =	ssub.s32 $0x0, s20;
	[sflag:s22] =	ssyncset.done $0x0  }
0xa0: {  	[sflag:s22] =	ssyncadd.s32 s3;
	_ =	sdelay $0x1  }
0xa1: {  	s23 =	simm.s32 $0x1B8B  }
0xa2: {  	_ =	swait.ge [sflag:s23], $0x1  }
0xa3: {  	[sflag:s23] =	ssyncset.done $0x0  }
0xa4: {  	s25 =	simm.s32 $0x1B8E;
	s24 =	sld [smem:$0x3FFE];
	[sflag:s23] =	ssyncadd.s32 $0xFFFFFFFF  }
0xa5: {  	s26 =	simm.s32 $execute0_lowered;
	[smem:$0x3FD2] =	sst s25  }
0xa6: {  	s4 =	sshll.u32 s26, $0x1;
	_ =	strace $0x80000046;
	[dreg:$0x1] =	wrdreg $0xFFFFFFFF  }
0xa7: {  	s28 =	simm.s32 $_size_execute0_lowered;
	s2 =	sadd.s32 s2, s4;
	[dreg:$0x0] =	wrdreg $0x0  }
0xa8: {  	s4 =	sshll.u32 s28, $0x1;
	[dreg:$0x2] =	wrdreg s2  }
0xa9: {  	[dreg:$0x3] =	wrdreg s4  }
0xaa: {  	[dreg:$0x4] =	wrdreg $0xC0  }
0xab: {  	_ =	task [dreg:s6], $0x5FFFF  }
0xac: {  	[dreg:$0x1] =	wrdreg $0xFFFFFFFF  }
0xad: {  	[dreg:$0x0] =	wrdreg $0x60  }
0xae: {  	[dreg:$0x2] =	wrdreg s24  }
0xaf: {  	[dreg:$0x3] =	wrdreg $0x0  }
0xb0: {  	[dreg:$0x4] =	wrdreg $0x2800  }
0xb1: {  	[dreg:$0x5] =	wrdreg $0x9  }
0xb2: {  	_ =	task.clear_ibuf [dreg:s6], $0x6FFFF;
	_ =	strace $0x90000046  }
0xb3: {  	s29 =	simm.s32 $0x9;
	_ =	strace $0x80000048  }
0xb4: {  	_ =	swait.ge [sflag:s29], $0x1  }
0xb5: {  	[sflag:s29] =	ssyncadd.s32 $0xFFFFFFFF  }
0xb6: {  	_ =	strace $0x90000048  }
0xb7: {  	_ =	sfence  }
0xb8: {  	s30 =	sld [smem:$0x0];
	_ =	sdelay $0x2  }
0xb9: {  	s31 =	sshll.u32 s1, $0xD;
	s1 =	sshrl.u32 s1, $0x2  }
0xba: {  	s3 =	sand.u32 $0x4000, s31;
	s1 =	sadd.s32 s1, s30  }
0xbb: {  	s0 =	sor.u32 s3, s0;
	s1 =	sshll.u32 s1, $0x11  }
0xbc: {  	s0 =	sor.u32 s1, s0  }
0xbd: {  	s0 =	sadd.s32 $0x8F2B, s0  }
0xbe: {  	[sflag:s0] =	ssyncadd.remote.s32 $0x1  }
0xbf: {  	_ =	sfence.sel $0xFFFF  }
0xc0: {  	[dreg:$0x0] =	wrdreg $0xFFFFFFFF;
	(pc) =	sbr.abs _section_cstart, $3  }
0xc1: {  	[dreg:$0x1] =	wrdreg $0xFFFFFFFF  }
0xc2: {  	_ =	task.clear_ibuf [dreg:s6], $0x2FFFF;
	_ =	strace $0x9FFFFFFF  }
0xc3: {  	(tm) =	ssettm $0x7FFFFFFF  }
tec
execute0_lowered:
.L_overlay_start_1:
0x0: {  	(tag) =	ssettag $0x1  }
0x1: {  	s1 =	srdreg.scid;
	s5 =	rddreg [dreg:$0x0]  }
0x2: {  	s0 =	stileid.u32;
	s2 =	rddreg [dreg:$0x1]  }
0x3: {  	s3 =	rddreg [dreg:$0x2];
	s4 =	simm.s32 $0x0;
	s21 =	simm.s32 $0x500  }
0x4: {  	s22 =	simm.s32 $0x2;
	s23 =	simm.s32 $0x80;
	s24 =	simm.s32 $0x580  }
0x5: {  	s6 =	sand.u32 $0x1, s1;
	s28 =	sshll.u32 s0, $0x1;
	s18 =	smul.u32 $0x280, s0  }
0x6: {  	s1 =	rddreg [dreg:$0x3];
	s7 =	sor.u32 s6, s28;
	s9 =	smul.u32 $0x5000, s6  }
0x7: {  	[smem:$0x7FF] =	sst s4;
	s6 =	ssub.s32 $0x2, s6;
	s8 =	smul.u32 $0x500, s7  }
0x8: {  	_ =	strace $0x80000047;
	s10 =	smul.u32 $0xFFFFFFB0, s7;
	s31 =	sshrl.u32 s6, $0x1  }
0x9: {  	s14 =	sadd.s32 $0x80, s18;
	s16 =	sadd.s32 $0x100, s18;
	s19 =	sadd.s32 $0x180, s18  }
0xa: {  	s20 =	sadd.s32 $0x200, s18;
	s30 =	sadd.s32 s18, s9;
	s12 =	ssub.s32 s6, s31  }
0xb: {  	s9 =	sadd.s32 s18, s2;
	s13 =	sadd.s32 s14, s2;
	s14 =	sadd.s32 s14, s3  }
0xc: {  	s15 =	sadd.s32 s16, s2;
	s16 =	sadd.s32 s16, s3;
	s17 =	sadd.s32 s19, s2  }
0xd: {  	s29 =	sadd.s32 s8, s5;
	s8 =	sshrl.u32 s30, $0x3;
	p0 =	slt.s32 s10, $0xFFFFF68C  }
0xe: {  	s12 =	smax.u32 s12, $0x1;
	s11 =	sadd.s32 s8, s5;
	s10 =	simm.s32 @!p0 $0xFFFFF68C  }
0xf: {  	s5 =	sadd.s32 $0xC600, s29;
	s6 =	sadd.s32 $0x2600, s29;
	s7 =	sadd.s32 $0x9C4, s10  }
0x10: {  	s25 =	sadd.s32 $0x9BC, s10;
	s8 =	sadd.s32 $0x16600, s11;
	s10 =	sadd.s32 $0x16B00, s11  }
0x11: {  	s11 =	sadd.s32 s18, s3;
	s18 =	sadd.s32 s19, s3;
	s19 =	sadd.s32 s20, s2  }
0x12: {  	v0 =	vimm.f32 $0.0e+00;
	v1 =	vimm.f32 $1.000000000e+00;
	s20 =	sadd.s32 s20, s3;
	p0 =	sge.u32 s25, s7;
	s25 =	simm.s32 $0x0  }
.LBB2_1:
0x13: {  	[tilespmem:$0x500] =	vst v0  }
0x14: {  	[tilespmem:$0x510] =	vst v0  }
0x15: {  	[tilespmem:$0x520] =	vst v0  }
0x16: {  	[tilespmem:$0x530] =	vst v0  }
0x17: {  	[tilespmem:$0x540] =	vst v0  }
0x18: {  	[tilespmem:$0x550] =	vst v0  }
0x19: {  	[tilespmem:$0x560] =	vst v0  }
0x1a: {  	[tilespmem:$0x570] =	vst v0  }
0x1b: {  	[spmem:s9] =	stream.linear.scatter [tilespmem:s21], [sflag:$0x2], $0x80, $0x38;
	[tilespmem:$0x5600] =	vst v63  }
0x1c: {  	_ =	swait.ge [sflag:s22], $0x80  }
0x1d: {  	[sflag:s22] =	ssyncset.done $0x0  }
0x1e: {  	[sflag:s22] =	ssyncadd.s32 $0xFFFFFF80  }
0x1f: {  	[spmem:s11] =	stream.linear.scatter [tilespmem:s21], [sflag:$0x2], $0x80, $0x38;
	[tilespmem:$0x5600] =	vst v63  }
0x20: {  	_ =	swait.ge [sflag:s22], $0x80  }
0x21: {  	[sflag:s22] =	ssyncset.done $0x0  }
0x22: {  	[sflag:s22] =	ssyncadd.s32 $0xFFFFFF80  }
0x23: {  	[spmem:s13] =	stream.linear.scatter [tilespmem:s21], [sflag:$0x2], $0x80, $0x38;
	[tilespmem:$0x5600] =	vst v63  }
0x24: {  	_ =	swait.ge [sflag:s22], $0x80  }
0x25: {  	[sflag:s22] =	ssyncset.done $0x0  }
0x26: {  	[sflag:s22] =	ssyncadd.s32 $0xFFFFFF80  }
0x27: {  	[spmem:s14] =	stream.linear.scatter [tilespmem:s21], [sflag:$0x2], $0x80, $0x38;
	[tilespmem:$0x5600] =	vst v63  }
0x28: {  	_ =	swait.ge [sflag:s22], $0x80  }
0x29: {  	[sflag:s22] =	ssyncset.done $0x0  }
0x2a: {  	[sflag:s22] =	ssyncadd.s32 $0xFFFFFF80  }
0x2b: {  	[spmem:s15] =	stream.linear.scatter [tilespmem:s21], [sflag:$0x2], $0x80, $0x38;
	[tilespmem:$0x5600] =	vst v63  }
0x2c: {  	_ =	swait.ge [sflag:s22], $0x80  }
0x2d: {  	[sflag:s22] =	ssyncset.done $0x0  }
0x2e: {  	[sflag:s22] =	ssyncadd.s32 $0xFFFFFF80  }
0x2f: {  	[spmem:s16] =	stream.linear.scatter [tilespmem:s21], [sflag:$0x2], $0x80, $0x38;
	[tilespmem:$0x5600] =	vst v63  }
0x30: {  	_ =	swait.ge [sflag:s22], $0x80  }
0x31: {  	[sflag:s22] =	ssyncset.done $0x0  }
0x32: {  	[sflag:s22] =	ssyncadd.s32 $0xFFFFFF80  }
0x33: {  	[spmem:s17] =	stream.linear.scatter [tilespmem:s21], [sflag:$0x2], $0x80, $0x38;
	[tilespmem:$0x5600] =	vst v63  }
0x34: {  	_ =	swait.ge [sflag:s22], $0x80  }
0x35: {  	[sflag:s22] =	ssyncset.done $0x0  }
0x36: {  	[sflag:s22] =	ssyncadd.s32 $0xFFFFFF80  }
0x37: {  	[spmem:s18] =	stream.linear.scatter [tilespmem:s21], [sflag:$0x2], $0x80, $0x38;
	[tilespmem:$0x5600] =	vst v63  }
0x38: {  	_ =	swait.ge [sflag:s22], $0x80  }
0x39: {  	[sflag:s22] =	ssyncset.done $0x0  }
0x3a: {  	[sflag:s22] =	ssyncadd.s32 $0xFFFFFF80  }
0x3b: {  	[spmem:s19] =	stream.linear.scatter [tilespmem:s21], [sflag:$0x2], $0x80, $0x38;
	[tilespmem:$0x5600] =	vst v63  }
0x3c: {  	_ =	swait.ge [sflag:s22], $0x80  }
0x3d: {  	[sflag:s22] =	ssyncset.done $0x0  }
0x3e: {  	[sflag:s22] =	ssyncadd.s32 $0xFFFFFF80  }
0x3f: {  	[spmem:s20] =	stream.linear.scatter [tilespmem:s21], [sflag:$0x2], $0x80, $0x38;
	[tilespmem:$0x5600] =	vst v63  }
0x40: {  	_ =	swait.ge [sflag:s22], $0x80  }
0x41: {  	[sflag:s22] =	ssyncset.done $0x0  }
0x42: {  	[sflag:s22] =	ssyncadd.s32 $0xFFFFFF80  }
0x43: {  	[tilespmem:$0x580] =	vst v1  }
0x44: {  	[tilespmem:$0x590] =	vst v1  }
0x45: {  	[tilespmem:$0x5A0] =	vst v1  }
0x46: {  	[tilespmem:$0x5B0] =	vst v1  }
0x47: {  	[tilespmem:$0x5C0] =	vst v1  }
0x48: {  	[tilespmem:$0x5D0] =	vst v1  }
0x49: {  	[tilespmem:$0x5E0] =	vst v1  }
0x4a: {  	s26 =	simm.s32 $0x600;
	[tilespmem:$0x5F0] =	vst v1  }
0x4b: {  	[tilespmem:s26], [sflag:$0x2] =	stream.linear.gather [hbm4b:s5+s4], $0x2800, $0x38;
	[tilespmem:$0x5600] =	vst v63  }
0x4c: {  	_ =	swait.ge [sflag:s22], $0x2800  }
0x4d: {  	[sflag:s22] =	ssyncset.done $0x0  }
0x4e: {  	s28 =	simm.s32 $0x2E00;
	[sflag:s22] =	ssyncadd.s32 $0xFFFFD800  }
0x4f: {  	[tilespmem:s28], [sflag:$0x2] =	stream.linear.gather [hbm4b:s6+s4], $0x2800, $0x38;
	[tilespmem:$0x5600] =	vst v63  }
0x50: {  	_ =	swait.ge [sflag:s22], $0x2800  }
0x51: {  	[sflag:s22] =	ssyncset.done $0x0  }
0x52: {  	[sflag:s22] =	ssyncadd.s32 $0xFFFFD800  }
0x53: {  	[bflag:$0x0] =	sbarrier.arrive $0xFFFF  }
0x54: {  	[spmem:s2] =	stream.indirect.scatter.add.f32 [tilespmem:s24], [sflag:$0x1], $0x1, s26, s23, $0xb8;
	[tilespmem:$0x5600] =	vst v63  }
0x55: {  	p1 =	por $0x1, $0x1;
	p2 =	sgt.u32 s7, $0x1  }
0x56: {  	[spmem:s3] =	stream.indirect.scatter.add.f32 [tilespmem:s24], [sflag:$0x1], $0x1, s28, s23, $0xb8;
	[tilespmem:$0x5600] =	vst v63  }
.Ltmp0:
0x57: {  	s29 =	simm.s32 @!p1 $0x1;
	(pc) =	sbr.rel @!p2 .LBB2_3-.Ltmp0, $4  }
0x58: {  	_ =	swait.ge @!p1 [sflag:s29], $0x80  }
0x59: {  	[sflag:s29] =	ssyncset.done @!p1 $0x0  }
0x5a: {  	[sflag:s29] =	ssyncadd.s32 @!p1 $0xFFFFFF80  }
0x5b: {  	s30 =	simm.s32 $0x2E80;
	s28 =	simm.s32 $0x1;
	_ =	swait.ge @!p1 [sflag:s29], $0x80  }
.LBB2_2:
0x5c: {  	[sflag:s29] =	ssyncset.done @!p1 $0x0  }
0x5d: {  	s26 =	sadd.s32 $0x80, s26;
	s31 =	smov.u32 s28;
	s28 =	sadd.s32 $0x1, s28  }
0x5e: {  	p2 =	slt.u32 s28, s7;
	[sflag:s29] =	ssyncadd.s32 @!p1 $0xFFFFFF80  }
0x5f: {  	[spmem:s2] =	stream.indirect.scatter.add.f32 [tilespmem:s24], [sflag:$0x1], $0x1, s26, s23, $0xb8;
	[tilespmem:$0x5600] =	vst v63  }
0x60: {  	p1 =	slt.u32 s31, $0x8  }
0x61: {  	[spmem:s3] =	stream.indirect.scatter.add.f32 [tilespmem:s24], [sflag:$0x1], $0x1, s30, s23, $0xb8;
	[tilespmem:$0x5600] =	vst v63  }
.Ltmp1:
0x62: {  	s29 =	simm.s32 @!p1 $0x1;
	(pc) =	sbr.rel @p2 .LBB2_2-.Ltmp1, $4  }
0x63: {  	_ =	swait.ge @!p1 [sflag:s29], $0x80  }
0x64: {  	[sflag:s29] =	ssyncset.done @!p1 $0x0  }
0x65: {  	[sflag:s29] =	ssyncadd.s32 @!p1 $0xFFFFFF80  }
0x66: {  	s30 =	sadd.s32 $0x80, s30;
	_ =	swait.ge @!p1 [sflag:s29], $0x80  }
.LBB2_3:
0x67: {  	[sflag:s29] =	ssyncset.done @!p1 $0x0  }
0x68: {  	s26 =	simm.s32 @!p0 $0x1;
	[sflag:s29] =	ssyncadd.s32 @!p1 $0xFFFFFF80  }
0x69: {  	_ =	swait.ge @!p0 [sflag:s26], $0x80  }
0x6a: {  	[sflag:s26] =	ssyncset.done @!p0 $0x0  }
0x6b: {  	[sflag:s26] =	ssyncadd.s32 @!p0 $0xFFFFFF80  }
0x6c: {  	_ =	swait.ge @!p0 [sflag:s26], $0x80  }
0x6d: {  	[sflag:s26] =	ssyncset.done @!p0 $0x0  }
0x6e: {  	[sflag:s26] =	ssyncadd.s32 @!p0 $0xFFFFFF80  }
0x6f: {  	_ =	swait.ge @!p0 [sflag:s26], $0x80  }
0x70: {  	[sflag:s26] =	ssyncset.done @!p0 $0x0  }
0x71: {  	[sflag:s26] =	ssyncadd.s32 @!p0 $0xFFFFFF80  }
0x72: {  	_ =	swait.ge @!p0 [sflag:s26], $0x80  }
0x73: {  	[sflag:s26] =	ssyncset.done @!p0 $0x0  }
0x74: {  	[sflag:s26] =	ssyncadd.s32 @!p0 $0xFFFFFF80  }
0x75: {  	_ =	swait.ge @!p0 [sflag:s26], $0x80  }
0x76: {  	[sflag:s26] =	ssyncset.done @!p0 $0x0  }
0x77: {  	[sflag:s26] =	ssyncadd.s32 @!p0 $0xFFFFFF80  }
0x78: {  	_ =	swait.ge @!p0 [sflag:s26], $0x80  }
0x79: {  	[sflag:s26] =	ssyncset.done @!p0 $0x0  }
0x7a: {  	[sflag:s26] =	ssyncadd.s32 @!p0 $0xFFFFFF80  }
0x7b: {  	_ =	swait.ge @!p0 [sflag:s26], $0x80  }
0x7c: {  	[sflag:s26] =	ssyncset.done @!p0 $0x0  }
0x7d: {  	[sflag:s26] =	ssyncadd.s32 @!p0 $0xFFFFFF80  }
0x7e: {  	_ =	swait.ge @!p0 [sflag:s26], $0x80  }
0x7f: {  	[sflag:s26] =	ssyncset.done @!p0 $0x0  }
0x80: {  	[sflag:s26] =	ssyncadd.s32 @!p0 $0xFFFFFF80  }
0x81: {  	_ =	swait.ge @!p0 [sflag:s26], $0x80  }
0x82: {  	[sflag:s26] =	ssyncset.done @!p0 $0x0  }
0x83: {  	[sflag:s26] =	ssyncadd.s32 @!p0 $0xFFFFFF80  }
0x84: {  	_ =	swait.ge @!p0 [sflag:s26], $0x80  }
0x85: {  	[sflag:s26] =	ssyncset.done @!p0 $0x0  }
0x86: {  	[sflag:s26] =	ssyncadd.s32 @!p0 $0xFFFFFF80  }
0x87: {  	_ =	swait.ge @!p0 [sflag:s26], $0x80  }
0x88: {  	[sflag:s26] =	ssyncset.done @!p0 $0x0  }
0x89: {  	[sflag:s26] =	ssyncadd.s32 @!p0 $0xFFFFFF80  }
0x8a: {  	_ =	swait.ge @!p0 [sflag:s26], $0x80  }
0x8b: {  	[sflag:s26] =	ssyncset.done @!p0 $0x0  }
0x8c: {  	[sflag:s26] =	ssyncadd.s32 @!p0 $0xFFFFFF80  }
0x8d: {  	_ =	swait.ge @!p0 [sflag:s26], $0x80  }
0x8e: {  	[sflag:s26] =	ssyncset.done @!p0 $0x0  }
0x8f: {  	[sflag:s26] =	ssyncadd.s32 @!p0 $0xFFFFFF80  }
0x90: {  	_ =	swait.ge @!p0 [sflag:s26], $0x80  }
0x91: {  	[sflag:s26] =	ssyncset.done @!p0 $0x0  }
0x92: {  	[sflag:s26] =	ssyncadd.s32 @!p0 $0xFFFFFF80  }
0x93: {  	_ =	swait.ge @!p0 [sflag:s26], $0x80  }
0x94: {  	[sflag:s26] =	ssyncset.done @!p0 $0x0  }
0x95: {  	[sflag:s26] =	ssyncadd.s32 @!p0 $0xFFFFFF80  }
0x96: {  	_ =	swait.ge @!p0 [sflag:s26], $0x80  }
0x97: {  	[sflag:s26] =	ssyncset.done @!p0 $0x0  }
0x98: {  	s30 =	sshll.u32 s0, $0x6;
	[sflag:s26] =	ssyncadd.s32 @!p0 $0xFFFFFF80  }
0x99: {  	s28 =	sshrl.u32 s9, $0x3;
	s26 =	sor.u32 $0x1C02, s30;
	[bflag:$0x0] =	sbarrier.arrive $0xFFFF  }
0x9a: {  	[hbm:s8], [sflag:s26] =	dma.local [spmem:s28], $0x50  }
0x9b: {  	s25 =	sadd.s32 $0x1, s25;
	_ =	swait.ge [sflag:s22], $0x50  }
0x9c: {  	p1 =	sne.s32 s25, s12;
	[sflag:s22] =	ssyncset.done $0x0  }
.Ltmp2:
0x9d: {  	s31 =	sshrl.u32 s11, $0x3;
	[sflag:s22] =	ssyncadd.s32 $0xFFFFFFB0;
	(pc) =	sbr.rel @p1 .LBB2_1-.Ltmp2, $4  }
0x9e: {  	[hbm:s10], [sflag:s26] =	dma.local [spmem:s31], $0x50  }
0x9f: {  	_ =	swait.ge [sflag:s22], $0x50  }
0xa0: {  	[sflag:s22] =	ssyncset.done $0x0  }
0xa1: {  	[sflag:s22] =	ssyncadd.s32 $0xFFFFFFB0  }
0xa2: {  	_ =	sfence.sel $0x180000  }
0xa3: {  	[bflag:$0x0] =	sbarrier.arrive $0xFFFF  }
0xa4: {  	p0 =	sne.s32 s0, $0x0;
	_ =	strace $0x90000047  }
0xa5: {  	s0 =	sadd.s32 @!p0 $0x100000, s1;
	[bflag:$0x2] =	sbarrier.arrive $0xFFFF  }
0xa6: {  	[sflag:s0] =	ssyncadd.tile.s32 @!p0 $0x1;
	_ =	shalt  }
.Lfunc_end2:
_tile_overlayer_lowered:
.L_overlay_start_2:
0xa7: {  	(tag) =	ssettag $0x2  }
0xa8: {  	s0 =	rddreg [dreg:$0x0];
	s2 =	stileid.u32  }
0xa9: {  	s1 =	rddreg [dreg:$0x1];
	p0 =	sne.s32 s2, $0x0  }
0xaa: {  	s3 =	rddreg [dreg:$0x2];
	[bflag:$0x3] =	sbarrier.arrive $0xFFFF;
	s2 =	simm.s32 @!p0 $0x1C02  }
0xab: {  	[timem:s3], [sflag:s2] =	dma.local @!p0 [hbm:s0], s1  }
0xac: {  	s0 =	simm.s32 @!p0 $0x2  }
0xad: {  	_ =	swait.ge @!p0 [sflag:s0], s1  }
0xae: {  	s1 =	ssub.s32 @!p0 $0x0, s1;
	[sflag:s0] =	ssyncset.done @!p0 $0x0  }
0xaf: {  	[sflag:s0] =	ssyncadd.s32 @!p0 s1  }
0xb0: {  	[bflag:$0x3] =	sbarrier.arrive $0xFFFF  }
0xb1: {  	_ =	shalt  }

</sc_bundles>
